<compile_context>
chip_gen: v7x
topology: tpu7x:2x2x1
jax: 0.10.2.dev20260603
libtpu: 0.0.44.dev20260713+nightly
codegen_flags: <defaults>
</compile_context>

<pallas_src>
import jax
import jax.numpy as jnp
from jax import lax
from jax.experimental import pallas as pl
from jax.experimental.pallas import tpu as pltpu
from jax.experimental.pallas import tpu_sc as plsc

R, C = 32, 8192
N = R * C
K = N // 4
EPS = 1e-07
NT = 16
PER = N // NT
L = 16
NV = PER // L
NB = 128


def _loss_keys_body(pred_ref, targ_ref, key_ref):
    p = pred_ref[...]
    t = targ_ref[...]
    loss = jnp.maximum(p, 0.0) - p * t + jnp.log1p(jnp.exp(-jnp.abs(p)))
    bits = lax.bitcast_convert_type(loss, jnp.uint32)
    sign = bits >> jnp.uint32(31)
    flip = (jnp.uint32(0) - sign) | jnp.uint32(0x80000000)
    key_ref[...] = bits ^ flip


NW = NB * L


def _hist_pass(keys_v, hist_v, tmp_v, btot_sm, slots_hbm, sem, wid, shift,
               dmask, pshift, pref, r):
    zeros = jnp.zeros((L,), jnp.int32)
    ones = jnp.ones((L,), jnp.int32)

    @plsc.parallel_loop(0, NB, unroll=8)
    def _zero(j):
        hist_v[pl.ds(j * L, L)] = zeros

    @plsc.parallel_loop(0, NV // 4, unroll=2)
    def _accum(i):
        for u in range(4):
            kv = keys_v[pl.ds((4 * i + u) * L, L)]
            digit = lax.convert_element_type((kv >> jnp.uint32(shift))
                                             & jnp.uint32(dmask), jnp.int32)
            if pshift is None:
                plsc.addupdate_scatter(hist_v, [digit], ones)
            else:
                m = (kv >> jnp.uint32(pshift)) == jnp.uint32(pref)
                plsc.addupdate_scatter(hist_v, [digit], ones, mask=m)

    pltpu.sync_copy(hist_v, slots_hbm.at[pl.ds(wid * NW, NW)])
    plsc.subcore_barrier()
    pltpu.sync_copy(slots_hbm, tmp_v)
    plsc.subcore_barrier()

    @plsc.parallel_loop(0, NB, unroll=2)
    def _merge(j):
        acc = tmp_v[pl.ds(j * L, L)]
        for t in range(1, NT):
            acc = acc + tmp_v[pl.ds(t * NW + j * L, L)]
        hist_v[pl.ds(j * L, L)] = acc
        btot_sm[j] = jnp.sum(acc)

    def _scana(i, carry):
        s, found, jstar, sbef = carry
        j = NB - 1 - i
        t = btot_sm[j]
        cross = (found == 0) & ((s + t) >= r)
        jstar = jnp.where(cross, j, jstar)
        sbef = jnp.where(cross, s, sbef)
        found = found | cross.astype(jnp.int32)
        return s + t, found, jstar, sbef

    zi = jnp.int32(0)
    _, _, jstar, sbef = lax.fori_loop(0, NB, _scana, (zi, zi, zi, zi))

    v = hist_v[pl.ds(jstar * L, L)]
    rv = lax.rev(v, (0,))
    cum = jnp.cumsum(rv)
    m = (sbef + cum) >= r
    pc = jnp.max(plsc.all_reduce_population_count(m))
    d_star = L * jstar + pc - 1
    above = sbef + jnp.sum(jnp.where(m, 0, rv))
    return d_star, above


def _sc_body(key_hbm, out_hbm, slots_hbm, pf_hbm, pi_hbm, keys_v, hist_v,
             tmp_v, vec_f, vec_i, gat_f, gat_i, btot_sm, sem):
    wid = lax.axis_index("s")
    base = wid * PER
    pltpu.sync_copy(key_hbm.at[pl.ds(base, PER)], keys_v)

    r = jnp.int32(K)
    d1, a1 = _hist_pass(keys_v, hist_v, tmp_v, btot_sm, slots_hbm, sem, wid,
                        21, 0x7FF, None, None, r)
    r = r - a1
    p11 = d1
    d2, a2 = _hist_pass(keys_v, hist_v, tmp_v, btot_sm, slots_hbm, sem, wid,
                        10, 0x7FF, 21, p11, r)
    r = r - a2
    p21 = (p11 << 11) | d2
    d3, _ = _hist_pass(keys_v, hist_v, tmp_v, btot_sm, slots_hbm, sem, wid,
                       0, 0x3FF, 10, p21, r)
    thresh = lax.convert_element_type((p21 << 10) | d3, jnp.uint32)

    U = 4

    def _reduce(i, carry):
        accs = list(carry)
        for u in range(U):
            kv = keys_v[pl.ds((i * U + u) * L, L)]
            sign = kv >> jnp.uint32(31)
            flip = jnp.uint32(0xFFFFFFFF) ^ (sign * jnp.uint32(0x7FFFFFFF))
            lossv = plsc.bitcast(kv ^ flip, jnp.float32)
            m = kv >= thresh
            accs[2 * u] = accs[2 * u] + jnp.where(m, lossv, 0.0)
            accs[2 * u + 1] = accs[2 * u + 1] + jnp.where(m, 1, 0)
        return tuple(accs)

    init = []
    for u in range(U):
        init.append(jnp.zeros((L,), jnp.float32))
        init.append(jnp.zeros((L,), jnp.int32))
    accs = lax.fori_loop(0, NV // U, _reduce, tuple(init))
    acc_s = accs[0] + accs[2] + accs[4] + accs[6]
    acc_c = accs[1] + accs[3] + accs[5] + accs[7]
    vec_f[...] = acc_s
    vec_i[...] = acc_c
    pltpu.sync_copy(vec_f, pf_hbm.at[wid])
    pltpu.sync_copy(vec_i, pi_hbm.at[wid])
    plsc.subcore_barrier()
    pltpu.sync_copy(pf_hbm, gat_f)
    pltpu.sync_copy(pi_hbm, gat_i)
    tot_f = jnp.zeros((L,), jnp.float32)
    tot_i = jnp.zeros((L,), jnp.int32)
    for t in range(NT):
        tot_f = tot_f + gat_f[t]
        tot_i = tot_i + gat_i[t]
    s = jnp.sum(tot_f)
    cnt = lax.convert_element_type(jnp.sum(tot_i), jnp.float32)
    res = jnp.broadcast_to(s, (L,)) / (jnp.broadcast_to(cnt, (L,)) + EPS)
    vec_f[...] = res

    @pl.when(wid == 0)
    def _():
        pltpu.sync_copy(vec_f, out_hbm)


_sc_select = pl.kernel(
    _sc_body,
    out_type=(jax.ShapeDtypeStruct((L,), jnp.float32),
              jax.ShapeDtypeStruct((NT * NB * L,), jnp.int32),
              jax.ShapeDtypeStruct((NT, L), jnp.float32),
              jax.ShapeDtypeStruct((NT, L), jnp.int32)),
    mesh=plsc.VectorSubcoreMesh(core_axis_name="c", subcore_axis_name="s",
                                num_cores=1),
    compiler_params=pltpu.CompilerParams(needs_layout_passes=False),
    scratch_types=[
        pltpu.VMEM((PER,), jnp.uint32),
        pltpu.VMEM((NB * L,), jnp.int32),
        pltpu.VMEM((NT * NB * L,), jnp.int32),
        pltpu.VMEM((L,), jnp.float32),
        pltpu.VMEM((L,), jnp.int32),
        pltpu.VMEM((NT, L), jnp.float32),
        pltpu.VMEM((NT, L), jnp.int32),
        pltpu.SMEM((NB,), jnp.int32),
        pltpu.SemaphoreType.DMA,
    ],
)


@jax.jit
def kernel(pred, target):
    keys = pl.pallas_call(
        _loss_keys_body,
        out_shape=jax.ShapeDtypeStruct((R, C), jnp.uint32),
    )(pred, target)
    out = _sc_select(keys.reshape(N))[0]
    return out[0]

# --- scband reference (transcript-rebuilt; emitter-appended) ---
"""Pipeline reference for scband-bcewith-logits-loss-with-ohem-1580547967010 (READ-ONLY COPY).

The authoritative reference and input builder live on the scoring server;
editing this copy changes nothing except your own understanding.
"""

import jax, jax.numpy as jnp
import numpy as np

OHEM_RATIO = 0.25
EPS = 1e-07


def setup_inputs(seed: int = 0) -> dict:
    key = jax.random.key(seed)
    k1, k2 = jax.random.split(key)
    pred = jax.random.normal(k1, (32, 8192), dtype=jnp.float32)
    target = jax.random.uniform(k2, (32, 8192), dtype=jnp.float32)
    return {"pred": pred, "target": target}


def _bce_with_logits(pred, target):
    # numerically stable BCE with logits, reduction='none', no pos_weight
    return jnp.maximum(pred, 0.0) - pred * target + jnp.log1p(jnp.exp(-jnp.abs(pred)))


def reference(pred, target):
    loss = _bce_with_logits(pred, target)
    n = loss.size
    k = int(n * OHEM_RATIO)
    values, _ = jax.lax.top_k(loss.reshape(-1), k)
    thresh = values[-1]
    mask = (loss >= thresh).astype(jnp.float32)
    masked = loss * mask
    return jnp.sum(masked) / (jnp.sum(mask) + EPS)

if __name__ == "__main__":
    import jax
    _d = setup_inputs()
    print(jax.jit(kernel)(*tuple(_d.values())))

</pallas_src>

<mosaic_0001>
#map = affine_map<(d0, d1) -> (0)>
#map1 = affine_map<(d0, d1) -> (0, 0)>
module attributes {stable_mosaic.version = 14 : i64} {
  func.func @_sc_body(%arg0: i32, %arg1: i32, %arg2: memref<262144xi32, #tpu.memory_space<hbm>>, %arg3: memref<16xf32, #tpu.memory_space<hbm>>, %arg4: memref<32768xi32, #tpu.memory_space<hbm>>, %arg5: memref<16x16xf32, #tpu.memory_space<hbm>>, %arg6: memref<16x16xi32, #tpu.memory_space<hbm>>, %arg7: memref<16384xi32, #tpu.memory_space<vmem>>, %arg8: memref<2048xi32, #tpu.memory_space<vmem>>, %arg9: memref<32768xi32, #tpu.memory_space<vmem>>, %arg10: memref<16xf32, #tpu.memory_space<vmem>>, %arg11: memref<16xi32, #tpu.memory_space<vmem>>, %arg12: memref<16x16xf32, #tpu.memory_space<vmem>>, %arg13: memref<16x16xi32, #tpu.memory_space<vmem>>, %arg14: memref<128xi32, #tpu.memory_space<smem>>, %arg15: memref<!tpu.dma_semaphore, #tpu.memory_space<semaphore_mem>>) attributes {dimension_semantics = [#tpu.dimension_semantics<core_parallel>, #tpu.dimension_semantics<subcore_parallel>], iteration_bounds = array<i64: 1, 16>, scalar_prefetch = 0 : i64, scratch_operands = 9 : i64, tpu.core_type = #tpu.core_type<sc_vector_subcore>, window_params = [{transform_indices = #map}, {transform_indices = #map}, {transform_indices = #map}, {transform_indices = #map1}, {transform_indices = #map1}]} {
    %mul3A = arith.constant 16384 : i32
    %mul3A_0 = arith.muli %arg1, %mul3A : i32
    "tpu.region"() ({
      %run_scoped3A = tpu.sem_alloc : memref<!tpu.dma_semaphore, #tpu.memory_space<semaphore_mem>>
      %dma_start3A = tpu.memref_slice %arg2[%mul3A_0] : memref<262144xi32, #tpu.memory_space<hbm>> -> memref<16384xi32, #tpu.memory_space<hbm>>
      %dma_start3A_404 = tpu.memref_slice %arg2[%mul3A_0] : memref<262144xi32, #tpu.memory_space<hbm>> -> memref<16384xi32, #tpu.memory_space<hbm>>
      tpu.enqueue_dma source(%dma_start3A_404 : memref<16384xi32, #tpu.memory_space<hbm>>) target(%arg7 : memref<16384xi32, #tpu.memory_space<vmem>>) target_semaphore(%run_scoped3A : memref<!tpu.dma_semaphore, #tpu.memory_space<semaphore_mem>>)
      %dma_wait3A = tpu.memref_slice %arg2[%mul3A_0] : memref<262144xi32, #tpu.memory_space<hbm>> -> memref<16384xi32, #tpu.memory_space<hbm>>
      %dma_wait3A_405 = tpu.memref_slice %arg2[%mul3A_0] : memref<262144xi32, #tpu.memory_space<hbm>> -> memref<16384xi32, #tpu.memory_space<hbm>>
      tpu.wait_dma2 semaphore(%run_scoped3A : memref<!tpu.dma_semaphore, #tpu.memory_space<semaphore_mem>>) src(%dma_wait3A_405 : memref<16384xi32, #tpu.memory_space<hbm>>) dst(%arg7 : memref<16384xi32, #tpu.memory_space<vmem>>)
      tpu.yield
    }) : () -> ()
    %broadcast_in_dim3A = arith.constant 0 : i32
    %broadcast_in_dim3A_1 = vector.broadcast %broadcast_in_dim3A : i32 to vector<16xi32>
    %broadcast_in_dim3A_2 = arith.constant 1 : i32
    %broadcast_in_dim3A_3 = vector.broadcast %broadcast_in_dim3A_2 : i32 to vector<16xi32>
    %parallel_loop3A = arith.constant 0 : i32
    %parallel_loop3A_4 = arith.constant 128 : i32
    %parallel_loop3A_5 = arith.constant 1 : i32
    scf.for %parallel_loop3A_404 = %parallel_loop3A to %parallel_loop3A_4 step %parallel_loop3A_5  : i32 {
      %parallel_loop3A_405 = arith.constant 16 : i32
      %parallel_loop3A_406 = arith.muli %parallel_loop3A_404, %parallel_loop3A_405 : i32
      %parallel_loop3A_407 = arith.index_cast %parallel_loop3A_406 : i32 to index
      %parallel_loop3A_408 = tpu.vector_load %arg8[%parallel_loop3A_407] {strides = array<i32>} : memref<2048xi32, #tpu.memory_space<vmem>>, vector<16xi32>,
      tpu.vector_store %arg8[%parallel_loop3A_407], %broadcast_in_dim3A_1 {strides = array<i32>} : memref<2048xi32, #tpu.memory_space<vmem>>, vector<16xi32>,
    } {sc.loop_unroll_factor = 8 : i64, sc.parallel_access}
    %parallel_loop3A_6 = arith.constant 0 : i32
    %parallel_loop3A_7 = arith.constant 256 : i32
    %parallel_loop3A_8 = arith.constant 1 : i32
    scf.for %parallel_loop3A_404 = %parallel_loop3A_6 to %parallel_loop3A_7 step %parallel_loop3A_8  : i32 {
      %parallel_loop3A_405 = arith.constant 4 : i32
      %parallel_loop3A_406 = arith.muli %parallel_loop3A_405, %parallel_loop3A_404 : i32
      %parallel_loop3A_407 = arith.constant 0 : i32
      %parallel_loop3A_408 = arith.addi %parallel_loop3A_406, %parallel_loop3A_407 : i32
      %parallel_loop3A_409 = arith.constant 16 : i32
      %parallel_loop3A_410 = arith.muli %parallel_loop3A_408, %parallel_loop3A_409 : i32
      %parallel_loop3A_411 = arith.index_cast %parallel_loop3A_410 : i32 to index
      %parallel_loop3A_412 = tpu.vector_load %arg7[%parallel_loop3A_411] {strides = array<i32>} : memref<16384xi32, #tpu.memory_space<vmem>>, vector<16xi32>,
      %parallel_loop3A_413 = arith.constant 21 : i32
      %parallel_loop3A_414 = vector.broadcast %parallel_loop3A_413 : i32 to vector<16xi32>
      %parallel_loop3A_415 = arith.shrui %parallel_loop3A_412, %parallel_loop3A_414 : vector<16xi32>
      %parallel_loop3A_416 = arith.constant 2047 : i32
      %parallel_loop3A_417 = vector.broadcast %parallel_loop3A_416 : i32 to vector<16xi32>
      %parallel_loop3A_418 = arith.andi %parallel_loop3A_415, %parallel_loop3A_417 : vector<16xi32>
      tpu.vector_store_idx %arg8[%parallel_loop3A_418], %broadcast_in_dim3A_3 {add = true} : memref<2048xi32, #tpu.memory_space<vmem>>[vector<16xi32>], vector<16xi32>,
      %parallel_loop3A_419 = arith.constant 4 : i32
      %parallel_loop3A_420 = arith.muli %parallel_loop3A_419, %parallel_loop3A_404 : i32
      %parallel_loop3A_421 = arith.constant 1 : i32
      %parallel_loop3A_422 = arith.addi %parallel_loop3A_420, %parallel_loop3A_421 : i32
      %parallel_loop3A_423 = arith.constant 16 : i32
      %parallel_loop3A_424 = arith.muli %parallel_loop3A_422, %parallel_loop3A_423 : i32
      %parallel_loop3A_425 = arith.index_cast %parallel_loop3A_424 : i32 to index
      %parallel_loop3A_426 = tpu.vector_load %arg7[%parallel_loop3A_425] {strides = array<i32>} : memref<16384xi32, #tpu.memory_space<vmem>>, vector<16xi32>,
      %parallel_loop3A_427 = arith.constant 21 : i32
      %parallel_loop3A_428 = vector.broadcast %parallel_loop3A_427 : i32 to vector<16xi32>
      %parallel_loop3A_429 = arith.shrui %parallel_loop3A_426, %parallel_loop3A_428 : vector<16xi32>
      %parallel_loop3A_430 = arith.constant 2047 : i32
      %parallel_loop3A_431 = vector.broadcast %parallel_loop3A_430 : i32 to vector<16xi32>
      %parallel_loop3A_432 = arith.andi %parallel_loop3A_429, %parallel_loop3A_431 : vector<16xi32>
      tpu.vector_store_idx %arg8[%parallel_loop3A_432], %broadcast_in_dim3A_3 {add = true} : memref<2048xi32, #tpu.memory_space<vmem>>[vector<16xi32>], vector<16xi32>,
      %parallel_loop3A_433 = arith.constant 4 : i32
      %parallel_loop3A_434 = arith.muli %parallel_loop3A_433, %parallel_loop3A_404 : i32
      %parallel_loop3A_435 = arith.constant 2 : i32
      %parallel_loop3A_436 = arith.addi %parallel_loop3A_434, %parallel_loop3A_435 : i32
      %parallel_loop3A_437 = arith.constant 16 : i32
      %parallel_loop3A_438 = arith.muli %parallel_loop3A_436, %parallel_loop3A_437 : i32
      %parallel_loop3A_439 = arith.index_cast %parallel_loop3A_438 : i32 to index
      %parallel_loop3A_440 = tpu.vector_load %arg7[%parallel_loop3A_439] {strides = array<i32>} : memref<16384xi32, #tpu.memory_space<vmem>>, vector<16xi32>,
      %parallel_loop3A_441 = arith.constant 21 : i32
      %parallel_loop3A_442 = vector.broadcast %parallel_loop3A_441 : i32 to vector<16xi32>
      %parallel_loop3A_443 = arith.shrui %parallel_loop3A_440, %parallel_loop3A_442 : vector<16xi32>
      %parallel_loop3A_444 = arith.constant 2047 : i32
      %parallel_loop3A_445 = vector.broadcast %parallel_loop3A_444 : i32 to vector<16xi32>
      %parallel_loop3A_446 = arith.andi %parallel_loop3A_443, %parallel_loop3A_445 : vector<16xi32>
      tpu.vector_store_idx %arg8[%parallel_loop3A_446], %broadcast_in_dim3A_3 {add = true} : memref<2048xi32, #tpu.memory_space<vmem>>[vector<16xi32>], vector<16xi32>,
      %parallel_loop3A_447 = arith.constant 4 : i32
      %parallel_loop3A_448 = arith.muli %parallel_loop3A_447, %parallel_loop3A_404 : i32
      %parallel_loop3A_449 = arith.constant 3 : i32
      %parallel_loop3A_450 = arith.addi %parallel_loop3A_448, %parallel_loop3A_449 : i32
      %parallel_loop3A_451 = arith.constant 16 : i32
      %parallel_loop3A_452 = arith.muli %parallel_loop3A_450, %parallel_loop3A_451 : i32
      %parallel_loop3A_453 = arith.index_cast %parallel_loop3A_452 : i32 to index
      %parallel_loop3A_454 = tpu.vector_load %arg7[%parallel_loop3A_453] {strides = array<i32>} : memref<16384xi32, #tpu.memory_space<vmem>>, vector<16xi32>,
      %parallel_loop3A_455 = arith.constant 21 : i32
      %parallel_loop3A_456 = vector.broadcast %parallel_loop3A_455 : i32 to vector<16xi32>
      %parallel_loop3A_457 = arith.shrui %parallel_loop3A_454, %parallel_loop3A_456 : vector<16xi32>
      %parallel_loop3A_458 = arith.constant 2047 : i32
      %parallel_loop3A_459 = vector.broadcast %parallel_loop3A_458 : i32 to vector<16xi32>
      %parallel_loop3A_460 = arith.andi %parallel_loop3A_457, %parallel_loop3A_459 : vector<16xi32>
      tpu.vector_store_idx %arg8[%parallel_loop3A_460], %broadcast_in_dim3A_3 {add = true} : memref<2048xi32, #tpu.memory_space<vmem>>[vector<16xi32>], vector<16xi32>,
    } {sc.loop_unroll_factor = 2 : i64, sc.parallel_access}
    %mul3A_9 = arith.constant 2048 : i32
    %mul3A_10 = arith.muli %arg1, %mul3A_9 : i32
    "tpu.region"() ({
      %run_scoped3A = tpu.sem_alloc : memref<!tpu.dma_semaphore, #tpu.memory_space<semaphore_mem>>
      %dma_start3A = tpu.memref_slice %arg4[%mul3A_10] : memref<32768xi32, #tpu.memory_space<hbm>> -> memref<2048xi32, #tpu.memory_space<hbm>>
      %dma_start3A_404 = tpu.memref_slice %arg4[%mul3A_10] : memref<32768xi32, #tpu.memory_space<hbm>> -> memref<2048xi32, #tpu.memory_space<hbm>>
      tpu.enqueue_dma source(%arg8 : memref<2048xi32, #tpu.memory_space<vmem>>) target(%dma_start3A_404 : memref<2048xi32, #tpu.memory_space<hbm>>) target_semaphore(%run_scoped3A : memref<!tpu.dma_semaphore, #tpu.memory_space<semaphore_mem>>)
      %dma_wait3A = tpu.memref_slice %arg4[%mul3A_10] : memref<32768xi32, #tpu.memory_space<hbm>> -> memref<2048xi32, #tpu.memory_space<hbm>>
      %dma_wait3A_405 = tpu.memref_slice %arg4[%mul3A_10] : memref<32768xi32, #tpu.memory_space<hbm>> -> memref<2048xi32, #tpu.memory_space<hbm>>
      tpu.wait_dma2 semaphore(%run_scoped3A : memref<!tpu.dma_semaphore, #tpu.memory_space<semaphore_mem>>) src(%arg8 : memref<2048xi32, #tpu.memory_space<vmem>>) dst(%dma_wait3A_405 : memref<2048xi32, #tpu.memory_space<hbm>>)
      tpu.yield
    }) : () -> ()
    %barrier3A = arith.constant 0 : index
    tpu.barrier barrier_id(%barrier3A)
    "tpu.region"() ({
      %run_scoped3A = tpu.sem_alloc : memref<!tpu.dma_semaphore, #tpu.memory_space<semaphore_mem>>
      tpu.enqueue_dma source(%arg4 : memref<32768xi32, #tpu.memory_space<hbm>>) target(%arg9 : memref<32768xi32, #tpu.memory_space<vmem>>) target_semaphore(%run_scoped3A : memref<!tpu.dma_semaphore, #tpu.memory_space<semaphore_mem>>)
      tpu.wait_dma2 semaphore(%run_scoped3A : memref<!tpu.dma_semaphore, #tpu.memory_space<semaphore_mem>>) src(%arg4 : memref<32768xi32, #tpu.memory_space<hbm>>) dst(%arg9 : memref<32768xi32, #tpu.memory_space<vmem>>)
      tpu.yield
    }) : () -> ()
    %barrier3A_11 = arith.constant 0 : index
    tpu.barrier barrier_id(%barrier3A_11)
    %parallel_loop3A_12 = arith.constant 0 : i32
    %parallel_loop3A_13 = arith.constant 128 : i32
    %parallel_loop3A_14 = arith.constant 1 : i32
    scf.for %parallel_loop3A_404 = %parallel_loop3A_12 to %parallel_loop3A_13 step %parallel_loop3A_14  : i32 {
      %parallel_loop3A_405 = arith.constant 16 : i32
      %parallel_loop3A_406 = arith.muli %parallel_loop3A_404, %parallel_loop3A_405 : i32
      %parallel_loop3A_407 = arith.index_cast %parallel_loop3A_406 : i32 to index
      %parallel_loop3A_408 = tpu.vector_load %arg9[%parallel_loop3A_407] {strides = array<i32>} : memref<32768xi32, #tpu.memory_space<vmem>>, vector<16xi32>,
      %parallel_loop3A_409 = arith.constant 16 : i32
      %parallel_loop3A_410 = arith.muli %parallel_loop3A_404, %parallel_loop3A_409 : i32
      %parallel_loop3A_411 = arith.constant 2048 : i32
      %parallel_loop3A_412 = arith.addi %parallel_loop3A_411, %parallel_loop3A_410 : i32
      %parallel_loop3A_413 = arith.index_cast %parallel_loop3A_412 : i32 to index
      %parallel_loop3A_414 = tpu.vector_load %arg9[%parallel_loop3A_413] {strides = array<i32>} : memref<32768xi32, #tpu.memory_space<vmem>>, vector<16xi32>,
      %parallel_loop3A_415 = arith.addi %parallel_loop3A_408, %parallel_loop3A_414 : vector<16xi32>
      %parallel_loop3A_416 = arith.constant 16 : i32
      %parallel_loop3A_417 = arith.muli %parallel_loop3A_404, %parallel_loop3A_416 : i32
      %parallel_loop3A_418 = arith.constant 4096 : i32
      %parallel_loop3A_419 = arith.addi %parallel_loop3A_418, %parallel_loop3A_417 : i32
      %parallel_loop3A_420 = arith.index_cast %parallel_loop3A_419 : i32 to index
      %parallel_loop3A_421 = tpu.vector_load %arg9[%parallel_loop3A_420] {strides = array<i32>} : memref<32768xi32, #tpu.memory_space<vmem>>, vector<16xi32>,
      %parallel_loop3A_422 = arith.addi %parallel_loop3A_415, %parallel_loop3A_421 : vector<16xi32>
      %parallel_loop3A_423 = arith.constant 16 : i32
      %parallel_loop3A_424 = arith.muli %parallel_loop3A_404, %parallel_loop3A_423 : i32
      %parallel_loop3A_425 = arith.constant 6144 : i32
      %parallel_loop3A_426 = arith.addi %parallel_loop3A_425, %parallel_loop3A_424 : i32
      %parallel_loop3A_427 = arith.index_cast %parallel_loop3A_426 : i32 to index
      %parallel_loop3A_428 = tpu.vector_load %arg9[%parallel_loop3A_427] {strides = array<i32>} : memref<32768xi32, #tpu.memory_space<vmem>>, vector<16xi32>,
      %parallel_loop3A_429 = arith.addi %parallel_loop3A_422, %parallel_loop3A_428 : vector<16xi32>
      %parallel_loop3A_430 = arith.constant 16 : i32
      %parallel_loop3A_431 = arith.muli %parallel_loop3A_404, %parallel_loop3A_430 : i32
      %parallel_loop3A_432 = arith.constant 8192 : i32
      %parallel_loop3A_433 = arith.addi %parallel_loop3A_432, %parallel_loop3A_431 : i32
      %parallel_loop3A_434 = arith.index_cast %parallel_loop3A_433 : i32 to index
      %parallel_loop3A_435 = tpu.vector_load %arg9[%parallel_loop3A_434] {strides = array<i32>} : memref<32768xi32, #tpu.memory_space<vmem>>, vector<16xi32>,
      %parallel_loop3A_436 = arith.addi %parallel_loop3A_429, %parallel_loop3A_435 : vector<16xi32>
      %parallel_loop3A_437 = arith.constant 16 : i32
      %parallel_loop3A_438 = arith.muli %parallel_loop3A_404, %parallel_loop3A_437 : i32
      %parallel_loop3A_439 = arith.constant 10240 : i32
      %parallel_loop3A_440 = arith.addi %parallel_loop3A_439, %parallel_loop3A_438 : i32
      %parallel_loop3A_441 = arith.index_cast %parallel_loop3A_440 : i32 to index
      %parallel_loop3A_442 = tpu.vector_load %arg9[%parallel_loop3A_441] {strides = array<i32>} : memref<32768xi32, #tpu.memory_space<vmem>>, vector<16xi32>,
      %parallel_loop3A_443 = arith.addi %parallel_loop3A_436, %parallel_loop3A_442 : vector<16xi32>
      %parallel_loop3A_444 = arith.constant 16 : i32
      %parallel_loop3A_445 = arith.muli %parallel_loop3A_404, %parallel_loop3A_444 : i32
      %parallel_loop3A_446 = arith.constant 12288 : i32
      %parallel_loop3A_447 = arith.addi %parallel_loop3A_446, %parallel_loop3A_445 : i32
      %parallel_loop3A_448 = arith.index_cast %parallel_loop3A_447 : i32 to index
      %parallel_loop3A_449 = tpu.vector_load %arg9[%parallel_loop3A_448] {strides = array<i32>} : memref<32768xi32, #tpu.memory_space<vmem>>, vector<16xi32>,
      %parallel_loop3A_450 = arith.addi %parallel_loop3A_443, %parallel_loop3A_449 : vector<16xi32>
      %parallel_loop3A_451 = arith.constant 16 : i32
      %parallel_loop3A_452 = arith.muli %parallel_loop3A_404, %parallel_loop3A_451 : i32
      %parallel_loop3A_453 = arith.constant 14336 : i32
      %parallel_loop3A_454 = arith.addi %parallel_loop3A_453, %parallel_loop3A_452 : i32
      %parallel_loop3A_455 = arith.index_cast %parallel_loop3A_454 : i32 to index
      %parallel_loop3A_456 = tpu.vector_load %arg9[%parallel_loop3A_455] {strides = array<i32>} : memref<32768xi32, #tpu.memory_space<vmem>>, vector<16xi32>,
      %parallel_loop3A_457 = arith.addi %parallel_loop3A_450, %parallel_loop3A_456 : vector<16xi32>
      %parallel_loop3A_458 = arith.constant 16 : i32
      %parallel_loop3A_459 = arith.muli %parallel_loop3A_404, %parallel_loop3A_458 : i32
      %parallel_loop3A_460 = arith.constant 16384 : i32
      %parallel_loop3A_461 = arith.addi %parallel_loop3A_460, %parallel_loop3A_459 : i32
      %parallel_loop3A_462 = arith.index_cast %parallel_loop3A_461 : i32 to index
      %parallel_loop3A_463 = tpu.vector_load %arg9[%parallel_loop3A_462] {strides = array<i32>} : memref<32768xi32, #tpu.memory_space<vmem>>, vector<16xi32>,
      %parallel_loop3A_464 = arith.addi %parallel_loop3A_457, %parallel_loop3A_463 : vector<16xi32>
      %parallel_loop3A_465 = arith.constant 16 : i32
      %parallel_loop3A_466 = arith.muli %parallel_loop3A_404, %parallel_loop3A_465 : i32
      %parallel_loop3A_467 = arith.constant 18432 : i32
      %parallel_loop3A_468 = arith.addi %parallel_loop3A_467, %parallel_loop3A_466 : i32
      %parallel_loop3A_469 = arith.index_cast %parallel_loop3A_468 : i32 to index
      %parallel_loop3A_470 = tpu.vector_load %arg9[%parallel_loop3A_469] {strides = array<i32>} : memref<32768xi32, #tpu.memory_space<vmem>>, vector<16xi32>,
      %parallel_loop3A_471 = arith.addi %parallel_loop3A_464, %parallel_loop3A_470 : vector<16xi32>
      %parallel_loop3A_472 = arith.constant 16 : i32
      %parallel_loop3A_473 = arith.muli %parallel_loop3A_404, %parallel_loop3A_472 : i32
      %parallel_loop3A_474 = arith.constant 20480 : i32
      %parallel_loop3A_475 = arith.addi %parallel_loop3A_474, %parallel_loop3A_473 : i32
      %parallel_loop3A_476 = arith.index_cast %parallel_loop3A_475 : i32 to index
      %parallel_loop3A_477 = tpu.vector_load %arg9[%parallel_loop3A_476] {strides = array<i32>} : memref<32768xi32, #tpu.memory_space<vmem>>, vector<16xi32>,
      %parallel_loop3A_478 = arith.addi %parallel_loop3A_471, %parallel_loop3A_477 : vector<16xi32>
      %parallel_loop3A_479 = arith.constant 16 : i32
      %parallel_loop3A_480 = arith.muli %parallel_loop3A_404, %parallel_loop3A_479 : i32
      %parallel_loop3A_481 = arith.constant 22528 : i32
      %parallel_loop3A_482 = arith.addi %parallel_loop3A_481, %parallel_loop3A_480 : i32
      %parallel_loop3A_483 = arith.index_cast %parallel_loop3A_482 : i32 to index
      %parallel_loop3A_484 = tpu.vector_load %arg9[%parallel_loop3A_483] {strides = array<i32>} : memref<32768xi32, #tpu.memory_space<vmem>>, vector<16xi32>,
      %parallel_loop3A_485 = arith.addi %parallel_loop3A_478, %parallel_loop3A_484 : vector<16xi32>
      %parallel_loop3A_486 = arith.constant 16 : i32
      %parallel_loop3A_487 = arith.muli %parallel_loop3A_404, %parallel_loop3A_486 : i32
      %parallel_loop3A_488 = arith.constant 24576 : i32
      %parallel_loop3A_489 = arith.addi %parallel_loop3A_488, %parallel_loop3A_487 : i32
      %parallel_loop3A_490 = arith.index_cast %parallel_loop3A_489 : i32 to index
      %parallel_loop3A_491 = tpu.vector_load %arg9[%parallel_loop3A_490] {strides = array<i32>} : memref<32768xi32, #tpu.memory_space<vmem>>, vector<16xi32>,
      %parallel_loop3A_492 = arith.addi %parallel_loop3A_485, %parallel_loop3A_491 : vector<16xi32>
      %parallel_loop3A_493 = arith.constant 16 : i32
      %parallel_loop3A_494 = arith.muli %parallel_loop3A_404, %parallel_loop3A_493 : i32
      %parallel_loop3A_495 = arith.constant 26624 : i32
      %parallel_loop3A_496 = arith.addi %parallel_loop3A_495, %parallel_loop3A_494 : i32
      %parallel_loop3A_497 = arith.index_cast %parallel_loop3A_496 : i32 to index
      %parallel_loop3A_498 = tpu.vector_load %arg9[%parallel_loop3A_497] {strides = array<i32>} : memref<32768xi32, #tpu.memory_space<vmem>>, vector<16xi32>,
      %parallel_loop3A_499 = arith.addi %parallel_loop3A_492, %parallel_loop3A_498 : vector<16xi32>
      %parallel_loop3A_500 = arith.constant 16 : i32
      %parallel_loop3A_501 = arith.muli %parallel_loop3A_404, %parallel_loop3A_500 : i32
      %parallel_loop3A_502 = arith.constant 28672 : i32
      %parallel_loop3A_503 = arith.addi %parallel_loop3A_502, %parallel_loop3A_501 : i32
      %parallel_loop3A_504 = arith.index_cast %parallel_loop3A_503 : i32 to index
      %parallel_loop3A_505 = tpu.vector_load %arg9[%parallel_loop3A_504] {strides = array<i32>} : memref<32768xi32, #tpu.memory_space<vmem>>, vector<16xi32>,
      %parallel_loop3A_506 = arith.addi %parallel_loop3A_499, %parallel_loop3A_505 : vector<16xi32>
      %parallel_loop3A_507 = arith.constant 16 : i32
      %parallel_loop3A_508 = arith.muli %parallel_loop3A_404, %parallel_loop3A_507 : i32
      %parallel_loop3A_509 = arith.constant 30720 : i32
      %parallel_loop3A_510 = arith.addi %parallel_loop3A_509, %parallel_loop3A_508 : i32
      %parallel_loop3A_511 = arith.index_cast %parallel_loop3A_510 : i32 to index
      %parallel_loop3A_512 = tpu.vector_load %arg9[%parallel_loop3A_511] {strides = array<i32>} : memref<32768xi32, #tpu.memory_space<vmem>>, vector<16xi32>,
      %parallel_loop3A_513 = arith.addi %parallel_loop3A_506, %parallel_loop3A_512 : vector<16xi32>
      %parallel_loop3A_514 = arith.constant 16 : i32
      %parallel_loop3A_515 = arith.muli %parallel_loop3A_404, %parallel_loop3A_514 : i32
      %parallel_loop3A_516 = arith.index_cast %parallel_loop3A_515 : i32 to index
      %parallel_loop3A_517 = tpu.vector_load %arg8[%parallel_loop3A_516] {strides = array<i32>} : memref<2048xi32, #tpu.memory_space<vmem>>, vector<16xi32>,
      tpu.vector_store %arg8[%parallel_loop3A_516], %parallel_loop3A_513 {strides = array<i32>} : memref<2048xi32, #tpu.memory_space<vmem>>, vector<16xi32>,
      %parallel_loop3A_518 = arith.constant true
      %parallel_loop3A_519 = vector.broadcast %parallel_loop3A_518 : i1 to vector<16xi1>
      %parallel_loop3A_520 = tpu.scan <sum>, %parallel_loop3A_513 masked %parallel_loop3A_519 : vector<16xi32>, vector<16xi1> -> vector<16xi32>
      %parallel_loop3A_521 = vector.extract %parallel_loop3A_520[15] : i32 from vector<16xi32>
      %parallel_loop3A_522 = arith.index_cast %parallel_loop3A_404 : i32 to index
      %parallel_loop3A_523 = memref.load %arg14[%parallel_loop3A_522] : memref<128xi32, #tpu.memory_space<smem>>
      memref.store %parallel_loop3A_521, %arg14[%parallel_loop3A_522] : memref<128xi32, #tpu.memory_space<smem>>
    } {sc.loop_unroll_factor = 2 : i64, sc.parallel_access}
    %scan3A = arith.constant 65536 : i32
    %scan3A_15 = arith.constant 0 : i32
    %scan3A_16 = arith.constant 0 : i32
    %scan3A_17 = arith.constant 0 : i32
    %scan3A_18 = arith.constant 0 : i32
    %scan3A_19 = arith.constant 0 : i32
    %scan3A_20 = arith.constant 128 : i32
    %scan3A_21 = arith.addi %scan3A_19, %scan3A_20 : i32
    %scan3A_22 = arith.constant 1 : i32
    %scan3A_23:4 = scf.for %scan3A_404 = %scan3A_19 to %scan3A_21 step %scan3A_22 iter_args(%scan3A_405 = %scan3A_15, %scan3A_406 = %scan3A_16, %scan3A_407 = %scan3A_17, %scan3A_408 = %scan3A_18) -> (i32, i32, i32, i32)  : i32 {
      %sub3A_409 = arith.constant 127 : i32
      %sub3A_410 = arith.subi %sub3A_409, %scan3A_404 : i32
      %get3A_411 = arith.index_cast %sub3A_410 : i32 to index
      %get3A_412 = memref.load %arg14[%get3A_411] : memref<128xi32, #tpu.memory_space<smem>>
      %eq3A_413 = arith.constant 0 : i32
      %eq3A_414 = arith.cmpi eq, %scan3A_406, %eq3A_413 : i32
      %add3A_415 = arith.addi %scan3A_405, %get3A_412 : i32
      %ge3A_416 = arith.cmpi sge, %add3A_415, %scan3A : i32
      %and3A = arith.andi %eq3A_414, %ge3A_416 : i1
      %select_n3A_417 = arith.select %and3A, %sub3A_410, %scan3A_407 : i32
      %select_n3A_418 = arith.select %and3A, %scan3A_405, %scan3A_408 : i32
      %convert_element_type3A_419 = arith.extui %and3A : i1 to i32
      %or3A_420 = arith.ori %scan3A_406, %convert_element_type3A_419 : i32
      %add3A_421 = arith.addi %scan3A_405, %get3A_412 : i32
      scf.yield %add3A_421, %or3A_420, %select_n3A_417, %select_n3A_418 : i32, i32, i32, i32
    }
    %scan3A_24 = arith.constant 128 : i32
    %mul3A_25 = arith.constant 16 : i32
    %mul3A_26 = arith.muli %scan3A_23#2, %mul3A_25 : i32
    %get3A = arith.index_cast %mul3A_26 : i32 to index
    %get3A_27 = tpu.vector_load %arg8[%get3A] {strides = array<i32>} : memref<2048xi32, #tpu.memory_space<vmem>>, vector<16xi32>,
    %rev3A = arith.constant 15 : i32
    %rev3A_28 = vector.broadcast %rev3A : i32 to vector<16xi32>
    %rev3A_29 = tpu.iota {dimensions = array<i32: 0>} : vector<16xi32>
    %rev3A_30 = arith.subi %rev3A_28, %rev3A_29 : vector<16xi32>
    %rev3A_31 = tpu.dynamic_gather %get3A_27[%rev3A_30] in [0] : vector<16xi32>, vector<16xi32> -> vector<16xi32>
    %cumsum3A = arith.constant true
    %cumsum3A_32 = vector.broadcast %cumsum3A : i1 to vector<16xi1>
    %cumsum3A_33 = tpu.scan <sum>, %rev3A_31 masked %cumsum3A_32 : vector<16xi32>, vector<16xi1> -> vector<16xi32>
    %add3A = vector.broadcast %scan3A_23#3 : i32 to vector<16xi32>
    %add3A_34 = arith.addi %add3A, %cumsum3A_33 : vector<16xi32>
    %ge3A = arith.constant 65536 : i32
    %ge3A_35 = vector.broadcast %ge3A : i32 to vector<16xi32>
    %ge3A_36 = arith.cmpi sge, %add3A_34, %ge3A_35 : vector<16xi32>
    %all_reduce_population_count3A = tpu.all_reduce %ge3A_36 {dim = 0 : i64, kind = #tpu.reduction_kind<sum>} : vector<16xi1> -> vector<16xi32>
    %reduce_max3A = arith.constant true
    %reduce_max3A_37 = vector.broadcast %reduce_max3A : i1 to vector<16xi1>
    %reduce_max3A_38 = arith.constant -2147483648 : i32
    %reduce_max3A_39 = vector.broadcast %reduce_max3A_38 : i32 to vector<16xi32>
    %reduce_max3A_40 = arith.xori %all_reduce_population_count3A, %reduce_max3A_39 : vector<16xi32>
    %reduce_max3A_41 = tpu.scan <max>, %reduce_max3A_40 masked %reduce_max3A_37 : vector<16xi32>, vector<16xi1> -> vector<16xi32>
    %reduce_max3A_42 = arith.xori %reduce_max3A_41, %reduce_max3A_39 : vector<16xi32>
    %reduce_max3A_43 = vector.extract %reduce_max3A_42[15] : i32 from vector<16xi32>
    %mul3A_44 = arith.constant 16 : i32
    %mul3A_45 = arith.muli %mul3A_44, %scan3A_23#2 : i32
    %add3A_46 = arith.addi %mul3A_45, %reduce_max3A_43 : i32
    %sub3A = arith.constant 1 : i32
    %sub3A_47 = arith.subi %add3A_46, %sub3A : i32
    %jit3A = arith.constant 0 : i32
    %broadcast_in_dim3A_48 = vector.broadcast %jit3A : i32 to vector<16xi32>
    %select_n3A = arith.select %ge3A_36, %broadcast_in_dim3A_48, %rev3A_31 : vector<16xi1>, vector<16xi32>
    %reduce_sum3A = arith.constant true
    %reduce_sum3A_49 = vector.broadcast %reduce_sum3A : i1 to vector<16xi1>
    %reduce_sum3A_50 = tpu.scan <sum>, %select_n3A masked %reduce_sum3A_49 : vector<16xi32>, vector<16xi1> -> vector<16xi32>
    %reduce_sum3A_51 = vector.extract %reduce_sum3A_50[15] : i32 from vector<16xi32>
    %add3A_52 = arith.addi %scan3A_23#3, %reduce_sum3A_51 : i32
    %sub3A_53 = arith.constant 65536 : i32
    %sub3A_54 = arith.subi %sub3A_53, %add3A_52 : i32
    %broadcast_in_dim3A_55 = arith.constant 0 : i32
    %broadcast_in_dim3A_56 = vector.broadcast %broadcast_in_dim3A_55 : i32 to vector<16xi32>
    %broadcast_in_dim3A_57 = arith.constant 1 : i32
    %broadcast_in_dim3A_58 = vector.broadcast %broadcast_in_dim3A_57 : i32 to vector<16xi32>
    %parallel_loop3A_59 = arith.constant 0 : i32
    %parallel_loop3A_60 = arith.constant 128 : i32
    %parallel_loop3A_61 = arith.constant 1 : i32
    scf.for %parallel_loop3A_404 = %parallel_loop3A_59 to %parallel_loop3A_60 step %parallel_loop3A_61  : i32 {
      %parallel_loop3A_405 = arith.constant 16 : i32
      %parallel_loop3A_406 = arith.muli %parallel_loop3A_404, %parallel_loop3A_405 : i32
      %parallel_loop3A_407 = arith.index_cast %parallel_loop3A_406 : i32 to index
      %parallel_loop3A_408 = tpu.vector_load %arg8[%parallel_loop3A_407] {strides = array<i32>} : memref<2048xi32, #tpu.memory_space<vmem>>, vector<16xi32>,
      tpu.vector_store %arg8[%parallel_loop3A_407], %broadcast_in_dim3A_56 {strides = array<i32>} : memref<2048xi32, #tpu.memory_space<vmem>>, vector<16xi32>,
    } {sc.loop_unroll_factor = 8 : i64, sc.parallel_access}
    %parallel_loop3A_62 = arith.constant 0 : i32
    %parallel_loop3A_63 = arith.constant 256 : i32
    %parallel_loop3A_64 = arith.constant 1 : i32
    scf.for %parallel_loop3A_404 = %parallel_loop3A_62 to %parallel_loop3A_63 step %parallel_loop3A_64  : i32 {
      %parallel_loop3A_405 = arith.constant 4 : i32
      %parallel_loop3A_406 = arith.muli %parallel_loop3A_405, %parallel_loop3A_404 : i32
      %parallel_loop3A_407 = arith.constant 0 : i32
      %parallel_loop3A_408 = arith.addi %parallel_loop3A_406, %parallel_loop3A_407 : i32
      %parallel_loop3A_409 = arith.constant 16 : i32
      %parallel_loop3A_410 = arith.muli %parallel_loop3A_408, %parallel_loop3A_409 : i32
      %parallel_loop3A_411 = arith.index_cast %parallel_loop3A_410 : i32 to index
      %parallel_loop3A_412 = tpu.vector_load %arg7[%parallel_loop3A_411] {strides = array<i32>} : memref<16384xi32, #tpu.memory_space<vmem>>, vector<16xi32>,
      %parallel_loop3A_413 = arith.constant 10 : i32
      %parallel_loop3A_414 = vector.broadcast %parallel_loop3A_413 : i32 to vector<16xi32>
      %parallel_loop3A_415 = arith.shrui %parallel_loop3A_412, %parallel_loop3A_414 : vector<16xi32>
      %parallel_loop3A_416 = arith.constant 2047 : i32
      %parallel_loop3A_417 = vector.broadcast %parallel_loop3A_416 : i32 to vector<16xi32>
      %parallel_loop3A_418 = arith.andi %parallel_loop3A_415, %parallel_loop3A_417 : vector<16xi32>
      %parallel_loop3A_419 = arith.constant 21 : i32
      %parallel_loop3A_420 = vector.broadcast %parallel_loop3A_419 : i32 to vector<16xi32>
      %parallel_loop3A_421 = arith.shrui %parallel_loop3A_412, %parallel_loop3A_420 : vector<16xi32>
      %parallel_loop3A_422 = vector.broadcast %sub3A_47 : i32 to vector<16xi32>
      %parallel_loop3A_423 = arith.cmpi eq, %parallel_loop3A_421, %parallel_loop3A_422 : vector<16xi32>
      tpu.vector_store_idx %arg8[%parallel_loop3A_418], %broadcast_in_dim3A_58 masked %parallel_loop3A_423 {add = true} : memref<2048xi32, #tpu.memory_space<vmem>>[vector<16xi32>], vector<16xi32>, vector<16xi1>
      %parallel_loop3A_424 = arith.constant 4 : i32
      %parallel_loop3A_425 = arith.muli %parallel_loop3A_424, %parallel_loop3A_404 : i32
      %parallel_loop3A_426 = arith.constant 1 : i32
      %parallel_loop3A_427 = arith.addi %parallel_loop3A_425, %parallel_loop3A_426 : i32
      %parallel_loop3A_428 = arith.constant 16 : i32
      %parallel_loop3A_429 = arith.muli %parallel_loop3A_427, %parallel_loop3A_428 : i32
      %parallel_loop3A_430 = arith.index_cast %parallel_loop3A_429 : i32 to index
      %parallel_loop3A_431 = tpu.vector_load %arg7[%parallel_loop3A_430] {strides = array<i32>} : memref<16384xi32, #tpu.memory_space<vmem>>, vector<16xi32>,
      %parallel_loop3A_432 = arith.constant 10 : i32
      %parallel_loop3A_433 = vector.broadcast %parallel_loop3A_432 : i32 to vector<16xi32>
      %parallel_loop3A_434 = arith.shrui %parallel_loop3A_431, %parallel_loop3A_433 : vector<16xi32>
      %parallel_loop3A_435 = arith.constant 2047 : i32
      %parallel_loop3A_436 = vector.broadcast %parallel_loop3A_435 : i32 to vector<16xi32>
      %parallel_loop3A_437 = arith.andi %parallel_loop3A_434, %parallel_loop3A_436 : vector<16xi32>
      %parallel_loop3A_438 = arith.constant 21 : i32
      %parallel_loop3A_439 = vector.broadcast %parallel_loop3A_438 : i32 to vector<16xi32>
      %parallel_loop3A_440 = arith.shrui %parallel_loop3A_431, %parallel_loop3A_439 : vector<16xi32>
      %parallel_loop3A_441 = vector.broadcast %sub3A_47 : i32 to vector<16xi32>
      %parallel_loop3A_442 = arith.cmpi eq, %parallel_loop3A_440, %parallel_loop3A_441 : vector<16xi32>
      tpu.vector_store_idx %arg8[%parallel_loop3A_437], %broadcast_in_dim3A_58 masked %parallel_loop3A_442 {add = true} : memref<2048xi32, #tpu.memory_space<vmem>>[vector<16xi32>], vector<16xi32>, vector<16xi1>
      %parallel_loop3A_443 = arith.constant 4 : i32
      %parallel_loop3A_444 = arith.muli %parallel_loop3A_443, %parallel_loop3A_404 : i32
      %parallel_loop3A_445 = arith.constant 2 : i32
      %parallel_loop3A_446 = arith.addi %parallel_loop3A_444, %parallel_loop3A_445 : i32
      %parallel_loop3A_447 = arith.constant 16 : i32
      %parallel_loop3A_448 = arith.muli %parallel_loop3A_446, %parallel_loop3A_447 : i32
      %parallel_loop3A_449 = arith.index_cast %parallel_loop3A_448 : i32 to index
      %parallel_loop3A_450 = tpu.vector_load %arg7[%parallel_loop3A_449] {strides = array<i32>} : memref<16384xi32, #tpu.memory_space<vmem>>, vector<16xi32>,
      %parallel_loop3A_451 = arith.constant 10 : i32
      %parallel_loop3A_452 = vector.broadcast %parallel_loop3A_451 : i32 to vector<16xi32>
      %parallel_loop3A_453 = arith.shrui %parallel_loop3A_450, %parallel_loop3A_452 : vector<16xi32>
      %parallel_loop3A_454 = arith.constant 2047 : i32
      %parallel_loop3A_455 = vector.broadcast %parallel_loop3A_454 : i32 to vector<16xi32>
      %parallel_loop3A_456 = arith.andi %parallel_loop3A_453, %parallel_loop3A_455 : vector<16xi32>
      %parallel_loop3A_457 = arith.constant 21 : i32
      %parallel_loop3A_458 = vector.broadcast %parallel_loop3A_457 : i32 to vector<16xi32>
      %parallel_loop3A_459 = arith.shrui %parallel_loop3A_450, %parallel_loop3A_458 : vector<16xi32>
      %parallel_loop3A_460 = vector.broadcast %sub3A_47 : i32 to vector<16xi32>
      %parallel_loop3A_461 = arith.cmpi eq, %parallel_loop3A_459, %parallel_loop3A_460 : vector<16xi32>
      tpu.vector_store_idx %arg8[%parallel_loop3A_456], %broadcast_in_dim3A_58 masked %parallel_loop3A_461 {add = true} : memref<2048xi32, #tpu.memory_space<vmem>>[vector<16xi32>], vector<16xi32>, vector<16xi1>
      %parallel_loop3A_462 = arith.constant 4 : i32
      %parallel_loop3A_463 = arith.muli %parallel_loop3A_462, %parallel_loop3A_404 : i32
      %parallel_loop3A_464 = arith.constant 3 : i32
      %parallel_loop3A_465 = arith.addi %parallel_loop3A_463, %parallel_loop3A_464 : i32
      %parallel_loop3A_466 = arith.constant 16 : i32
      %parallel_loop3A_467 = arith.muli %parallel_loop3A_465, %parallel_loop3A_466 : i32
      %parallel_loop3A_468 = arith.index_cast %parallel_loop3A_467 : i32 to index
      %parallel_loop3A_469 = tpu.vector_load %arg7[%parallel_loop3A_468] {strides = array<i32>} : memref<16384xi32, #tpu.memory_space<vmem>>, vector<16xi32>,
      %parallel_loop3A_470 = arith.constant 10 : i32
      %parallel_loop3A_471 = vector.broadcast %parallel_loop3A_470 : i32 to vector<16xi32>
      %parallel_loop3A_472 = arith.shrui %parallel_loop3A_469, %parallel_loop3A_471 : vector<16xi32>
      %parallel_loop3A_473 = arith.constant 2047 : i32
      %parallel_loop3A_474 = vector.broadcast %parallel_loop3A_473 : i32 to vector<16xi32>
      %parallel_loop3A_475 = arith.andi %parallel_loop3A_472, %parallel_loop3A_474 : vector<16xi32>
      %parallel_loop3A_476 = arith.constant 21 : i32
      %parallel_loop3A_477 = vector.broadcast %parallel_loop3A_476 : i32 to vector<16xi32>
      %parallel_loop3A_478 = arith.shrui %parallel_loop3A_469, %parallel_loop3A_477 : vector<16xi32>
      %parallel_loop3A_479 = vector.broadcast %sub3A_47 : i32 to vector<16xi32>
      %parallel_loop3A_480 = arith.cmpi eq, %parallel_loop3A_478, %parallel_loop3A_479 : vector<16xi32>
      tpu.vector_store_idx %arg8[%parallel_loop3A_475], %broadcast_in_dim3A_58 masked %parallel_loop3A_480 {add = true} : memref<2048xi32, #tpu.memory_space<vmem>>[vector<16xi32>], vector<16xi32>, vector<16xi1>
    } {sc.loop_unroll_factor = 2 : i64, sc.parallel_access}
    %mul3A_65 = arith.constant 2048 : i32
    %mul3A_66 = arith.muli %arg1, %mul3A_65 : i32
    "tpu.region"() ({
      %run_scoped3A = tpu.sem_alloc : memref<!tpu.dma_semaphore, #tpu.memory_space<semaphore_mem>>
      %dma_start3A = tpu.memref_slice %arg4[%mul3A_66] : memref<32768xi32, #tpu.memory_space<hbm>> -> memref<2048xi32, #tpu.memory_space<hbm>>
      %dma_start3A_404 = tpu.memref_slice %arg4[%mul3A_66] : memref<32768xi32, #tpu.memory_space<hbm>> -> memref<2048xi32, #tpu.memory_space<hbm>>
      tpu.enqueue_dma source(%arg8 : memref<2048xi32, #tpu.memory_space<vmem>>) target(%dma_start3A_404 : memref<2048xi32, #tpu.memory_space<hbm>>) target_semaphore(%run_scoped3A : memref<!tpu.dma_semaphore, #tpu.memory_space<semaphore_mem>>)
      %dma_wait3A = tpu.memref_slice %arg4[%mul3A_66] : memref<32768xi32, #tpu.memory_space<hbm>> -> memref<2048xi32, #tpu.memory_space<hbm>>
      %dma_wait3A_405 = tpu.memref_slice %arg4[%mul3A_66] : memref<32768xi32, #tpu.memory_space<hbm>> -> memref<2048xi32, #tpu.memory_space<hbm>>
      tpu.wait_dma2 semaphore(%run_scoped3A : memref<!tpu.dma_semaphore, #tpu.memory_space<semaphore_mem>>) src(%arg8 : memref<2048xi32, #tpu.memory_space<vmem>>) dst(%dma_wait3A_405 : memref<2048xi32, #tpu.memory_space<hbm>>)
      tpu.yield
    }) : () -> ()
    %barrier3A_67 = arith.constant 0 : index
    tpu.barrier barrier_id(%barrier3A_67)
    "tpu.region"() ({
      %run_scoped3A = tpu.sem_alloc : memref<!tpu.dma_semaphore, #tpu.memory_space<semaphore_mem>>
      tpu.enqueue_dma source(%arg4 : memref<32768xi32, #tpu.memory_space<hbm>>) target(%arg9 : memref<32768xi32, #tpu.memory_space<vmem>>) target_semaphore(%run_scoped3A : memref<!tpu.dma_semaphore, #tpu.memory_space<semaphore_mem>>)
      tpu.wait_dma2 semaphore(%run_scoped3A : memref<!tpu.dma_semaphore, #tpu.memory_space<semaphore_mem>>) src(%arg4 : memref<32768xi32, #tpu.memory_space<hbm>>) dst(%arg9 : memref<32768xi32, #tpu.memory_space<vmem>>)
      tpu.yield
    }) : () -> ()
    %barrier3A_68 = arith.constant 0 : index
    tpu.barrier barrier_id(%barrier3A_68)
    %parallel_loop3A_69 = arith.constant 0 : i32
    %parallel_loop3A_70 = arith.constant 128 : i32
    %parallel_loop3A_71 = arith.constant 1 : i32
    scf.for %parallel_loop3A_404 = %parallel_loop3A_69 to %parallel_loop3A_70 step %parallel_loop3A_71  : i32 {
      %parallel_loop3A_405 = arith.constant 16 : i32
      %parallel_loop3A_406 = arith.muli %parallel_loop3A_404, %parallel_loop3A_405 : i32
      %parallel_loop3A_407 = arith.index_cast %parallel_loop3A_406 : i32 to index
      %parallel_loop3A_408 = tpu.vector_load %arg9[%parallel_loop3A_407] {strides = array<i32>} : memref<32768xi32, #tpu.memory_space<vmem>>, vector<16xi32>,
      %parallel_loop3A_409 = arith.constant 16 : i32
      %parallel_loop3A_410 = arith.muli %parallel_loop3A_404, %parallel_loop3A_409 : i32
      %parallel_loop3A_411 = arith.constant 2048 : i32
      %parallel_loop3A_412 = arith.addi %parallel_loop3A_411, %parallel_loop3A_410 : i32
      %parallel_loop3A_413 = arith.index_cast %parallel_loop3A_412 : i32 to index
      %parallel_loop3A_414 = tpu.vector_load %arg9[%parallel_loop3A_413] {strides = array<i32>} : memref<32768xi32, #tpu.memory_space<vmem>>, vector<16xi32>,
      %parallel_loop3A_415 = arith.addi %parallel_loop3A_408, %parallel_loop3A_414 : vector<16xi32>
      %parallel_loop3A_416 = arith.constant 16 : i32
      %parallel_loop3A_417 = arith.muli %parallel_loop3A_404, %parallel_loop3A_416 : i32
      %parallel_loop3A_418 = arith.constant 4096 : i32
      %parallel_loop3A_419 = arith.addi %parallel_loop3A_418, %parallel_loop3A_417 : i32
      %parallel_loop3A_420 = arith.index_cast %parallel_loop3A_419 : i32 to index
      %parallel_loop3A_421 = tpu.vector_load %arg9[%parallel_loop3A_420] {strides = array<i32>} : memref<32768xi32, #tpu.memory_space<vmem>>, vector<16xi32>,
      %parallel_loop3A_422 = arith.addi %parallel_loop3A_415, %parallel_loop3A_421 : vector<16xi32>
      %parallel_loop3A_423 = arith.constant 16 : i32
      %parallel_loop3A_424 = arith.muli %parallel_loop3A_404, %parallel_loop3A_423 : i32
      %parallel_loop3A_425 = arith.constant 6144 : i32
      %parallel_loop3A_426 = arith.addi %parallel_loop3A_425, %parallel_loop3A_424 : i32
      %parallel_loop3A_427 = arith.index_cast %parallel_loop3A_426 : i32 to index
      %parallel_loop3A_428 = tpu.vector_load %arg9[%parallel_loop3A_427] {strides = array<i32>} : memref<32768xi32, #tpu.memory_space<vmem>>, vector<16xi32>,
      %parallel_loop3A_429 = arith.addi %parallel_loop3A_422, %parallel_loop3A_428 : vector<16xi32>
      %parallel_loop3A_430 = arith.constant 16 : i32
      %parallel_loop3A_431 = arith.muli %parallel_loop3A_404, %parallel_loop3A_430 : i32
      %parallel_loop3A_432 = arith.constant 8192 : i32
      %parallel_loop3A_433 = arith.addi %parallel_loop3A_432, %parallel_loop3A_431 : i32
      %parallel_loop3A_434 = arith.index_cast %parallel_loop3A_433 : i32 to index
      %parallel_loop3A_435 = tpu.vector_load %arg9[%parallel_loop3A_434] {strides = array<i32>} : memref<32768xi32, #tpu.memory_space<vmem>>, vector<16xi32>,
      %parallel_loop3A_436 = arith.addi %parallel_loop3A_429, %parallel_loop3A_435 : vector<16xi32>
      %parallel_loop3A_437 = arith.constant 16 : i32
      %parallel_loop3A_438 = arith.muli %parallel_loop3A_404, %parallel_loop3A_437 : i32
      %parallel_loop3A_439 = arith.constant 10240 : i32
      %parallel_loop3A_440 = arith.addi %parallel_loop3A_439, %parallel_loop3A_438 : i32
      %parallel_loop3A_441 = arith.index_cast %parallel_loop3A_440 : i32 to index
      %parallel_loop3A_442 = tpu.vector_load %arg9[%parallel_loop3A_441] {strides = array<i32>} : memref<32768xi32, #tpu.memory_space<vmem>>, vector<16xi32>,
      %parallel_loop3A_443 = arith.addi %parallel_loop3A_436, %parallel_loop3A_442 : vector<16xi32>
      %parallel_loop3A_444 = arith.constant 16 : i32
      %parallel_loop3A_445 = arith.muli %parallel_loop3A_404, %parallel_loop3A_444 : i32
      %parallel_loop3A_446 = arith.constant 12288 : i32
      %parallel_loop3A_447 = arith.addi %parallel_loop3A_446, %parallel_loop3A_445 : i32
      %parallel_loop3A_448 = arith.index_cast %parallel_loop3A_447 : i32 to index
      %parallel_loop3A_449 = tpu.vector_load %arg9[%parallel_loop3A_448] {strides = array<i32>} : memref<32768xi32, #tpu.memory_space<vmem>>, vector<16xi32>,
      %parallel_loop3A_450 = arith.addi %parallel_loop3A_443, %parallel_loop3A_449 : vector<16xi32>
      %parallel_loop3A_451 = arith.constant 16 : i32
      %parallel_loop3A_452 = arith.muli %parallel_loop3A_404, %parallel_loop3A_451 : i32
      %parallel_loop3A_453 = arith.constant 14336 : i32
      %parallel_loop3A_454 = arith.addi %parallel_loop3A_453, %parallel_loop3A_452 : i32
      %parallel_loop3A_455 = arith.index_cast %parallel_loop3A_454 : i32 to index
      %parallel_loop3A_456 = tpu.vector_load %arg9[%parallel_loop3A_455] {strides = array<i32>} : memref<32768xi32, #tpu.memory_space<vmem>>, vector<16xi32>,
      %parallel_loop3A_457 = arith.addi %parallel_loop3A_450, %parallel_loop3A_456 : vector<16xi32>
      %parallel_loop3A_458 = arith.constant 16 : i32
      %parallel_loop3A_459 = arith.muli %parallel_loop3A_404, %parallel_loop3A_458 : i32
      %parallel_loop3A_460 = arith.constant 16384 : i32
      %parallel_loop3A_461 = arith.addi %parallel_loop3A_460, %parallel_loop3A_459 : i32
      %parallel_loop3A_462 = arith.index_cast %parallel_loop3A_461 : i32 to index
      %parallel_loop3A_463 = tpu.vector_load %arg9[%parallel_loop3A_462] {strides = array<i32>} : memref<32768xi32, #tpu.memory_space<vmem>>, vector<16xi32>,
      %parallel_loop3A_464 = arith.addi %parallel_loop3A_457, %parallel_loop3A_463 : vector<16xi32>
      %parallel_loop3A_465 = arith.constant 16 : i32
      %parallel_loop3A_466 = arith.muli %parallel_loop3A_404, %parallel_loop3A_465 : i32
      %parallel_loop3A_467 = arith.constant 18432 : i32
      %parallel_loop3A_468 = arith.addi %parallel_loop3A_467, %parallel_loop3A_466 : i32
      %parallel_loop3A_469 = arith.index_cast %parallel_loop3A_468 : i32 to index
      %parallel_loop3A_470 = tpu.vector_load %arg9[%parallel_loop3A_469] {strides = array<i32>} : memref<32768xi32, #tpu.memory_space<vmem>>, vector<16xi32>,
      %parallel_loop3A_471 = arith.addi %parallel_loop3A_464, %parallel_loop3A_470 : vector<16xi32>
      %parallel_loop3A_472 = arith.constant 16 : i32
      %parallel_loop3A_473 = arith.muli %parallel_loop3A_404, %parallel_loop3A_472 : i32
      %parallel_loop3A_474 = arith.constant 20480 : i32
      %parallel_loop3A_475 = arith.addi %parallel_loop3A_474, %parallel_loop3A_473 : i32
      %parallel_loop3A_476 = arith.index_cast %parallel_loop3A_475 : i32 to index
      %parallel_loop3A_477 = tpu.vector_load %arg9[%parallel_loop3A_476] {strides = array<i32>} : memref<32768xi32, #tpu.memory_space<vmem>>, vector<16xi32>,
      %parallel_loop3A_478 = arith.addi %parallel_loop3A_471, %parallel_loop3A_477 : vector<16xi32>
      %parallel_loop3A_479 = arith.constant 16 : i32
      %parallel_loop3A_480 = arith.muli %parallel_loop3A_404, %parallel_loop3A_479 : i32
      %parallel_loop3A_481 = arith.constant 22528 : i32
      %parallel_loop3A_482 = arith.addi %parallel_loop3A_481, %parallel_loop3A_480 : i32
      %parallel_loop3A_483 = arith.index_cast %parallel_loop3A_482 : i32 to index
      %parallel_loop3A_484 = tpu.vector_load %arg9[%parallel_loop3A_483] {strides = array<i32>} : memref<32768xi32, #tpu.memory_space<vmem>>, vector<16xi32>,
      %parallel_loop3A_485 = arith.addi %parallel_loop3A_478, %parallel_loop3A_484 : vector<16xi32>
      %parallel_loop3A_486 = arith.constant 16 : i32
      %parallel_loop3A_487 = arith.muli %parallel_loop3A_404, %parallel_loop3A_486 : i32
      %parallel_loop3A_488 = arith.constant 24576 : i32
      %parallel_loop3A_489 = arith.addi %parallel_loop3A_488, %parallel_loop3A_487 : i32
      %parallel_loop3A_490 = arith.index_cast %parallel_loop3A_489 : i32 to index
      %parallel_loop3A_491 = tpu.vector_load %arg9[%parallel_loop3A_490] {strides = array<i32>} : memref<32768xi32, #tpu.memory_space<vmem>>, vector<16xi32>,
      %parallel_loop3A_492 = arith.addi %parallel_loop3A_485, %parallel_loop3A_491 : vector<16xi32>
      %parallel_loop3A_493 = arith.constant 16 : i32
      %parallel_loop3A_494 = arith.muli %parallel_loop3A_404, %parallel_loop3A_493 : i32
      %parallel_loop3A_495 = arith.constant 26624 : i32
      %parallel_loop3A_496 = arith.addi %parallel_loop3A_495, %parallel_loop3A_494 : i32
      %parallel_loop3A_497 = arith.index_cast %parallel_loop3A_496 : i32 to index
      %parallel_loop3A_498 = tpu.vector_load %arg9[%parallel_loop3A_497] {strides = array<i32>} : memref<32768xi32, #tpu.memory_space<vmem>>, vector<16xi32>,
      %parallel_loop3A_499 = arith.addi %parallel_loop3A_492, %parallel_loop3A_498 : vector<16xi32>
      %parallel_loop3A_500 = arith.constant 16 : i32
      %parallel_loop3A_501 = arith.muli %parallel_loop3A_404, %parallel_loop3A_500 : i32
      %parallel_loop3A_502 = arith.constant 28672 : i32
      %parallel_loop3A_503 = arith.addi %parallel_loop3A_502, %parallel_loop3A_501 : i32
      %parallel_loop3A_504 = arith.index_cast %parallel_loop3A_503 : i32 to index
      %parallel_loop3A_505 = tpu.vector_load %arg9[%parallel_loop3A_504] {strides = array<i32>} : memref<32768xi32, #tpu.memory_space<vmem>>, vector<16xi32>,
      %parallel_loop3A_506 = arith.addi %parallel_loop3A_499, %parallel_loop3A_505 : vector<16xi32>
      %parallel_loop3A_507 = arith.constant 16 : i32
      %parallel_loop3A_508 = arith.muli %parallel_loop3A_404, %parallel_loop3A_507 : i32
      %parallel_loop3A_509 = arith.constant 30720 : i32
      %parallel_loop3A_510 = arith.addi %parallel_loop3A_509, %parallel_loop3A_508 : i32
      %parallel_loop3A_511 = arith.index_cast %parallel_loop3A_510 : i32 to index
      %parallel_loop3A_512 = tpu.vector_load %arg9[%parallel_loop3A_511] {strides = array<i32>} : memref<32768xi32, #tpu.memory_space<vmem>>, vector<16xi32>,
      %parallel_loop3A_513 = arith.addi %parallel_loop3A_506, %parallel_loop3A_512 : vector<16xi32>
      %parallel_loop3A_514 = arith.constant 16 : i32
      %parallel_loop3A_515 = arith.muli %parallel_loop3A_404, %parallel_loop3A_514 : i32
      %parallel_loop3A_516 = arith.index_cast %parallel_loop3A_515 : i32 to index
      %parallel_loop3A_517 = tpu.vector_load %arg8[%parallel_loop3A_516] {strides = array<i32>} : memref<2048xi32, #tpu.memory_space<vmem>>, vector<16xi32>,
      tpu.vector_store %arg8[%parallel_loop3A_516], %parallel_loop3A_513 {strides = array<i32>} : memref<2048xi32, #tpu.memory_space<vmem>>, vector<16xi32>,
      %parallel_loop3A_518 = arith.constant true
      %parallel_loop3A_519 = vector.broadcast %parallel_loop3A_518 : i1 to vector<16xi1>
      %parallel_loop3A_520 = tpu.scan <sum>, %parallel_loop3A_513 masked %parallel_loop3A_519 : vector<16xi32>, vector<16xi1> -> vector<16xi32>
      %parallel_loop3A_521 = vector.extract %parallel_loop3A_520[15] : i32 from vector<16xi32>
      %parallel_loop3A_522 = arith.index_cast %parallel_loop3A_404 : i32 to index
      %parallel_loop3A_523 = memref.load %arg14[%parallel_loop3A_522] : memref<128xi32, #tpu.memory_space<smem>>
      memref.store %parallel_loop3A_521, %arg14[%parallel_loop3A_522] : memref<128xi32, #tpu.memory_space<smem>>
    } {sc.loop_unroll_factor = 2 : i64, sc.parallel_access}
    %scan3A_72 = arith.constant 0 : i32
    %scan3A_73 = arith.constant 0 : i32
    %scan3A_74 = arith.constant 0 : i32
    %scan3A_75 = arith.constant 0 : i32
    %scan3A_76 = arith.constant 0 : i32
    %scan3A_77 = arith.constant 128 : i32
    %scan3A_78 = arith.addi %scan3A_76, %scan3A_77 : i32
    %scan3A_79 = arith.constant 1 : i32
    %scan3A_80:4 = scf.for %scan3A_404 = %scan3A_76 to %scan3A_78 step %scan3A_79 iter_args(%scan3A_405 = %scan3A_72, %scan3A_406 = %scan3A_73, %scan3A_407 = %scan3A_74, %scan3A_408 = %scan3A_75) -> (i32, i32, i32, i32)  : i32 {
      %sub3A_409 = arith.constant 127 : i32
      %sub3A_410 = arith.subi %sub3A_409, %scan3A_404 : i32
      %get3A_411 = arith.index_cast %sub3A_410 : i32 to index
      %get3A_412 = memref.load %arg14[%get3A_411] : memref<128xi32, #tpu.memory_space<smem>>
      %eq3A_413 = arith.constant 0 : i32
      %eq3A_414 = arith.cmpi eq, %scan3A_406, %eq3A_413 : i32
      %add3A_415 = arith.addi %scan3A_405, %get3A_412 : i32
      %ge3A_416 = arith.cmpi sge, %add3A_415, %sub3A_54 : i32
      %and3A = arith.andi %eq3A_414, %ge3A_416 : i1
      %select_n3A_417 = arith.select %and3A, %sub3A_410, %scan3A_407 : i32
      %select_n3A_418 = arith.select %and3A, %scan3A_405, %scan3A_408 : i32
      %convert_element_type3A_419 = arith.extui %and3A : i1 to i32
      %or3A_420 = arith.ori %scan3A_406, %convert_element_type3A_419 : i32
      %add3A_421 = arith.addi %scan3A_405, %get3A_412 : i32
      scf.yield %add3A_421, %or3A_420, %select_n3A_417, %select_n3A_418 : i32, i32, i32, i32
    }
    %scan3A_81 = arith.constant 128 : i32
    %mul3A_82 = arith.constant 16 : i32
    %mul3A_83 = arith.muli %scan3A_80#2, %mul3A_82 : i32
    %get3A_84 = arith.index_cast %mul3A_83 : i32 to index
    %get3A_85 = tpu.vector_load %arg8[%get3A_84] {strides = array<i32>} : memref<2048xi32, #tpu.memory_space<vmem>>, vector<16xi32>,
    %rev3A_86 = arith.constant 15 : i32
    %rev3A_87 = vector.broadcast %rev3A_86 : i32 to vector<16xi32>
    %rev3A_88 = tpu.iota {dimensions = array<i32: 0>} : vector<16xi32>
    %rev3A_89 = arith.subi %rev3A_87, %rev3A_88 : vector<16xi32>
    %rev3A_90 = tpu.dynamic_gather %get3A_85[%rev3A_89] in [0] : vector<16xi32>, vector<16xi32> -> vector<16xi32>
    %cumsum3A_91 = arith.constant true
    %cumsum3A_92 = vector.broadcast %cumsum3A_91 : i1 to vector<16xi1>
    %cumsum3A_93 = tpu.scan <sum>, %rev3A_90 masked %cumsum3A_92 : vector<16xi32>, vector<16xi1> -> vector<16xi32>
    %add3A_94 = vector.broadcast %scan3A_80#3 : i32 to vector<16xi32>
    %add3A_95 = arith.addi %add3A_94, %cumsum3A_93 : vector<16xi32>
    %ge3A_96 = vector.broadcast %sub3A_54 : i32 to vector<16xi32>
    %ge3A_97 = arith.cmpi sge, %add3A_95, %ge3A_96 : vector<16xi32>
    %all_reduce_population_count3A_98 = tpu.all_reduce %ge3A_97 {dim = 0 : i64, kind = #tpu.reduction_kind<sum>} : vector<16xi1> -> vector<16xi32>
    %reduce_max3A_99 = arith.constant true
    %reduce_max3A_100 = vector.broadcast %reduce_max3A_99 : i1 to vector<16xi1>
    %reduce_max3A_101 = arith.constant -2147483648 : i32
    %reduce_max3A_102 = vector.broadcast %reduce_max3A_101 : i32 to vector<16xi32>
    %reduce_max3A_103 = arith.xori %all_reduce_population_count3A_98, %reduce_max3A_102 : vector<16xi32>
    %reduce_max3A_104 = tpu.scan <max>, %reduce_max3A_103 masked %reduce_max3A_100 : vector<16xi32>, vector<16xi1> -> vector<16xi32>
    %reduce_max3A_105 = arith.xori %reduce_max3A_104, %reduce_max3A_102 : vector<16xi32>
    %reduce_max3A_106 = vector.extract %reduce_max3A_105[15] : i32 from vector<16xi32>
    %mul3A_107 = arith.constant 16 : i32
    %mul3A_108 = arith.muli %mul3A_107, %scan3A_80#2 : i32
    %add3A_109 = arith.addi %mul3A_108, %reduce_max3A_106 : i32
    %sub3A_110 = arith.constant 1 : i32
    %sub3A_111 = arith.subi %add3A_109, %sub3A_110 : i32
    %jit3A_112 = arith.constant 0 : i32
    %broadcast_in_dim3A_113 = vector.broadcast %jit3A_112 : i32 to vector<16xi32>
    %select_n3A_114 = arith.select %ge3A_97, %broadcast_in_dim3A_113, %rev3A_90 : vector<16xi1>, vector<16xi32>
    %reduce_sum3A_115 = arith.constant true
    %reduce_sum3A_116 = vector.broadcast %reduce_sum3A_115 : i1 to vector<16xi1>
    %reduce_sum3A_117 = tpu.scan <sum>, %select_n3A_114 masked %reduce_sum3A_116 : vector<16xi32>, vector<16xi1> -> vector<16xi32>
    %reduce_sum3A_118 = vector.extract %reduce_sum3A_117[15] : i32 from vector<16xi32>
    %add3A_119 = arith.addi %scan3A_80#3, %reduce_sum3A_118 : i32
    %sub3A_120 = arith.subi %sub3A_54, %add3A_119 : i32
    %shift_left3A = arith.constant 11 : i32
    %shift_left3A_121 = arith.shli %sub3A_47, %shift_left3A : i32
    %or3A = arith.ori %shift_left3A_121, %sub3A_111 : i32
    %broadcast_in_dim3A_122 = arith.constant 0 : i32
    %broadcast_in_dim3A_123 = vector.broadcast %broadcast_in_dim3A_122 : i32 to vector<16xi32>
    %broadcast_in_dim3A_124 = arith.constant 1 : i32
    %broadcast_in_dim3A_125 = vector.broadcast %broadcast_in_dim3A_124 : i32 to vector<16xi32>
    %parallel_loop3A_126 = arith.constant 0 : i32
    %parallel_loop3A_127 = arith.constant 128 : i32
    %parallel_loop3A_128 = arith.constant 1 : i32
    scf.for %parallel_loop3A_404 = %parallel_loop3A_126 to %parallel_loop3A_127 step %parallel_loop3A_128  : i32 {
      %parallel_loop3A_405 = arith.constant 16 : i32
      %parallel_loop3A_406 = arith.muli %parallel_loop3A_404, %parallel_loop3A_405 : i32
      %parallel_loop3A_407 = arith.index_cast %parallel_loop3A_406 : i32 to index
      %parallel_loop3A_408 = tpu.vector_load %arg8[%parallel_loop3A_407] {strides = array<i32>} : memref<2048xi32, #tpu.memory_space<vmem>>, vector<16xi32>,
      tpu.vector_store %arg8[%parallel_loop3A_407], %broadcast_in_dim3A_123 {strides = array<i32>} : memref<2048xi32, #tpu.memory_space<vmem>>, vector<16xi32>,
    } {sc.loop_unroll_factor = 8 : i64, sc.parallel_access}
    %parallel_loop3A_129 = arith.constant 0 : i32
    %parallel_loop3A_130 = arith.constant 256 : i32
    %parallel_loop3A_131 = arith.constant 1 : i32
    scf.for %parallel_loop3A_404 = %parallel_loop3A_129 to %parallel_loop3A_130 step %parallel_loop3A_131  : i32 {
      %parallel_loop3A_405 = arith.constant 4 : i32
      %parallel_loop3A_406 = arith.muli %parallel_loop3A_405, %parallel_loop3A_404 : i32
      %parallel_loop3A_407 = arith.constant 0 : i32
      %parallel_loop3A_408 = arith.addi %parallel_loop3A_406, %parallel_loop3A_407 : i32
      %parallel_loop3A_409 = arith.constant 16 : i32
      %parallel_loop3A_410 = arith.muli %parallel_loop3A_408, %parallel_loop3A_409 : i32
      %parallel_loop3A_411 = arith.index_cast %parallel_loop3A_410 : i32 to index
      %parallel_loop3A_412 = tpu.vector_load %arg7[%parallel_loop3A_411] {strides = array<i32>} : memref<16384xi32, #tpu.memory_space<vmem>>, vector<16xi32>,
      %parallel_loop3A_413 = arith.constant 0 : i32
      %parallel_loop3A_414 = vector.broadcast %parallel_loop3A_413 : i32 to vector<16xi32>
      %parallel_loop3A_415 = arith.shrui %parallel_loop3A_412, %parallel_loop3A_414 : vector<16xi32>
      %parallel_loop3A_416 = arith.constant 1023 : i32
      %parallel_loop3A_417 = vector.broadcast %parallel_loop3A_416 : i32 to vector<16xi32>
      %parallel_loop3A_418 = arith.andi %parallel_loop3A_415, %parallel_loop3A_417 : vector<16xi32>
      %parallel_loop3A_419 = arith.constant 10 : i32
      %parallel_loop3A_420 = vector.broadcast %parallel_loop3A_419 : i32 to vector<16xi32>
      %parallel_loop3A_421 = arith.shrui %parallel_loop3A_412, %parallel_loop3A_420 : vector<16xi32>
      %parallel_loop3A_422 = vector.broadcast %or3A : i32 to vector<16xi32>
      %parallel_loop3A_423 = arith.cmpi eq, %parallel_loop3A_421, %parallel_loop3A_422 : vector<16xi32>
      tpu.vector_store_idx %arg8[%parallel_loop3A_418], %broadcast_in_dim3A_125 masked %parallel_loop3A_423 {add = true} : memref<2048xi32, #tpu.memory_space<vmem>>[vector<16xi32>], vector<16xi32>, vector<16xi1>
      %parallel_loop3A_424 = arith.constant 4 : i32
      %parallel_loop3A_425 = arith.muli %parallel_loop3A_424, %parallel_loop3A_404 : i32
      %parallel_loop3A_426 = arith.constant 1 : i32
      %parallel_loop3A_427 = arith.addi %parallel_loop3A_425, %parallel_loop3A_426 : i32
      %parallel_loop3A_428 = arith.constant 16 : i32
      %parallel_loop3A_429 = arith.muli %parallel_loop3A_427, %parallel_loop3A_428 : i32
      %parallel_loop3A_430 = arith.index_cast %parallel_loop3A_429 : i32 to index
      %parallel_loop3A_431 = tpu.vector_load %arg7[%parallel_loop3A_430] {strides = array<i32>} : memref<16384xi32, #tpu.memory_space<vmem>>, vector<16xi32>,
      %parallel_loop3A_432 = arith.constant 0 : i32
      %parallel_loop3A_433 = vector.broadcast %parallel_loop3A_432 : i32 to vector<16xi32>
      %parallel_loop3A_434 = arith.shrui %parallel_loop3A_431, %parallel_loop3A_433 : vector<16xi32>
      %parallel_loop3A_435 = arith.constant 1023 : i32
      %parallel_loop3A_436 = vector.broadcast %parallel_loop3A_435 : i32 to vector<16xi32>
      %parallel_loop3A_437 = arith.andi %parallel_loop3A_434, %parallel_loop3A_436 : vector<16xi32>
      %parallel_loop3A_438 = arith.constant 10 : i32
      %parallel_loop3A_439 = vector.broadcast %parallel_loop3A_438 : i32 to vector<16xi32>
      %parallel_loop3A_440 = arith.shrui %parallel_loop3A_431, %parallel_loop3A_439 : vector<16xi32>
      %parallel_loop3A_441 = vector.broadcast %or3A : i32 to vector<16xi32>
      %parallel_loop3A_442 = arith.cmpi eq, %parallel_loop3A_440, %parallel_loop3A_441 : vector<16xi32>
      tpu.vector_store_idx %arg8[%parallel_loop3A_437], %broadcast_in_dim3A_125 masked %parallel_loop3A_442 {add = true} : memref<2048xi32, #tpu.memory_space<vmem>>[vector<16xi32>], vector<16xi32>, vector<16xi1>
      %parallel_loop3A_443 = arith.constant 4 : i32
      %parallel_loop3A_444 = arith.muli %parallel_loop3A_443, %parallel_loop3A_404 : i32
      %parallel_loop3A_445 = arith.constant 2 : i32
      %parallel_loop3A_446 = arith.addi %parallel_loop3A_444, %parallel_loop3A_445 : i32
      %parallel_loop3A_447 = arith.constant 16 : i32
      %parallel_loop3A_448 = arith.muli %parallel_loop3A_446, %parallel_loop3A_447 : i32
      %parallel_loop3A_449 = arith.index_cast %parallel_loop3A_448 : i32 to index
      %parallel_loop3A_450 = tpu.vector_load %arg7[%parallel_loop3A_449] {strides = array<i32>} : memref<16384xi32, #tpu.memory_space<vmem>>, vector<16xi32>,
      %parallel_loop3A_451 = arith.constant 0 : i32
      %parallel_loop3A_452 = vector.broadcast %parallel_loop3A_451 : i32 to vector<16xi32>
      %parallel_loop3A_453 = arith.shrui %parallel_loop3A_450, %parallel_loop3A_452 : vector<16xi32>
      %parallel_loop3A_454 = arith.constant 1023 : i32
      %parallel_loop3A_455 = vector.broadcast %parallel_loop3A_454 : i32 to vector<16xi32>
      %parallel_loop3A_456 = arith.andi %parallel_loop3A_453, %parallel_loop3A_455 : vector<16xi32>
      %parallel_loop3A_457 = arith.constant 10 : i32
      %parallel_loop3A_458 = vector.broadcast %parallel_loop3A_457 : i32 to vector<16xi32>
      %parallel_loop3A_459 = arith.shrui %parallel_loop3A_450, %parallel_loop3A_458 : vector<16xi32>
      %parallel_loop3A_460 = vector.broadcast %or3A : i32 to vector<16xi32>
      %parallel_loop3A_461 = arith.cmpi eq, %parallel_loop3A_459, %parallel_loop3A_460 : vector<16xi32>
      tpu.vector_store_idx %arg8[%parallel_loop3A_456], %broadcast_in_dim3A_125 masked %parallel_loop3A_461 {add = true} : memref<2048xi32, #tpu.memory_space<vmem>>[vector<16xi32>], vector<16xi32>, vector<16xi1>
      %parallel_loop3A_462 = arith.constant 4 : i32
      %parallel_loop3A_463 = arith.muli %parallel_loop3A_462, %parallel_loop3A_404 : i32
      %parallel_loop3A_464 = arith.constant 3 : i32
      %parallel_loop3A_465 = arith.addi %parallel_loop3A_463, %parallel_loop3A_464 : i32
      %parallel_loop3A_466 = arith.constant 16 : i32
      %parallel_loop3A_467 = arith.muli %parallel_loop3A_465, %parallel_loop3A_466 : i32
      %parallel_loop3A_468 = arith.index_cast %parallel_loop3A_467 : i32 to index
      %parallel_loop3A_469 = tpu.vector_load %arg7[%parallel_loop3A_468] {strides = array<i32>} : memref<16384xi32, #tpu.memory_space<vmem>>, vector<16xi32>,
      %parallel_loop3A_470 = arith.constant 0 : i32
      %parallel_loop3A_471 = vector.broadcast %parallel_loop3A_470 : i32 to vector<16xi32>
      %parallel_loop3A_472 = arith.shrui %parallel_loop3A_469, %parallel_loop3A_471 : vector<16xi32>
      %parallel_loop3A_473 = arith.constant 1023 : i32
      %parallel_loop3A_474 = vector.broadcast %parallel_loop3A_473 : i32 to vector<16xi32>
      %parallel_loop3A_475 = arith.andi %parallel_loop3A_472, %parallel_loop3A_474 : vector<16xi32>
      %parallel_loop3A_476 = arith.constant 10 : i32
      %parallel_loop3A_477 = vector.broadcast %parallel_loop3A_476 : i32 to vector<16xi32>
      %parallel_loop3A_478 = arith.shrui %parallel_loop3A_469, %parallel_loop3A_477 : vector<16xi32>
      %parallel_loop3A_479 = vector.broadcast %or3A : i32 to vector<16xi32>
      %parallel_loop3A_480 = arith.cmpi eq, %parallel_loop3A_478, %parallel_loop3A_479 : vector<16xi32>
      tpu.vector_store_idx %arg8[%parallel_loop3A_475], %broadcast_in_dim3A_125 masked %parallel_loop3A_480 {add = true} : memref<2048xi32, #tpu.memory_space<vmem>>[vector<16xi32>], vector<16xi32>, vector<16xi1>
    } {sc.loop_unroll_factor = 2 : i64, sc.parallel_access}
    %mul3A_132 = arith.constant 2048 : i32
    %mul3A_133 = arith.muli %arg1, %mul3A_132 : i32
    "tpu.region"() ({
      %run_scoped3A = tpu.sem_alloc : memref<!tpu.dma_semaphore, #tpu.memory_space<semaphore_mem>>
      %dma_start3A = tpu.memref_slice %arg4[%mul3A_133] : memref<32768xi32, #tpu.memory_space<hbm>> -> memref<2048xi32, #tpu.memory_space<hbm>>
      %dma_start3A_404 = tpu.memref_slice %arg4[%mul3A_133] : memref<32768xi32, #tpu.memory_space<hbm>> -> memref<2048xi32, #tpu.memory_space<hbm>>
      tpu.enqueue_dma source(%arg8 : memref<2048xi32, #tpu.memory_space<vmem>>) target(%dma_start3A_404 : memref<2048xi32, #tpu.memory_space<hbm>>) target_semaphore(%run_scoped3A : memref<!tpu.dma_semaphore, #tpu.memory_space<semaphore_mem>>)
      %dma_wait3A = tpu.memref_slice %arg4[%mul3A_133] : memref<32768xi32, #tpu.memory_space<hbm>> -> memref<2048xi32, #tpu.memory_space<hbm>>
      %dma_wait3A_405 = tpu.memref_slice %arg4[%mul3A_133] : memref<32768xi32, #tpu.memory_space<hbm>> -> memref<2048xi32, #tpu.memory_space<hbm>>
      tpu.wait_dma2 semaphore(%run_scoped3A : memref<!tpu.dma_semaphore, #tpu.memory_space<semaphore_mem>>) src(%arg8 : memref<2048xi32, #tpu.memory_space<vmem>>) dst(%dma_wait3A_405 : memref<2048xi32, #tpu.memory_space<hbm>>)
      tpu.yield
    }) : () -> ()
    %barrier3A_134 = arith.constant 0 : index
    tpu.barrier barrier_id(%barrier3A_134)
    "tpu.region"() ({
      %run_scoped3A = tpu.sem_alloc : memref<!tpu.dma_semaphore, #tpu.memory_space<semaphore_mem>>
      tpu.enqueue_dma source(%arg4 : memref<32768xi32, #tpu.memory_space<hbm>>) target(%arg9 : memref<32768xi32, #tpu.memory_space<vmem>>) target_semaphore(%run_scoped3A : memref<!tpu.dma_semaphore, #tpu.memory_space<semaphore_mem>>)
      tpu.wait_dma2 semaphore(%run_scoped3A : memref<!tpu.dma_semaphore, #tpu.memory_space<semaphore_mem>>) src(%arg4 : memref<32768xi32, #tpu.memory_space<hbm>>) dst(%arg9 : memref<32768xi32, #tpu.memory_space<vmem>>)
      tpu.yield
    }) : () -> ()
    %barrier3A_135 = arith.constant 0 : index
    tpu.barrier barrier_id(%barrier3A_135)
    %parallel_loop3A_136 = arith.constant 0 : i32
    %parallel_loop3A_137 = arith.constant 128 : i32
    %parallel_loop3A_138 = arith.constant 1 : i32
    scf.for %parallel_loop3A_404 = %parallel_loop3A_136 to %parallel_loop3A_137 step %parallel_loop3A_138  : i32 {
      %parallel_loop3A_405 = arith.constant 16 : i32
      %parallel_loop3A_406 = arith.muli %parallel_loop3A_404, %parallel_loop3A_405 : i32
      %parallel_loop3A_407 = arith.index_cast %parallel_loop3A_406 : i32 to index
      %parallel_loop3A_408 = tpu.vector_load %arg9[%parallel_loop3A_407] {strides = array<i32>} : memref<32768xi32, #tpu.memory_space<vmem>>, vector<16xi32>,
      %parallel_loop3A_409 = arith.constant 16 : i32
      %parallel_loop3A_410 = arith.muli %parallel_loop3A_404, %parallel_loop3A_409 : i32
      %parallel_loop3A_411 = arith.constant 2048 : i32
      %parallel_loop3A_412 = arith.addi %parallel_loop3A_411, %parallel_loop3A_410 : i32
      %parallel_loop3A_413 = arith.index_cast %parallel_loop3A_412 : i32 to index
      %parallel_loop3A_414 = tpu.vector_load %arg9[%parallel_loop3A_413] {strides = array<i32>} : memref<32768xi32, #tpu.memory_space<vmem>>, vector<16xi32>,
      %parallel_loop3A_415 = arith.addi %parallel_loop3A_408, %parallel_loop3A_414 : vector<16xi32>
      %parallel_loop3A_416 = arith.constant 16 : i32
      %parallel_loop3A_417 = arith.muli %parallel_loop3A_404, %parallel_loop3A_416 : i32
      %parallel_loop3A_418 = arith.constant 4096 : i32
      %parallel_loop3A_419 = arith.addi %parallel_loop3A_418, %parallel_loop3A_417 : i32
      %parallel_loop3A_420 = arith.index_cast %parallel_loop3A_419 : i32 to index
      %parallel_loop3A_421 = tpu.vector_load %arg9[%parallel_loop3A_420] {strides = array<i32>} : memref<32768xi32, #tpu.memory_space<vmem>>, vector<16xi32>,
      %parallel_loop3A_422 = arith.addi %parallel_loop3A_415, %parallel_loop3A_421 : vector<16xi32>
      %parallel_loop3A_423 = arith.constant 16 : i32
      %parallel_loop3A_424 = arith.muli %parallel_loop3A_404, %parallel_loop3A_423 : i32
      %parallel_loop3A_425 = arith.constant 6144 : i32
      %parallel_loop3A_426 = arith.addi %parallel_loop3A_425, %parallel_loop3A_424 : i32
      %parallel_loop3A_427 = arith.index_cast %parallel_loop3A_426 : i32 to index
      %parallel_loop3A_428 = tpu.vector_load %arg9[%parallel_loop3A_427] {strides = array<i32>} : memref<32768xi32, #tpu.memory_space<vmem>>, vector<16xi32>,
      %parallel_loop3A_429 = arith.addi %parallel_loop3A_422, %parallel_loop3A_428 : vector<16xi32>
      %parallel_loop3A_430 = arith.constant 16 : i32
      %parallel_loop3A_431 = arith.muli %parallel_loop3A_404, %parallel_loop3A_430 : i32
      %parallel_loop3A_432 = arith.constant 8192 : i32
      %parallel_loop3A_433 = arith.addi %parallel_loop3A_432, %parallel_loop3A_431 : i32
      %parallel_loop3A_434 = arith.index_cast %parallel_loop3A_433 : i32 to index
      %parallel_loop3A_435 = tpu.vector_load %arg9[%parallel_loop3A_434] {strides = array<i32>} : memref<32768xi32, #tpu.memory_space<vmem>>, vector<16xi32>,
      %parallel_loop3A_436 = arith.addi %parallel_loop3A_429, %parallel_loop3A_435 : vector<16xi32>
      %parallel_loop3A_437 = arith.constant 16 : i32
      %parallel_loop3A_438 = arith.muli %parallel_loop3A_404, %parallel_loop3A_437 : i32
      %parallel_loop3A_439 = arith.constant 10240 : i32
      %parallel_loop3A_440 = arith.addi %parallel_loop3A_439, %parallel_loop3A_438 : i32
      %parallel_loop3A_441 = arith.index_cast %parallel_loop3A_440 : i32 to index
      %parallel_loop3A_442 = tpu.vector_load %arg9[%parallel_loop3A_441] {strides = array<i32>} : memref<32768xi32, #tpu.memory_space<vmem>>, vector<16xi32>,
      %parallel_loop3A_443 = arith.addi %parallel_loop3A_436, %parallel_loop3A_442 : vector<16xi32>
      %parallel_loop3A_444 = arith.constant 16 : i32
      %parallel_loop3A_445 = arith.muli %parallel_loop3A_404, %parallel_loop3A_444 : i32
      %parallel_loop3A_446 = arith.constant 12288 : i32
      %parallel_loop3A_447 = arith.addi %parallel_loop3A_446, %parallel_loop3A_445 : i32
      %parallel_loop3A_448 = arith.index_cast %parallel_loop3A_447 : i32 to index
      %parallel_loop3A_449 = tpu.vector_load %arg9[%parallel_loop3A_448] {strides = array<i32>} : memref<32768xi32, #tpu.memory_space<vmem>>, vector<16xi32>,
      %parallel_loop3A_450 = arith.addi %parallel_loop3A_443, %parallel_loop3A_449 : vector<16xi32>
      %parallel_loop3A_451 = arith.constant 16 : i32
      %parallel_loop3A_452 = arith.muli %parallel_loop3A_404, %parallel_loop3A_451 : i32
      %parallel_loop3A_453 = arith.constant 14336 : i32
      %parallel_loop3A_454 = arith.addi %parallel_loop3A_453, %parallel_loop3A_452 : i32
      %parallel_loop3A_455 = arith.index_cast %parallel_loop3A_454 : i32 to index
      %parallel_loop3A_456 = tpu.vector_load %arg9[%parallel_loop3A_455] {strides = array<i32>} : memref<32768xi32, #tpu.memory_space<vmem>>, vector<16xi32>,
      %parallel_loop3A_457 = arith.addi %parallel_loop3A_450, %parallel_loop3A_456 : vector<16xi32>
      %parallel_loop3A_458 = arith.constant 16 : i32
      %parallel_loop3A_459 = arith.muli %parallel_loop3A_404, %parallel_loop3A_458 : i32
      %parallel_loop3A_460 = arith.constant 16384 : i32
      %parallel_loop3A_461 = arith.addi %parallel_loop3A_460, %parallel_loop3A_459 : i32
      %parallel_loop3A_462 = arith.index_cast %parallel_loop3A_461 : i32 to index
      %parallel_loop3A_463 = tpu.vector_load %arg9[%parallel_loop3A_462] {strides = array<i32>} : memref<32768xi32, #tpu.memory_space<vmem>>, vector<16xi32>,
      %parallel_loop3A_464 = arith.addi %parallel_loop3A_457, %parallel_loop3A_463 : vector<16xi32>
      %parallel_loop3A_465 = arith.constant 16 : i32
      %parallel_loop3A_466 = arith.muli %parallel_loop3A_404, %parallel_loop3A_465 : i32
      %parallel_loop3A_467 = arith.constant 18432 : i32
      %parallel_loop3A_468 = arith.addi %parallel_loop3A_467, %parallel_loop3A_466 : i32
      %parallel_loop3A_469 = arith.index_cast %parallel_loop3A_468 : i32 to index
      %parallel_loop3A_470 = tpu.vector_load %arg9[%parallel_loop3A_469] {strides = array<i32>} : memref<32768xi32, #tpu.memory_space<vmem>>, vector<16xi32>,
      %parallel_loop3A_471 = arith.addi %parallel_loop3A_464, %parallel_loop3A_470 : vector<16xi32>
      %parallel_loop3A_472 = arith.constant 16 : i32
      %parallel_loop3A_473 = arith.muli %parallel_loop3A_404, %parallel_loop3A_472 : i32
      %parallel_loop3A_474 = arith.constant 20480 : i32
      %parallel_loop3A_475 = arith.addi %parallel_loop3A_474, %parallel_loop3A_473 : i32
      %parallel_loop3A_476 = arith.index_cast %parallel_loop3A_475 : i32 to index
      %parallel_loop3A_477 = tpu.vector_load %arg9[%parallel_loop3A_476] {strides = array<i32>} : memref<32768xi32, #tpu.memory_space<vmem>>, vector<16xi32>,
      %parallel_loop3A_478 = arith.addi %parallel_loop3A_471, %parallel_loop3A_477 : vector<16xi32>
      %parallel_loop3A_479 = arith.constant 16 : i32
      %parallel_loop3A_480 = arith.muli %parallel_loop3A_404, %parallel_loop3A_479 : i32
      %parallel_loop3A_481 = arith.constant 22528 : i32
      %parallel_loop3A_482 = arith.addi %parallel_loop3A_481, %parallel_loop3A_480 : i32
      %parallel_loop3A_483 = arith.index_cast %parallel_loop3A_482 : i32 to index
      %parallel_loop3A_484 = tpu.vector_load %arg9[%parallel_loop3A_483] {strides = array<i32>} : memref<32768xi32, #tpu.memory_space<vmem>>, vector<16xi32>,
      %parallel_loop3A_485 = arith.addi %parallel_loop3A_478, %parallel_loop3A_484 : vector<16xi32>
      %parallel_loop3A_486 = arith.constant 16 : i32
      %parallel_loop3A_487 = arith.muli %parallel_loop3A_404, %parallel_loop3A_486 : i32
      %parallel_loop3A_488 = arith.constant 24576 : i32
      %parallel_loop3A_489 = arith.addi %parallel_loop3A_488, %parallel_loop3A_487 : i32
      %parallel_loop3A_490 = arith.index_cast %parallel_loop3A_489 : i32 to index
      %parallel_loop3A_491 = tpu.vector_load %arg9[%parallel_loop3A_490] {strides = array<i32>} : memref<32768xi32, #tpu.memory_space<vmem>>, vector<16xi32>,
      %parallel_loop3A_492 = arith.addi %parallel_loop3A_485, %parallel_loop3A_491 : vector<16xi32>
      %parallel_loop3A_493 = arith.constant 16 : i32
      %parallel_loop3A_494 = arith.muli %parallel_loop3A_404, %parallel_loop3A_493 : i32
      %parallel_loop3A_495 = arith.constant 26624 : i32
      %parallel_loop3A_496 = arith.addi %parallel_loop3A_495, %parallel_loop3A_494 : i32
      %parallel_loop3A_497 = arith.index_cast %parallel_loop3A_496 : i32 to index
      %parallel_loop3A_498 = tpu.vector_load %arg9[%parallel_loop3A_497] {strides = array<i32>} : memref<32768xi32, #tpu.memory_space<vmem>>, vector<16xi32>,
      %parallel_loop3A_499 = arith.addi %parallel_loop3A_492, %parallel_loop3A_498 : vector<16xi32>
      %parallel_loop3A_500 = arith.constant 16 : i32
      %parallel_loop3A_501 = arith.muli %parallel_loop3A_404, %parallel_loop3A_500 : i32
      %parallel_loop3A_502 = arith.constant 28672 : i32
      %parallel_loop3A_503 = arith.addi %parallel_loop3A_502, %parallel_loop3A_501 : i32
      %parallel_loop3A_504 = arith.index_cast %parallel_loop3A_503 : i32 to index
      %parallel_loop3A_505 = tpu.vector_load %arg9[%parallel_loop3A_504] {strides = array<i32>} : memref<32768xi32, #tpu.memory_space<vmem>>, vector<16xi32>,
      %parallel_loop3A_506 = arith.addi %parallel_loop3A_499, %parallel_loop3A_505 : vector<16xi32>
      %parallel_loop3A_507 = arith.constant 16 : i32
      %parallel_loop3A_508 = arith.muli %parallel_loop3A_404, %parallel_loop3A_507 : i32
      %parallel_loop3A_509 = arith.constant 30720 : i32
      %parallel_loop3A_510 = arith.addi %parallel_loop3A_509, %parallel_loop3A_508 : i32
      %parallel_loop3A_511 = arith.index_cast %parallel_loop3A_510 : i32 to index
      %parallel_loop3A_512 = tpu.vector_load %arg9[%parallel_loop3A_511] {strides = array<i32>} : memref<32768xi32, #tpu.memory_space<vmem>>, vector<16xi32>,
      %parallel_loop3A_513 = arith.addi %parallel_loop3A_506, %parallel_loop3A_512 : vector<16xi32>
      %parallel_loop3A_514 = arith.constant 16 : i32
      %parallel_loop3A_515 = arith.muli %parallel_loop3A_404, %parallel_loop3A_514 : i32
      %parallel_loop3A_516 = arith.index_cast %parallel_loop3A_515 : i32 to index
      %parallel_loop3A_517 = tpu.vector_load %arg8[%parallel_loop3A_516] {strides = array<i32>} : memref<2048xi32, #tpu.memory_space<vmem>>, vector<16xi32>,
      tpu.vector_store %arg8[%parallel_loop3A_516], %parallel_loop3A_513 {strides = array<i32>} : memref<2048xi32, #tpu.memory_space<vmem>>, vector<16xi32>,
      %parallel_loop3A_518 = arith.constant true
      %parallel_loop3A_519 = vector.broadcast %parallel_loop3A_518 : i1 to vector<16xi1>
      %parallel_loop3A_520 = tpu.scan <sum>, %parallel_loop3A_513 masked %parallel_loop3A_519 : vector<16xi32>, vector<16xi1> -> vector<16xi32>
      %parallel_loop3A_521 = vector.extract %parallel_loop3A_520[15] : i32 from vector<16xi32>
      %parallel_loop3A_522 = arith.index_cast %parallel_loop3A_404 : i32 to index
      %parallel_loop3A_523 = memref.load %arg14[%parallel_loop3A_522] : memref<128xi32, #tpu.memory_space<smem>>
      memref.store %parallel_loop3A_521, %arg14[%parallel_loop3A_522] : memref<128xi32, #tpu.memory_space<smem>>
    } {sc.loop_unroll_factor = 2 : i64, sc.parallel_access}
    %scan3A_139 = arith.constant 0 : i32
    %scan3A_140 = arith.constant 0 : i32
    %scan3A_141 = arith.constant 0 : i32
    %scan3A_142 = arith.constant 0 : i32
    %scan3A_143 = arith.constant 0 : i32
    %scan3A_144 = arith.constant 128 : i32
    %scan3A_145 = arith.addi %scan3A_143, %scan3A_144 : i32
    %scan3A_146 = arith.constant 1 : i32
    %scan3A_147:4 = scf.for %scan3A_404 = %scan3A_143 to %scan3A_145 step %scan3A_146 iter_args(%scan3A_405 = %scan3A_139, %scan3A_406 = %scan3A_140, %scan3A_407 = %scan3A_141, %scan3A_408 = %scan3A_142) -> (i32, i32, i32, i32)  : i32 {
      %sub3A_409 = arith.constant 127 : i32
      %sub3A_410 = arith.subi %sub3A_409, %scan3A_404 : i32
      %get3A_411 = arith.index_cast %sub3A_410 : i32 to index
      %get3A_412 = memref.load %arg14[%get3A_411] : memref<128xi32, #tpu.memory_space<smem>>
      %eq3A_413 = arith.constant 0 : i32
      %eq3A_414 = arith.cmpi eq, %scan3A_406, %eq3A_413 : i32
      %add3A_415 = arith.addi %scan3A_405, %get3A_412 : i32
      %ge3A_416 = arith.cmpi sge, %add3A_415, %sub3A_120 : i32
      %and3A = arith.andi %eq3A_414, %ge3A_416 : i1
      %select_n3A_417 = arith.select %and3A, %sub3A_410, %scan3A_407 : i32
      %select_n3A_418 = arith.select %and3A, %scan3A_405, %scan3A_408 : i32
      %convert_element_type3A_419 = arith.extui %and3A : i1 to i32
      %or3A_420 = arith.ori %scan3A_406, %convert_element_type3A_419 : i32
      %add3A_421 = arith.addi %scan3A_405, %get3A_412 : i32
      scf.yield %add3A_421, %or3A_420, %select_n3A_417, %select_n3A_418 : i32, i32, i32, i32
    }
    %scan3A_148 = arith.constant 128 : i32
    %mul3A_149 = arith.constant 16 : i32
    %mul3A_150 = arith.muli %scan3A_147#2, %mul3A_149 : i32
    %get3A_151 = arith.index_cast %mul3A_150 : i32 to index
    %get3A_152 = tpu.vector_load %arg8[%get3A_151] {strides = array<i32>} : memref<2048xi32, #tpu.memory_space<vmem>>, vector<16xi32>,
    %rev3A_153 = arith.constant 15 : i32
    %rev3A_154 = vector.broadcast %rev3A_153 : i32 to vector<16xi32>
    %rev3A_155 = tpu.iota {dimensions = array<i32: 0>} : vector<16xi32>
    %rev3A_156 = arith.subi %rev3A_154, %rev3A_155 : vector<16xi32>
    %rev3A_157 = tpu.dynamic_gather %get3A_152[%rev3A_156] in [0] : vector<16xi32>, vector<16xi32> -> vector<16xi32>
    %cumsum3A_158 = arith.constant true
    %cumsum3A_159 = vector.broadcast %cumsum3A_158 : i1 to vector<16xi1>
    %cumsum3A_160 = tpu.scan <sum>, %rev3A_157 masked %cumsum3A_159 : vector<16xi32>, vector<16xi1> -> vector<16xi32>
    %add3A_161 = vector.broadcast %scan3A_147#3 : i32 to vector<16xi32>
    %add3A_162 = arith.addi %add3A_161, %cumsum3A_160 : vector<16xi32>
    %ge3A_163 = vector.broadcast %sub3A_120 : i32 to vector<16xi32>
    %ge3A_164 = arith.cmpi sge, %add3A_162, %ge3A_163 : vector<16xi32>
    %all_reduce_population_count3A_165 = tpu.all_reduce %ge3A_164 {dim = 0 : i64, kind = #tpu.reduction_kind<sum>} : vector<16xi1> -> vector<16xi32>
    %reduce_max3A_166 = arith.constant true
    %reduce_max3A_167 = vector.broadcast %reduce_max3A_166 : i1 to vector<16xi1>
    %reduce_max3A_168 = arith.constant -2147483648 : i32
    %reduce_max3A_169 = vector.broadcast %reduce_max3A_168 : i32 to vector<16xi32>
    %reduce_max3A_170 = arith.xori %all_reduce_population_count3A_165, %reduce_max3A_169 : vector<16xi32>
    %reduce_max3A_171 = tpu.scan <max>, %reduce_max3A_170 masked %reduce_max3A_167 : vector<16xi32>, vector<16xi1> -> vector<16xi32>
    %reduce_max3A_172 = arith.xori %reduce_max3A_171, %reduce_max3A_169 : vector<16xi32>
    %reduce_max3A_173 = vector.extract %reduce_max3A_172[15] : i32 from vector<16xi32>
    %mul3A_174 = arith.constant 16 : i32
    %mul3A_175 = arith.muli %mul3A_174, %scan3A_147#2 : i32
    %add3A_176 = arith.addi %mul3A_175, %reduce_max3A_173 : i32
    %sub3A_177 = arith.constant 1 : i32
    %sub3A_178 = arith.subi %add3A_176, %sub3A_177 : i32
    %jit3A_179 = arith.constant 0 : i32
    %broadcast_in_dim3A_180 = vector.broadcast %jit3A_179 : i32 to vector<16xi32>
    %select_n3A_181 = arith.select %ge3A_164, %broadcast_in_dim3A_180, %rev3A_157 : vector<16xi1>, vector<16xi32>
    %reduce_sum3A_182 = arith.constant true
    %reduce_sum3A_183 = vector.broadcast %reduce_sum3A_182 : i1 to vector<16xi1>
    %reduce_sum3A_184 = tpu.scan <sum>, %select_n3A_181 masked %reduce_sum3A_183 : vector<16xi32>, vector<16xi1> -> vector<16xi32>
    %reduce_sum3A_185 = vector.extract %reduce_sum3A_184[15] : i32 from vector<16xi32>
    %add3A_186 = arith.addi %scan3A_147#3, %reduce_sum3A_185 : i32
    %shift_left3A_187 = arith.constant 10 : i32
    %shift_left3A_188 = arith.shli %or3A, %shift_left3A_187 : i32
    %or3A_189 = arith.ori %shift_left3A_188, %sub3A_178 : i32
    %broadcast_in_dim3A_190 = arith.constant 0.000000e+00 : f32
    %broadcast_in_dim3A_191 = vector.broadcast %broadcast_in_dim3A_190 : f32 to vector<16xf32>
    %broadcast_in_dim3A_192 = arith.constant 0 : i32
    %broadcast_in_dim3A_193 = vector.broadcast %broadcast_in_dim3A_192 : i32 to vector<16xi32>
    %broadcast_in_dim3A_194 = arith.constant 0.000000e+00 : f32
    %broadcast_in_dim3A_195 = vector.broadcast %broadcast_in_dim3A_194 : f32 to vector<16xf32>
    %broadcast_in_dim3A_196 = arith.constant 0 : i32
    %broadcast_in_dim3A_197 = vector.broadcast %broadcast_in_dim3A_196 : i32 to vector<16xi32>
    %broadcast_in_dim3A_198 = arith.constant 0.000000e+00 : f32
    %broadcast_in_dim3A_199 = vector.broadcast %broadcast_in_dim3A_198 : f32 to vector<16xf32>
    %broadcast_in_dim3A_200 = arith.constant 0 : i32
    %broadcast_in_dim3A_201 = vector.broadcast %broadcast_in_dim3A_200 : i32 to vector<16xi32>
    %broadcast_in_dim3A_202 = arith.constant 0.000000e+00 : f32
    %broadcast_in_dim3A_203 = vector.broadcast %broadcast_in_dim3A_202 : f32 to vector<16xf32>
    %broadcast_in_dim3A_204 = arith.constant 0 : i32
    %broadcast_in_dim3A_205 = vector.broadcast %broadcast_in_dim3A_204 : i32 to vector<16xi32>
    %scan3A_206 = arith.constant 0 : i32
    %scan3A_207 = arith.constant 256 : i32
    %scan3A_208 = arith.addi %scan3A_206, %scan3A_207 : i32
    %scan3A_209 = arith.constant 1 : i32
    %scan3A_210:8 = scf.for %scan3A_404 = %scan3A_206 to %scan3A_208 step %scan3A_209 iter_args(%scan3A_405 = %broadcast_in_dim3A_191, %scan3A_406 = %broadcast_in_dim3A_193, %scan3A_407 = %broadcast_in_dim3A_195, %scan3A_408 = %broadcast_in_dim3A_197, %scan3A_409 = %broadcast_in_dim3A_199, %scan3A_410 = %broadcast_in_dim3A_201, %scan3A_411 = %broadcast_in_dim3A_203, %scan3A_412 = %broadcast_in_dim3A_205) -> (vector<16xf32>, vector<16xi32>, vector<16xf32>, vector<16xi32>, vector<16xf32>, vector<16xi32>, vector<16xf32>, vector<16xi32>)  : i32 {
      %mul3A_413 = arith.constant 4 : i32
      %mul3A_414 = arith.muli %scan3A_404, %mul3A_413 : i32
      %add3A_415 = arith.constant 0 : i32
      %add3A_416 = arith.addi %mul3A_414, %add3A_415 : i32
      %mul3A_417 = arith.constant 16 : i32
      %mul3A_418 = arith.muli %add3A_416, %mul3A_417 : i32
      %get3A_419 = arith.index_cast %mul3A_418 : i32 to index
      %get3A_420 = tpu.vector_load %arg7[%get3A_419] {strides = array<i32>} : memref<16384xi32, #tpu.memory_space<vmem>>, vector<16xi32>,
      %shift_right_logical3A = arith.constant 31 : i32
      %shift_right_logical3A_421 = vector.broadcast %shift_right_logical3A : i32 to vector<16xi32>
      %shift_right_logical3A_422 = arith.shrui %get3A_420, %shift_right_logical3A_421 : vector<16xi32>
      %mul3A_423 = arith.constant 2147483647 : i32
      %mul3A_424 = vector.broadcast %mul3A_423 : i32 to vector<16xi32>
      %mul3A_425 = arith.muli %shift_right_logical3A_422, %mul3A_424 : vector<16xi32>
      %xor3A = arith.constant -1 : i32
      %xor3A_426 = vector.broadcast %xor3A : i32 to vector<16xi32>
      %xor3A_427 = arith.xori %xor3A_426, %mul3A_425 : vector<16xi32>
      %xor3A_428 = arith.xori %get3A_420, %xor3A_427 : vector<16xi32>
      %bitcast3A = vector.bitcast %xor3A_428 : vector<16xi32> to vector<16xf32>
      %ge3A_429 = vector.broadcast %or3A_189 : i32 to vector<16xi32>
      %ge3A_430 = arith.cmpi uge, %get3A_420, %ge3A_429 : vector<16xi32>
      %jit3A_431 = arith.constant 0.000000e+00 : f32
      %broadcast_in_dim3A_432 = vector.broadcast %jit3A_431 : f32 to vector<16xf32>
      %select_n3A_433 = arith.select %ge3A_430, %bitcast3A, %broadcast_in_dim3A_432 : vector<16xi1>, vector<16xf32>
      %add3A_434 = arith.addf %scan3A_405, %select_n3A_433 : vector<16xf32>
      %jit3A_435 = arith.constant 1 : i32
      %jit3A_436 = arith.constant 0 : i32
      %broadcast_in_dim3A_437 = vector.broadcast %jit3A_435 : i32 to vector<16xi32>
      %broadcast_in_dim3A_438 = vector.broadcast %jit3A_436 : i32 to vector<16xi32>
      %select_n3A_439 = arith.select %ge3A_430, %broadcast_in_dim3A_437, %broadcast_in_dim3A_438 : vector<16xi1>, vector<16xi32>
      %add3A_440 = arith.addi %scan3A_406, %select_n3A_439 : vector<16xi32>
      %mul3A_441 = arith.constant 4 : i32
      %mul3A_442 = arith.muli %scan3A_404, %mul3A_441 : i32
      %add3A_443 = arith.constant 1 : i32
      %add3A_444 = arith.addi %mul3A_442, %add3A_443 : i32
      %mul3A_445 = arith.constant 16 : i32
      %mul3A_446 = arith.muli %add3A_444, %mul3A_445 : i32
      %get3A_447 = arith.index_cast %mul3A_446 : i32 to index
      %get3A_448 = tpu.vector_load %arg7[%get3A_447] {strides = array<i32>} : memref<16384xi32, #tpu.memory_space<vmem>>, vector<16xi32>,
      %shift_right_logical3A_449 = arith.constant 31 : i32
      %shift_right_logical3A_450 = vector.broadcast %shift_right_logical3A_449 : i32 to vector<16xi32>
      %shift_right_logical3A_451 = arith.shrui %get3A_448, %shift_right_logical3A_450 : vector<16xi32>
      %mul3A_452 = arith.constant 2147483647 : i32
      %mul3A_453 = vector.broadcast %mul3A_452 : i32 to vector<16xi32>
      %mul3A_454 = arith.muli %shift_right_logical3A_451, %mul3A_453 : vector<16xi32>
      %xor3A_455 = arith.constant -1 : i32
      %xor3A_456 = vector.broadcast %xor3A_455 : i32 to vector<16xi32>
      %xor3A_457 = arith.xori %xor3A_456, %mul3A_454 : vector<16xi32>
      %xor3A_458 = arith.xori %get3A_448, %xor3A_457 : vector<16xi32>
      %bitcast3A_459 = vector.bitcast %xor3A_458 : vector<16xi32> to vector<16xf32>
      %ge3A_460 = vector.broadcast %or3A_189 : i32 to vector<16xi32>
      %ge3A_461 = arith.cmpi uge, %get3A_448, %ge3A_460 : vector<16xi32>
      %jit3A_462 = arith.constant 0.000000e+00 : f32
      %broadcast_in_dim3A_463 = vector.broadcast %jit3A_462 : f32 to vector<16xf32>
      %select_n3A_464 = arith.select %ge3A_461, %bitcast3A_459, %broadcast_in_dim3A_463 : vector<16xi1>, vector<16xf32>
      %add3A_465 = arith.addf %scan3A_407, %select_n3A_464 : vector<16xf32>
      %jit3A_466 = arith.constant 1 : i32
      %jit3A_467 = arith.constant 0 : i32
      %broadcast_in_dim3A_468 = vector.broadcast %jit3A_466 : i32 to vector<16xi32>
      %broadcast_in_dim3A_469 = vector.broadcast %jit3A_467 : i32 to vector<16xi32>
      %select_n3A_470 = arith.select %ge3A_461, %broadcast_in_dim3A_468, %broadcast_in_dim3A_469 : vector<16xi1>, vector<16xi32>
      %add3A_471 = arith.addi %scan3A_408, %select_n3A_470 : vector<16xi32>
      %mul3A_472 = arith.constant 4 : i32
      %mul3A_473 = arith.muli %scan3A_404, %mul3A_472 : i32
      %add3A_474 = arith.constant 2 : i32
      %add3A_475 = arith.addi %mul3A_473, %add3A_474 : i32
      %mul3A_476 = arith.constant 16 : i32
      %mul3A_477 = arith.muli %add3A_475, %mul3A_476 : i32
      %get3A_478 = arith.index_cast %mul3A_477 : i32 to index
      %get3A_479 = tpu.vector_load %arg7[%get3A_478] {strides = array<i32>} : memref<16384xi32, #tpu.memory_space<vmem>>, vector<16xi32>,
      %shift_right_logical3A_480 = arith.constant 31 : i32
      %shift_right_logical3A_481 = vector.broadcast %shift_right_logical3A_480 : i32 to vector<16xi32>
      %shift_right_logical3A_482 = arith.shrui %get3A_479, %shift_right_logical3A_481 : vector<16xi32>
      %mul3A_483 = arith.constant 2147483647 : i32
      %mul3A_484 = vector.broadcast %mul3A_483 : i32 to vector<16xi32>
      %mul3A_485 = arith.muli %shift_right_logical3A_482, %mul3A_484 : vector<16xi32>
      %xor3A_486 = arith.constant -1 : i32
      %xor3A_487 = vector.broadcast %xor3A_486 : i32 to vector<16xi32>
      %xor3A_488 = arith.xori %xor3A_487, %mul3A_485 : vector<16xi32>
      %xor3A_489 = arith.xori %get3A_479, %xor3A_488 : vector<16xi32>
      %bitcast3A_490 = vector.bitcast %xor3A_489 : vector<16xi32> to vector<16xf32>
      %ge3A_491 = vector.broadcast %or3A_189 : i32 to vector<16xi32>
      %ge3A_492 = arith.cmpi uge, %get3A_479, %ge3A_491 : vector<16xi32>
      %jit3A_493 = arith.constant 0.000000e+00 : f32
      %broadcast_in_dim3A_494 = vector.broadcast %jit3A_493 : f32 to vector<16xf32>
      %select_n3A_495 = arith.select %ge3A_492, %bitcast3A_490, %broadcast_in_dim3A_494 : vector<16xi1>, vector<16xf32>
      %add3A_496 = arith.addf %scan3A_409, %select_n3A_495 : vector<16xf32>
      %jit3A_497 = arith.constant 1 : i32
      %jit3A_498 = arith.constant 0 : i32
      %broadcast_in_dim3A_499 = vector.broadcast %jit3A_497 : i32 to vector<16xi32>
      %broadcast_in_dim3A_500 = vector.broadcast %jit3A_498 : i32 to vector<16xi32>
      %select_n3A_501 = arith.select %ge3A_492, %broadcast_in_dim3A_499, %broadcast_in_dim3A_500 : vector<16xi1>, vector<16xi32>
      %add3A_502 = arith.addi %scan3A_410, %select_n3A_501 : vector<16xi32>
      %mul3A_503 = arith.constant 4 : i32
      %mul3A_504 = arith.muli %scan3A_404, %mul3A_503 : i32
      %add3A_505 = arith.constant 3 : i32
      %add3A_506 = arith.addi %mul3A_504, %add3A_505 : i32
      %mul3A_507 = arith.constant 16 : i32
      %mul3A_508 = arith.muli %add3A_506, %mul3A_507 : i32
      %get3A_509 = arith.index_cast %mul3A_508 : i32 to index
      %get3A_510 = tpu.vector_load %arg7[%get3A_509] {strides = array<i32>} : memref<16384xi32, #tpu.memory_space<vmem>>, vector<16xi32>,
      %shift_right_logical3A_511 = arith.constant 31 : i32
      %shift_right_logical3A_512 = vector.broadcast %shift_right_logical3A_511 : i32 to vector<16xi32>
      %shift_right_logical3A_513 = arith.shrui %get3A_510, %shift_right_logical3A_512 : vector<16xi32>
      %mul3A_514 = arith.constant 2147483647 : i32
      %mul3A_515 = vector.broadcast %mul3A_514 : i32 to vector<16xi32>
      %mul3A_516 = arith.muli %shift_right_logical3A_513, %mul3A_515 : vector<16xi32>
      %xor3A_517 = arith.constant -1 : i32
      %xor3A_518 = vector.broadcast %xor3A_517 : i32 to vector<16xi32>
      %xor3A_519 = arith.xori %xor3A_518, %mul3A_516 : vector<16xi32>
      %xor3A_520 = arith.xori %get3A_510, %xor3A_519 : vector<16xi32>
      %bitcast3A_521 = vector.bitcast %xor3A_520 : vector<16xi32> to vector<16xf32>
      %ge3A_522 = vector.broadcast %or3A_189 : i32 to vector<16xi32>
      %ge3A_523 = arith.cmpi uge, %get3A_510, %ge3A_522 : vector<16xi32>
      %jit3A_524 = arith.constant 0.000000e+00 : f32
      %broadcast_in_dim3A_525 = vector.broadcast %jit3A_524 : f32 to vector<16xf32>
      %select_n3A_526 = arith.select %ge3A_523, %bitcast3A_521, %broadcast_in_dim3A_525 : vector<16xi1>, vector<16xf32>
      %add3A_527 = arith.addf %scan3A_411, %select_n3A_526 : vector<16xf32>
      %jit3A_528 = arith.constant 1 : i32
      %jit3A_529 = arith.constant 0 : i32
      %broadcast_in_dim3A_530 = vector.broadcast %jit3A_528 : i32 to vector<16xi32>
      %broadcast_in_dim3A_531 = vector.broadcast %jit3A_529 : i32 to vector<16xi32>
      %select_n3A_532 = arith.select %ge3A_523, %broadcast_in_dim3A_530, %broadcast_in_dim3A_531 : vector<16xi1>, vector<16xi32>
      %add3A_533 = arith.addi %scan3A_412, %select_n3A_532 : vector<16xi32>
      scf.yield %add3A_434, %add3A_440, %add3A_465, %add3A_471, %add3A_496, %add3A_502, %add3A_527, %add3A_533 : vector<16xf32>, vector<16xi32>, vector<16xf32>, vector<16xi32>, vector<16xf32>, vector<16xi32>, vector<16xf32>, vector<16xi32>
    }
    %scan3A_211 = arith.constant 256 : i32
    %add3A_212 = arith.addf %scan3A_210#0, %scan3A_210#2 : vector<16xf32>
    %add3A_213 = arith.addf %add3A_212, %scan3A_210#4 : vector<16xf32>
    %add3A_214 = arith.addf %add3A_213, %scan3A_210#6 : vector<16xf32>
    %add3A_215 = arith.addi %scan3A_210#1, %scan3A_210#3 : vector<16xi32>
    %add3A_216 = arith.addi %add3A_215, %scan3A_210#5 : vector<16xi32>
    %add3A_217 = arith.addi %add3A_216, %scan3A_210#7 : vector<16xi32>
    %swap3A = arith.constant 0 : index
    %swap3A_218 = tpu.vector_load %arg10[%swap3A] {strides = array<i32>} : memref<16xf32, #tpu.memory_space<vmem>>, vector<16xf32>,
    tpu.vector_store %arg10[%swap3A], %add3A_214 {strides = array<i32>} : memref<16xf32, #tpu.memory_space<vmem>>, vector<16xf32>,
    %swap3A_219 = arith.constant 0 : index
    %swap3A_220 = tpu.vector_load %arg11[%swap3A_219] {strides = array<i32>} : memref<16xi32, #tpu.memory_space<vmem>>, vector<16xi32>,
    tpu.vector_store %arg11[%swap3A_219], %add3A_217 {strides = array<i32>} : memref<16xi32, #tpu.memory_space<vmem>>, vector<16xi32>,
    "tpu.region"() ({
      %run_scoped3A = tpu.sem_alloc : memref<!tpu.dma_semaphore, #tpu.memory_space<semaphore_mem>>
      %dma_start3A = arith.constant 0 : i32
      %dma_start3A_404 = tpu.memref_slice %arg5[%arg1, %dma_start3A] : memref<16x16xf32, #tpu.memory_space<hbm>> -> memref<1x16xf32, #tpu.memory_space<hbm>>
      %dma_start3A_405 = tpu.memref_squeeze %dma_start3A_404 : memref<1x16xf32, #tpu.memory_space<hbm>> -> memref<16xf32, #tpu.memory_space<hbm>>
      %dma_start3A_406 = arith.constant 0 : i32
      %dma_start3A_407 = tpu.memref_slice %arg5[%arg1, %dma_start3A_406] : memref<16x16xf32, #tpu.memory_space<hbm>> -> memref<1x16xf32, #tpu.memory_space<hbm>>
      %dma_start3A_408 = tpu.memref_squeeze %dma_start3A_407 : memref<1x16xf32, #tpu.memory_space<hbm>> -> memref<16xf32, #tpu.memory_space<hbm>>
      tpu.enqueue_dma source(%arg10 : memref<16xf32, #tpu.memory_space<vmem>>) target(%dma_start3A_408 : memref<16xf32, #tpu.memory_space<hbm>>) target_semaphore(%run_scoped3A : memref<!tpu.dma_semaphore, #tpu.memory_space<semaphore_mem>>)
      %dma_wait3A = arith.constant 0 : i32
      %dma_wait3A_409 = tpu.memref_slice %arg5[%arg1, %dma_wait3A] : memref<16x16xf32, #tpu.memory_space<hbm>> -> memref<1x16xf32, #tpu.memory_space<hbm>>
      %dma_wait3A_410 = tpu.memref_squeeze %dma_wait3A_409 : memref<1x16xf32, #tpu.memory_space<hbm>> -> memref<16xf32, #tpu.memory_space<hbm>>
      %dma_wait3A_411 = arith.constant 0 : i32
      %dma_wait3A_412 = tpu.memref_slice %arg5[%arg1, %dma_wait3A_411] : memref<16x16xf32, #tpu.memory_space<hbm>> -> memref<1x16xf32, #tpu.memory_space<hbm>>
      %dma_wait3A_413 = tpu.memref_squeeze %dma_wait3A_412 : memref<1x16xf32, #tpu.memory_space<hbm>> -> memref<16xf32, #tpu.memory_space<hbm>>
      tpu.wait_dma2 semaphore(%run_scoped3A : memref<!tpu.dma_semaphore, #tpu.memory_space<semaphore_mem>>) src(%arg10 : memref<16xf32, #tpu.memory_space<vmem>>) dst(%dma_wait3A_413 : memref<16xf32, #tpu.memory_space<hbm>>)
      tpu.yield
    }) : () -> ()
    "tpu.region"() ({
      %run_scoped3A = tpu.sem_alloc : memref<!tpu.dma_semaphore, #tpu.memory_space<semaphore_mem>>
      %dma_start3A = arith.constant 0 : i32
      %dma_start3A_404 = tpu.memref_slice %arg6[%arg1, %dma_start3A] : memref<16x16xi32, #tpu.memory_space<hbm>> -> memref<1x16xi32, #tpu.memory_space<hbm>>
      %dma_start3A_405 = tpu.memref_squeeze %dma_start3A_404 : memref<1x16xi32, #tpu.memory_space<hbm>> -> memref<16xi32, #tpu.memory_space<hbm>>
      %dma_start3A_406 = arith.constant 0 : i32
      %dma_start3A_407 = tpu.memref_slice %arg6[%arg1, %dma_start3A_406] : memref<16x16xi32, #tpu.memory_space<hbm>> -> memref<1x16xi32, #tpu.memory_space<hbm>>
      %dma_start3A_408 = tpu.memref_squeeze %dma_start3A_407 : memref<1x16xi32, #tpu.memory_space<hbm>> -> memref<16xi32, #tpu.memory_space<hbm>>
      tpu.enqueue_dma source(%arg11 : memref<16xi32, #tpu.memory_space<vmem>>) target(%dma_start3A_408 : memref<16xi32, #tpu.memory_space<hbm>>) target_semaphore(%run_scoped3A : memref<!tpu.dma_semaphore, #tpu.memory_space<semaphore_mem>>)
      %dma_wait3A = arith.constant 0 : i32
      %dma_wait3A_409 = tpu.memref_slice %arg6[%arg1, %dma_wait3A] : memref<16x16xi32, #tpu.memory_space<hbm>> -> memref<1x16xi32, #tpu.memory_space<hbm>>
      %dma_wait3A_410 = tpu.memref_squeeze %dma_wait3A_409 : memref<1x16xi32, #tpu.memory_space<hbm>> -> memref<16xi32, #tpu.memory_space<hbm>>
      %dma_wait3A_411 = arith.constant 0 : i32
      %dma_wait3A_412 = tpu.memref_slice %arg6[%arg1, %dma_wait3A_411] : memref<16x16xi32, #tpu.memory_space<hbm>> -> memref<1x16xi32, #tpu.memory_space<hbm>>
      %dma_wait3A_413 = tpu.memref_squeeze %dma_wait3A_412 : memref<1x16xi32, #tpu.memory_space<hbm>> -> memref<16xi32, #tpu.memory_space<hbm>>
      tpu.wait_dma2 semaphore(%run_scoped3A : memref<!tpu.dma_semaphore, #tpu.memory_space<semaphore_mem>>) src(%arg11 : memref<16xi32, #tpu.memory_space<vmem>>) dst(%dma_wait3A_413 : memref<16xi32, #tpu.memory_space<hbm>>)
      tpu.yield
    }) : () -> ()
    %barrier3A_221 = arith.constant 0 : index
    tpu.barrier barrier_id(%barrier3A_221)
    "tpu.region"() ({
      %run_scoped3A = tpu.sem_alloc : memref<!tpu.dma_semaphore, #tpu.memory_space<semaphore_mem>>
      tpu.enqueue_dma source(%arg5 : memref<16x16xf32, #tpu.memory_space<hbm>>) target(%arg12 : memref<16x16xf32, #tpu.memory_space<vmem>>) target_semaphore(%run_scoped3A : memref<!tpu.dma_semaphore, #tpu.memory_space<semaphore_mem>>)
      tpu.wait_dma2 semaphore(%run_scoped3A : memref<!tpu.dma_semaphore, #tpu.memory_space<semaphore_mem>>) src(%arg5 : memref<16x16xf32, #tpu.memory_space<hbm>>) dst(%arg12 : memref<16x16xf32, #tpu.memory_space<vmem>>)
      tpu.yield
    }) : () -> ()
    "tpu.region"() ({
      %run_scoped3A = tpu.sem_alloc : memref<!tpu.dma_semaphore, #tpu.memory_space<semaphore_mem>>
      tpu.enqueue_dma source(%arg6 : memref<16x16xi32, #tpu.memory_space<hbm>>) target(%arg13 : memref<16x16xi32, #tpu.memory_space<vmem>>) target_semaphore(%run_scoped3A : memref<!tpu.dma_semaphore, #tpu.memory_space<semaphore_mem>>)
      tpu.wait_dma2 semaphore(%run_scoped3A : memref<!tpu.dma_semaphore, #tpu.memory_space<semaphore_mem>>) src(%arg6 : memref<16x16xi32, #tpu.memory_space<hbm>>) dst(%arg13 : memref<16x16xi32, #tpu.memory_space<vmem>>)
      tpu.yield
    }) : () -> ()
    %broadcast_in_dim3A_222 = arith.constant 0.000000e+00 : f32
    %broadcast_in_dim3A_223 = vector.broadcast %broadcast_in_dim3A_222 : f32 to vector<16xf32>
    %broadcast_in_dim3A_224 = arith.constant 0 : i32
    %broadcast_in_dim3A_225 = vector.broadcast %broadcast_in_dim3A_224 : i32 to vector<16xi32>
    %get3A_226 = arith.constant 0 : i32
    %get3A_227 = arith.index_cast %get3A_226 : i32 to index
    %get3A_228 = arith.constant 0 : index
    %get3A_229 = tpu.vector_load %arg12[%get3A_227, %get3A_228] {strides = array<i32>} : memref<16x16xf32, #tpu.memory_space<vmem>>, vector<16xf32>,
    %add3A_230 = arith.addf %broadcast_in_dim3A_223, %get3A_229 : vector<16xf32>
    %get3A_231 = arith.constant 0 : i32
    %get3A_232 = arith.index_cast %get3A_231 : i32 to index
    %get3A_233 = arith.constant 0 : index
    %get3A_234 = tpu.vector_load %arg13[%get3A_232, %get3A_233] {strides = array<i32>} : memref<16x16xi32, #tpu.memory_space<vmem>>, vector<16xi32>,
    %add3A_235 = arith.addi %broadcast_in_dim3A_225, %get3A_234 : vector<16xi32>
    %get3A_236 = arith.constant 1 : i32
    %get3A_237 = arith.index_cast %get3A_236 : i32 to index
    %get3A_238 = arith.constant 0 : index
    %get3A_239 = tpu.vector_load %arg12[%get3A_237, %get3A_238] {strides = array<i32>} : memref<16x16xf32, #tpu.memory_space<vmem>>, vector<16xf32>,
    %add3A_240 = arith.addf %add3A_230, %get3A_239 : vector<16xf32>
    %get3A_241 = arith.constant 1 : i32
    %get3A_242 = arith.index_cast %get3A_241 : i32 to index
    %get3A_243 = arith.constant 0 : index
    %get3A_244 = tpu.vector_load %arg13[%get3A_242, %get3A_243] {strides = array<i32>} : memref<16x16xi32, #tpu.memory_space<vmem>>, vector<16xi32>,
    %add3A_245 = arith.addi %add3A_235, %get3A_244 : vector<16xi32>
    %get3A_246 = arith.constant 2 : i32
    %get3A_247 = arith.index_cast %get3A_246 : i32 to index
    %get3A_248 = arith.constant 0 : index
    %get3A_249 = tpu.vector_load %arg12[%get3A_247, %get3A_248] {strides = array<i32>} : memref<16x16xf32, #tpu.memory_space<vmem>>, vector<16xf32>,
    %add3A_250 = arith.addf %add3A_240, %get3A_249 : vector<16xf32>
    %get3A_251 = arith.constant 2 : i32
    %get3A_252 = arith.index_cast %get3A_251 : i32 to index
    %get3A_253 = arith.constant 0 : index
    %get3A_254 = tpu.vector_load %arg13[%get3A_252, %get3A_253] {strides = array<i32>} : memref<16x16xi32, #tpu.memory_space<vmem>>, vector<16xi32>,
    %add3A_255 = arith.addi %add3A_245, %get3A_254 : vector<16xi32>
    %get3A_256 = arith.constant 3 : i32
    %get3A_257 = arith.index_cast %get3A_256 : i32 to index
    %get3A_258 = arith.constant 0 : index
    %get3A_259 = tpu.vector_load %arg12[%get3A_257, %get3A_258] {strides = array<i32>} : memref<16x16xf32, #tpu.memory_space<vmem>>, vector<16xf32>,
    %add3A_260 = arith.addf %add3A_250, %get3A_259 : vector<16xf32>
    %get3A_261 = arith.constant 3 : i32
    %get3A_262 = arith.index_cast %get3A_261 : i32 to index
    %get3A_263 = arith.constant 0 : index
    %get3A_264 = tpu.vector_load %arg13[%get3A_262, %get3A_263] {strides = array<i32>} : memref<16x16xi32, #tpu.memory_space<vmem>>, vector<16xi32>,
    %add3A_265 = arith.addi %add3A_255, %get3A_264 : vector<16xi32>
    %get3A_266 = arith.constant 4 : i32
    %get3A_267 = arith.index_cast %get3A_266 : i32 to index
    %get3A_268 = arith.constant 0 : index
    %get3A_269 = tpu.vector_load %arg12[%get3A_267, %get3A_268] {strides = array<i32>} : memref<16x16xf32, #tpu.memory_space<vmem>>, vector<16xf32>,
    %add3A_270 = arith.addf %add3A_260, %get3A_269 : vector<16xf32>
    %get3A_271 = arith.constant 4 : i32
    %get3A_272 = arith.index_cast %get3A_271 : i32 to index
    %get3A_273 = arith.constant 0 : index
    %get3A_274 = tpu.vector_load %arg13[%get3A_272, %get3A_273] {strides = array<i32>} : memref<16x16xi32, #tpu.memory_space<vmem>>, vector<16xi32>,
    %add3A_275 = arith.addi %add3A_265, %get3A_274 : vector<16xi32>
    %get3A_276 = arith.constant 5 : i32
    %get3A_277 = arith.index_cast %get3A_276 : i32 to index
    %get3A_278 = arith.constant 0 : index
    %get3A_279 = tpu.vector_load %arg12[%get3A_277, %get3A_278] {strides = array<i32>} : memref<16x16xf32, #tpu.memory_space<vmem>>, vector<16xf32>,
    %add3A_280 = arith.addf %add3A_270, %get3A_279 : vector<16xf32>
    %get3A_281 = arith.constant 5 : i32
    %get3A_282 = arith.index_cast %get3A_281 : i32 to index
    %get3A_283 = arith.constant 0 : index
    %get3A_284 = tpu.vector_load %arg13[%get3A_282, %get3A_283] {strides = array<i32>} : memref<16x16xi32, #tpu.memory_space<vmem>>, vector<16xi32>,
    %add3A_285 = arith.addi %add3A_275, %get3A_284 : vector<16xi32>
    %get3A_286 = arith.constant 6 : i32
    %get3A_287 = arith.index_cast %get3A_286 : i32 to index
    %get3A_288 = arith.constant 0 : index
    %get3A_289 = tpu.vector_load %arg12[%get3A_287, %get3A_288] {strides = array<i32>} : memref<16x16xf32, #tpu.memory_space<vmem>>, vector<16xf32>,
    %add3A_290 = arith.addf %add3A_280, %get3A_289 : vector<16xf32>
    %get3A_291 = arith.constant 6 : i32
    %get3A_292 = arith.index_cast %get3A_291 : i32 to index
    %get3A_293 = arith.constant 0 : index
    %get3A_294 = tpu.vector_load %arg13[%get3A_292, %get3A_293] {strides = array<i32>} : memref<16x16xi32, #tpu.memory_space<vmem>>, vector<16xi32>,
    %add3A_295 = arith.addi %add3A_285, %get3A_294 : vector<16xi32>
    %get3A_296 = arith.constant 7 : i32
    %get3A_297 = arith.index_cast %get3A_296 : i32 to index
    %get3A_298 = arith.constant 0 : index
    %get3A_299 = tpu.vector_load %arg12[%get3A_297, %get3A_298] {strides = array<i32>} : memref<16x16xf32, #tpu.memory_space<vmem>>, vector<16xf32>,
    %add3A_300 = arith.addf %add3A_290, %get3A_299 : vector<16xf32>
    %get3A_301 = arith.constant 7 : i32
    %get3A_302 = arith.index_cast %get3A_301 : i32 to index
    %get3A_303 = arith.constant 0 : index
    %get3A_304 = tpu.vector_load %arg13[%get3A_302, %get3A_303] {strides = array<i32>} : memref<16x16xi32, #tpu.memory_space<vmem>>, vector<16xi32>,
    %add3A_305 = arith.addi %add3A_295, %get3A_304 : vector<16xi32>
    %get3A_306 = arith.constant 8 : i32
    %get3A_307 = arith.index_cast %get3A_306 : i32 to index
    %get3A_308 = arith.constant 0 : index
    %get3A_309 = tpu.vector_load %arg12[%get3A_307, %get3A_308] {strides = array<i32>} : memref<16x16xf32, #tpu.memory_space<vmem>>, vector<16xf32>,
    %add3A_310 = arith.addf %add3A_300, %get3A_309 : vector<16xf32>
    %get3A_311 = arith.constant 8 : i32
    %get3A_312 = arith.index_cast %get3A_311 : i32 to index
    %get3A_313 = arith.constant 0 : index
    %get3A_314 = tpu.vector_load %arg13[%get3A_312, %get3A_313] {strides = array<i32>} : memref<16x16xi32, #tpu.memory_space<vmem>>, vector<16xi32>,
    %add3A_315 = arith.addi %add3A_305, %get3A_314 : vector<16xi32>
    %get3A_316 = arith.constant 9 : i32
    %get3A_317 = arith.index_cast %get3A_316 : i32 to index
    %get3A_318 = arith.constant 0 : index
    %get3A_319 = tpu.vector_load %arg12[%get3A_317, %get3A_318] {strides = array<i32>} : memref<16x16xf32, #tpu.memory_space<vmem>>, vector<16xf32>,
    %add3A_320 = arith.addf %add3A_310, %get3A_319 : vector<16xf32>
    %get3A_321 = arith.constant 9 : i32
    %get3A_322 = arith.index_cast %get3A_321 : i32 to index
    %get3A_323 = arith.constant 0 : index
    %get3A_324 = tpu.vector_load %arg13[%get3A_322, %get3A_323] {strides = array<i32>} : memref<16x16xi32, #tpu.memory_space<vmem>>, vector<16xi32>,
    %add3A_325 = arith.addi %add3A_315, %get3A_324 : vector<16xi32>
    %get3A_326 = arith.constant 10 : i32
    %get3A_327 = arith.index_cast %get3A_326 : i32 to index
    %get3A_328 = arith.constant 0 : index
    %get3A_329 = tpu.vector_load %arg12[%get3A_327, %get3A_328] {strides = array<i32>} : memref<16x16xf32, #tpu.memory_space<vmem>>, vector<16xf32>,
    %add3A_330 = arith.addf %add3A_320, %get3A_329 : vector<16xf32>
    %get3A_331 = arith.constant 10 : i32
    %get3A_332 = arith.index_cast %get3A_331 : i32 to index
    %get3A_333 = arith.constant 0 : index
    %get3A_334 = tpu.vector_load %arg13[%get3A_332, %get3A_333] {strides = array<i32>} : memref<16x16xi32, #tpu.memory_space<vmem>>, vector<16xi32>,
    %add3A_335 = arith.addi %add3A_325, %get3A_334 : vector<16xi32>
    %get3A_336 = arith.constant 11 : i32
    %get3A_337 = arith.index_cast %get3A_336 : i32 to index
    %get3A_338 = arith.constant 0 : index
    %get3A_339 = tpu.vector_load %arg12[%get3A_337, %get3A_338] {strides = array<i32>} : memref<16x16xf32, #tpu.memory_space<vmem>>, vector<16xf32>,
    %add3A_340 = arith.addf %add3A_330, %get3A_339 : vector<16xf32>
    %get3A_341 = arith.constant 11 : i32
    %get3A_342 = arith.index_cast %get3A_341 : i32 to index
    %get3A_343 = arith.constant 0 : index
    %get3A_344 = tpu.vector_load %arg13[%get3A_342, %get3A_343] {strides = array<i32>} : memref<16x16xi32, #tpu.memory_space<vmem>>, vector<16xi32>,
    %add3A_345 = arith.addi %add3A_335, %get3A_344 : vector<16xi32>
    %get3A_346 = arith.constant 12 : i32
    %get3A_347 = arith.index_cast %get3A_346 : i32 to index
    %get3A_348 = arith.constant 0 : index
    %get3A_349 = tpu.vector_load %arg12[%get3A_347, %get3A_348] {strides = array<i32>} : memref<16x16xf32, #tpu.memory_space<vmem>>, vector<16xf32>,
    %add3A_350 = arith.addf %add3A_340, %get3A_349 : vector<16xf32>
    %get3A_351 = arith.constant 12 : i32
    %get3A_352 = arith.index_cast %get3A_351 : i32 to index
    %get3A_353 = arith.constant 0 : index
    %get3A_354 = tpu.vector_load %arg13[%get3A_352, %get3A_353] {strides = array<i32>} : memref<16x16xi32, #tpu.memory_space<vmem>>, vector<16xi32>,
    %add3A_355 = arith.addi %add3A_345, %get3A_354 : vector<16xi32>
    %get3A_356 = arith.constant 13 : i32
    %get3A_357 = arith.index_cast %get3A_356 : i32 to index
    %get3A_358 = arith.constant 0 : index
    %get3A_359 = tpu.vector_load %arg12[%get3A_357, %get3A_358] {strides = array<i32>} : memref<16x16xf32, #tpu.memory_space<vmem>>, vector<16xf32>,
    %add3A_360 = arith.addf %add3A_350, %get3A_359 : vector<16xf32>
    %get3A_361 = arith.constant 13 : i32
    %get3A_362 = arith.index_cast %get3A_361 : i32 to index
    %get3A_363 = arith.constant 0 : index
    %get3A_364 = tpu.vector_load %arg13[%get3A_362, %get3A_363] {strides = array<i32>} : memref<16x16xi32, #tpu.memory_space<vmem>>, vector<16xi32>,
    %add3A_365 = arith.addi %add3A_355, %get3A_364 : vector<16xi32>
    %get3A_366 = arith.constant 14 : i32
    %get3A_367 = arith.index_cast %get3A_366 : i32 to index
    %get3A_368 = arith.constant 0 : index
    %get3A_369 = tpu.vector_load %arg12[%get3A_367, %get3A_368] {strides = array<i32>} : memref<16x16xf32, #tpu.memory_space<vmem>>, vector<16xf32>,
    %add3A_370 = arith.addf %add3A_360, %get3A_369 : vector<16xf32>
    %get3A_371 = arith.constant 14 : i32
    %get3A_372 = arith.index_cast %get3A_371 : i32 to index
    %get3A_373 = arith.constant 0 : index
    %get3A_374 = tpu.vector_load %arg13[%get3A_372, %get3A_373] {strides = array<i32>} : memref<16x16xi32, #tpu.memory_space<vmem>>, vector<16xi32>,
    %add3A_375 = arith.addi %add3A_365, %get3A_374 : vector<16xi32>
    %get3A_376 = arith.constant 15 : i32
    %get3A_377 = arith.index_cast %get3A_376 : i32 to index
    %get3A_378 = arith.constant 0 : index
    %get3A_379 = tpu.vector_load %arg12[%get3A_377, %get3A_378] {strides = array<i32>} : memref<16x16xf32, #tpu.memory_space<vmem>>, vector<16xf32>,
    %add3A_380 = arith.addf %add3A_370, %get3A_379 : vector<16xf32>
    %get3A_381 = arith.constant 15 : i32
    %get3A_382 = arith.index_cast %get3A_381 : i32 to index
    %get3A_383 = arith.constant 0 : index
    %get3A_384 = tpu.vector_load %arg13[%get3A_382, %get3A_383] {strides = array<i32>} : memref<16x16xi32, #tpu.memory_space<vmem>>, vector<16xi32>,
    %add3A_385 = arith.addi %add3A_375, %get3A_384 : vector<16xi32>
    %reduce_sum3A_386 = arith.constant true
    %reduce_sum3A_387 = vector.broadcast %reduce_sum3A_386 : i1 to vector<16xi1>
    %reduce_sum3A_388 = tpu.scan <sum>, %add3A_380 masked %reduce_sum3A_387 : vector<16xf32>, vector<16xi1> -> vector<16xf32>
    %reduce_sum3A_389 = vector.extract %reduce_sum3A_388[15] : f32 from vector<16xf32>
    %reduce_sum3A_390 = arith.constant true
    %reduce_sum3A_391 = vector.broadcast %reduce_sum3A_390 : i1 to vector<16xi1>
    %reduce_sum3A_392 = tpu.scan <sum>, %add3A_385 masked %reduce_sum3A_391 : vector<16xi32>, vector<16xi1> -> vector<16xi32>
    %reduce_sum3A_393 = vector.extract %reduce_sum3A_392[15] : i32 from vector<16xi32>
    %convert_element_type3A = arith.sitofp %reduce_sum3A_393 : i32 to f32
    %broadcast_in_dim3A_394 = vector.broadcast %reduce_sum3A_389 : f32 to vector<16xf32>
    %broadcast_in_dim3A_395 = vector.broadcast %convert_element_type3A : f32 to vector<16xf32>
    %add3A_396 = arith.constant 1.000000e-07 : f32
    %add3A_397 = vector.broadcast %add3A_396 : f32 to vector<16xf32>
    %add3A_398 = arith.addf %broadcast_in_dim3A_395, %add3A_397 : vector<16xf32>
    %div3A = arith.divf %broadcast_in_dim3A_394, %add3A_398 : vector<16xf32>
    %swap3A_399 = arith.constant 0 : index
    %swap3A_400 = tpu.vector_load %arg10[%swap3A_399] {strides = array<i32>} : memref<16xf32, #tpu.memory_space<vmem>>, vector<16xf32>,
    tpu.vector_store %arg10[%swap3A_399], %div3A {strides = array<i32>} : memref<16xf32, #tpu.memory_space<vmem>>, vector<16xf32>,
    %eq3A = arith.constant 0 : i32
    %eq3A_401 = arith.cmpi eq, %arg1, %eq3A : i32
    %convert_element_type3A_402 = arith.extui %eq3A_401 : i1 to i32
    %cond3A = arith.constant 0 : i32
    %cond3A_403 = arith.cmpi ne, %convert_element_type3A_402, %cond3A : i32
    scf.if %cond3A_403 {
      "tpu.region"() ({
        %run_scoped3A = tpu.sem_alloc : memref<!tpu.dma_semaphore, #tpu.memory_space<semaphore_mem>>
        tpu.enqueue_dma source(%arg10 : memref<16xf32, #tpu.memory_space<vmem>>) target(%arg3 : memref<16xf32, #tpu.memory_space<hbm>>) target_semaphore(%run_scoped3A : memref<!tpu.dma_semaphore, #tpu.memory_space<semaphore_mem>>)
        tpu.wait_dma2 semaphore(%run_scoped3A : memref<!tpu.dma_semaphore, #tpu.memory_space<semaphore_mem>>) src(%arg10 : memref<16xf32, #tpu.memory_space<vmem>>) dst(%arg3 : memref<16xf32, #tpu.memory_space<hbm>>)
        tpu.yield
      }) : () -> ()
    } else {
    }
    return
  }
}

module attributes {stable_mosaic.version = 14 : i64} {
  func.func @_loss_keys_body(%arg0: memref<32x8192xf32, #tpu.memory_space<vmem>>, %arg1: memref<32x8192xf32, #tpu.memory_space<vmem>>, %arg2: memref<32x8192xi32, #tpu.memory_space<vmem>>) attributes {dimension_semantics = [], scalar_prefetch = 0 : i64, scratch_operands = 0 : i64, tpu.core_type = #tpu.core_type<tc>} {
    %get3A = arith.constant 0 : index
    %get3A_0 = arith.constant 0 : index
    %get3A_1 = vector.load %arg0[%get3A, %get3A_0] : memref<32x8192xf32, #tpu.memory_space<vmem>>, vector<32x8192xf32>
    %get3A_2 = arith.constant 0 : index
    %get3A_3 = arith.constant 0 : index
    %get3A_4 = vector.load %arg1[%get3A_2, %get3A_3] : memref<32x8192xf32, #tpu.memory_space<vmem>>, vector<32x8192xf32>
    %max3A = arith.constant 0.000000e+00 : f32
    %max3A_5 = vector.broadcast %max3A : f32 to vector<32x8192xf32>
    %max3A_6 = arith.maximumf %get3A_1, %max3A_5 : vector<32x8192xf32>
    %mul3A = arith.mulf %get3A_1, %get3A_4 : vector<32x8192xf32>
    %sub3A = arith.subf %max3A_6, %mul3A : vector<32x8192xf32>
    %abs3A = math.absf %get3A_1 : vector<32x8192xf32>
    %neg3A = arith.constant 0.000000e+00 : f32
    %neg3A_7 = vector.broadcast %neg3A : f32 to vector<32x8192xf32>
    %neg3A_8 = arith.subf %neg3A_7, %abs3A : vector<32x8192xf32>
    %exp3A = math.exp %neg3A_8 : vector<32x8192xf32>
    %log1p3A = math.log1p %exp3A : vector<32x8192xf32>
    %add3A = arith.addf %sub3A, %log1p3A : vector<32x8192xf32>
    %bitcast_convert_type3A = tpu.bitcast %add3A : vector<32x8192xf32> -> vector<32x8192xi32>
    %shift_right_logical3A = arith.constant 31 : i32
    %shift_right_logical3A_9 = vector.broadcast %shift_right_logical3A : i32 to vector<32x8192xi32>
    %shift_right_logical3A_10 = arith.shrui %bitcast_convert_type3A, %shift_right_logical3A_9 : vector<32x8192xi32>
    %sub3A_11 = arith.constant 0 : i32
    %sub3A_12 = vector.broadcast %sub3A_11 : i32 to vector<32x8192xi32>
    %sub3A_13 = arith.subi %sub3A_12, %shift_right_logical3A_10 : vector<32x8192xi32>
    %or3A = arith.constant -2147483648 : i32
    %or3A_14 = vector.broadcast %or3A : i32 to vector<32x8192xi32>
    %or3A_15 = arith.ori %sub3A_13, %or3A_14 : vector<32x8192xi32>
    %xor3A = arith.xori %bitcast_convert_type3A, %or3A_15 : vector<32x8192xi32>
    %swap3A = arith.constant 0 : index
    %swap3A_16 = arith.constant 0 : index
    %swap3A_17 = vector.load %arg2[%swap3A, %swap3A_16] : memref<32x8192xi32, #tpu.memory_space<vmem>>, vector<32x8192xi32>
    tpu.vector_store %arg2[%swap3A, %swap3A_16], %xor3A {strides = array<i32>} : memref<32x8192xi32, #tpu.memory_space<vmem>>, vector<32x8192xi32>,
    return
  }
}

</mosaic_0001>

<sc_bundles>
// kernel: kernel.4.cloned.1.call-start
scs
__scs_entry_jumppad:
0x0: {  	(pc) =	sbr.rel $0x88, $3  }
0x1: {  	(tag) =	ssettag $0x0;
	lr =	simm.s32 $0x1  }
0x2: {  	[smem:$0x3F9F] =	sst lr;
	_ =	strace $0xD0000000  }
0x3: {  	_ = 	snop  }
0x4: {  	_ = 	snop  }
0x5: {  	_ = 	snop  }
0x6: {  	_ = 	snop  }
0x7: {  	_ = 	snop  }
__scs_overlays_trampoline_lowered:
0x8: {  	[smem:$0x3FAE] =	sst s0  }
0x9: {  	[smem:$0x3FAF] =	sst s1  }
0xa: {  	[smem:$0x3FB0] =	sst s2  }
0xb: {  	[smem:$0x3FB1] =	sst s3  }
0xc: {  	[smem:$0x3FB2] =	sst s4  }
0xd: {  	[smem:$0x3FB3] =	sst s5  }
0xe: {  	[smem:$0x3FB4] =	sst s6  }
0xf: {  	[smem:$0x3FB5] =	sst s7  }
0x10: {  	[smem:$0x3FB6] =	sst s8  }
0x11: {  	[smem:$0x3FB7] =	sst s9;
	s0 =	simm.s32 @!p0 $0x0  }
0x12: {  	s1 =	sld [smem:$0x3F9D];
	s0 =	simm.s32 @p0 $0x1  }
0x13: {  	[smem:$0x3FB8] =	sst s0;
	s0 =	simm.s32 @!p1 $0x0  }
0x14: {  	s2 =	sld [smem:$0x3F9C];
	s0 =	simm.s32 @p1 $0x1  }
0x15: {  	[smem:$0x3FB9] =	sst s0;
	s0 =	simm.s32 @!p2 $0x0  }
0x16: {  	s3 =	sld [smem:$0x3FDB];
	s0 =	simm.s32 @p2 $0x1  }
0x17: {  	s4 =	simm.s32 $0x1BF5;
	[smem:$0x3FBB] =	sst s0  }
0x18: {  	s0 =	sld [smem:$0x3F9E];
	_ =	swait.ge [sflag:s4], $0x0  }
0x19: {  	s7 =	sld [smem:$0x3F9F]  }
0x1a: {  	s8 =	sadd.s32 $0xFFFFE003, lr  }
0x1b: {  	s9 =	sadd.s32 $0xFFFFFEF7, lr;
	s5 =	simm.s32 $0xFFFFFFFF;
	p2 =	slt.u32 s8, $0xFFFFF086  }
0x1c: {  	p1 =	slt.u32 s9, $0xF7A;
	s5 =	simm.s32 @!p2 $0x0  }
0x1d: {  	s5 =	simm.s32 @p1 $0x1;
	p0 =	seq.s32 s7, s2  }
0x1e: {  	s7 =	smul.u32 @!p0 $0xF7A, s2;
	p2 =	seq.s32 @!p0 s5, $0x0  }
0x1f: {  	s9 =	smul.u32 $0xF7A, s1;
	s8 =	simm.s32 @!p0 $0x1BF5;
	p2 =	por !p2, p0  }
0x20: {  	[sflag:s8] =	ssyncset.s32 @!p0 $0xFFFFF086;
	s6 =	sadd.s32 @!p0 s3, s7;
	s7 =	simm.s32 @!p0 $0x108  }
0x21: {  	s3 =	sadd.s32 s3, s9;
	s6 =	sadd.s32 @!p0 $0x88, s6;
	s7 =	simm.s32 @p2 $0x1082  }
0x22: {  	[simem:s7], [sflag:s8] =	dma.local @!p0 [hbm:s6], $0xF7A  }
0x23: {  	s9 =	sor.u32 $0xD0000000, s2;
	s6 =	simm.s32 $0x108;
	_ =	swait.ge @!p0 [sflag:s8], $0x0  }
0x24: {  	s3 =	sadd.s32 $0x88, s3;
	s6 =	simm.s32 @!p1 $0x1082;
	[sflag:s4] =	ssyncset.s32 $0xFFFFF086  }
0x25: {  	[simem:s6], [sflag:s4] =	dma.local [hbm:s3], $0xF7A  }
0x26: {  	[smem:$0x3F9F] =	sst s1;
	(tag) =	ssettag s2;
	_ =	strace s9  }
0x27: {  	s1 =	sld [smem:$0x3FAF]  }
0x28: {  	s2 =	sld [smem:$0x3FB0]  }
0x29: {  	s4 =	sld [smem:$0x3FB2]  }
0x2a: {  	p0 =	seq.s32 s5, $0x0;
	s5 =	sld [smem:$0x3FB3]  }
0x2b: {  	s6 =	sld [smem:$0x3FB4]  }
0x2c: {  	s7 =	sld [smem:$0x3FB5]  }
0x2d: {  	s3 =	simm.s32 $0x108;
	s8 =	sld [smem:$0x3FB6]  }
0x2e: {  	s3 =	simm.s32 @!p0 $0x1082;
	s9 =	sld [smem:$0x3FB7]  }
0x2f: {  	lr =	sadd.s32 s0, s3;
	s0 =	sld [smem:$0x3FAE]  }
0x30: {  	s3 =	sld [smem:$0x3FB1]  }
0x31: {  	[smem:$0x3FBA] =	sst s10  }
0x32: {  	s10 =	sld [smem:$0x3FB8];
	_ =	sdelay $0x3  }
0x33: {  	p0 =	seq.s32 s10, $0x1;
	s10 =	sld [smem:$0x3FBA];
	_ =	sdelay $0x3  }
0x34: {  	[smem:$0x3FBA] =	sst s10  }
0x35: {  	s10 =	sld [smem:$0x3FB9];
	_ =	sdelay $0x3  }
0x36: {  	p1 =	seq.s32 s10, $0x1;
	s10 =	sld [smem:$0x3FBA];
	_ =	sdelay $0x3  }
0x37: {  	[smem:$0x3FBA] =	sst s10  }
0x38: {  	s10 =	sld [smem:$0x3FBB]  }
0x39: {  	_ = 	snop;
	(pc) =	sbr.ind lr, $3  }
0x3a: {  	_ = 	snop  }
0x3b: {  	_ = 	snop  }
0x3c: {  	p2 =	seq.s32 s10, $0x1;
	s10 =	sld [smem:$0x3FBA]  }
0x3d: {  	_ =	shalt  }
0x3e: {  	_ =	shalt  }
0x3f: {  	_ =	shalt  }
0x40: {  	_ =	shalt  }
0x41: {  	_ =	shalt  }
0x42: {  	_ =	shalt  }
0x43: {  	_ =	shalt  }
0x44: {  	_ =	shalt  }
0x45: {  	_ =	shalt  }
0x46: {  	_ =	shalt  }
0x47: {  	_ =	shalt  }
0x48: {  	_ =	shalt  }
0x49: {  	_ =	shalt  }
0x4a: {  	_ =	shalt  }
0x4b: {  	_ =	shalt  }
0x4c: {  	_ =	shalt  }
0x4d: {  	_ =	shalt  }
0x4e: {  	_ =	shalt  }
0x4f: {  	_ =	shalt  }
0x50: {  	_ =	shalt  }
0x51: {  	_ =	shalt  }
0x52: {  	_ =	shalt  }
0x53: {  	_ =	shalt  }
0x54: {  	_ =	shalt  }
0x55: {  	_ =	shalt  }
0x56: {  	_ =	shalt  }
0x57: {  	_ =	shalt  }
0x58: {  	_ =	shalt  }
0x59: {  	_ =	shalt  }
0x5a: {  	_ =	shalt  }
0x5b: {  	_ =	shalt  }
0x5c: {  	_ =	shalt  }
0x5d: {  	_ =	shalt  }
0x5e: {  	_ =	shalt  }
0x5f: {  	_ =	shalt  }
0x60: {  	_ =	shalt  }
0x61: {  	_ =	shalt  }
0x62: {  	_ =	shalt  }
0x63: {  	_ =	shalt  }
0x64: {  	_ =	shalt  }
0x65: {  	_ =	shalt  }
0x66: {  	_ =	shalt  }
0x67: {  	_ =	shalt  }
0x68: {  	_ =	shalt  }
0x69: {  	_ =	shalt  }
0x6a: {  	_ =	shalt  }
0x6b: {  	_ =	shalt  }
0x6c: {  	_ =	shalt  }
0x6d: {  	_ =	shalt  }
0x6e: {  	_ =	shalt  }
0x6f: {  	_ =	shalt  }
0x70: {  	_ =	shalt  }
0x71: {  	_ =	shalt  }
0x72: {  	_ =	shalt  }
0x73: {  	_ =	shalt  }
0x74: {  	_ =	shalt  }
0x75: {  	_ =	shalt  }
0x76: {  	_ =	shalt  }
0x77: {  	_ =	shalt  }
0x78: {  	_ =	shalt  }
0x79: {  	_ =	shalt  }
0x7a: {  	_ =	shalt  }
0x7b: {  	_ =	shalt  }
0x7c: {  	_ =	shalt  }
0x7d: {  	_ =	shalt  }
0x7e: {  	_ =	shalt  }
0x7f: {  	_ =	shalt  }
0x80: {  	_ =	shalt  }
0x81: {  	_ =	shalt  }
0x82: {  	_ =	shalt  }
0x83: {  	_ =	shalt  }
0x84: {  	_ =	shalt  }
0x85: {  	_ =	shalt  }
0x86: {  	_ =	shalt  }
0x87: {  	_ =	shalt  }
.Lfunc_end0:
.L_simem_size_0:
called_computation_lowered:
.L_overlay_start_0:
0x88: {  	s0 =	sld [smem:$0x3FD9]  }
0x89: {  	s1 =	sld [smem:$0x3FFE];
	_ =	sdelay $0x3  }
0x8a: {  	s0 =	sadd.s32 s1, s0  }
0x8b: {  	[smem:$0x3FC6] =	sst s0  }
0x8c: {  	_ = 	snop  }
0x8d: {  	s0 =	sld [smem:$0x3FD0];
	(tm) =	ssettm $0x1  }
0x8e: {  	s16 =	sld [smem:$0x3FFB];
	_ =	sdelay $0x3  }
0x8f: {  	_ =	strace s16  }
0x90: {  	s1 =	sld [smem:$0x3FFC];
	_ =	sdelay $0x3  }
0x91: {  	_ =	strace s1  }
0x92: {  	s1 =	sld [smem:$0x3FFD];
	_ =	sdelay $0x3  }
0x93: {  	_ =	strace s1  }
0x94: {  	_ =	strace $0x8FFFFFFF  }
0x95: {  	s17 =	sld [smem:$0x3FDB];
	_ =	sdelay $0x1  }
0x96: {  	s2 =	simm.s32 $_scs_section_size  }
0x97: {  	s3 =	simm.s32 $_size__tile_overlayer_lowered;
	s4 =	simm.s32 $_tile_overlayer_lowered  }
0x98: {  	s20 =	simm.s32 $0x1BFF;
	s19 =	sshll.u32 s4, $0x1;
	s1 =	sadd.s32 s2, s17  }
0x99: {  	s5 =	simm.s32 $0x0;
	s18 =	sshll.u32 s3, $0x1;
	s3 =	sadd.s32 s19, s1  }
0x9a: {  	[timem:s5], [sflag:s20] =	dma.local [hbm:s3], s18  }
0x9b: {  	_ =	swait.ge [sflag:s20], s18  }
0x9c: {  	s2 =	ssub.s32 $0x0, s18;
	[sflag:s20] =	ssyncset.done $0x0  }
0x9d: {  	[sflag:s20] =	ssyncadd.s32 s2;
	_ =	sdelay $0x1  }
0x9e: {  	s21 =	simm.s32 $0x1B8B  }
0x9f: {  	_ =	swait.ge [sflag:s21], $0x1  }
0xa0: {  	[sflag:s21] =	ssyncset.done $0x0  }
0xa1: {  	s23 =	simm.s32 $0x1B8E;
	s22 =	sld [smem:$0x3FFE];
	[sflag:s21] =	ssyncadd.s32 $0xFFFFFFFF  }
0xa2: {  	s24 =	simm.s32 $execute0_lowered;
	[smem:$0x3FD2] =	sst s23  }
0xa3: {  	s3 =	sshll.u32 s24, $0x1;
	_ =	strace $0x80000046;
	[dreg:$0x1] =	wrdreg $0xFFFFFFFF  }
0xa4: {  	s25 =	simm.s32 $_size_execute0_lowered;
	s1 =	sadd.s32 s1, s3;
	[dreg:$0x0] =	wrdreg $0x0  }
0xa5: {  	s3 =	sshll.u32 s25, $0x1;
	[dreg:$0x2] =	wrdreg s1  }
0xa6: {  	[dreg:$0x3] =	wrdreg s3  }
0xa7: {  	[dreg:$0x4] =	wrdreg $0xC0  }
0xa8: {  	_ =	task [dreg:s5], $0x5FFFF  }
0xa9: {  	[dreg:$0x1] =	wrdreg $0xFFFFFFFF  }
0xaa: {  	[dreg:$0x0] =	wrdreg $0x60  }
0xab: {  	[dreg:$0x2] =	wrdreg s22  }
0xac: {  	[dreg:$0x3] =	wrdreg s0  }
0xad: {  	[dreg:$0x4] =	wrdreg $0x9  }
0xae: {  	_ =	task.clear_ibuf [dreg:s5], $0x5FFFF;
	_ =	strace $0x90000046  }
0xaf: {  	s26 =	simm.s32 $0x9;
	_ =	strace $0x80000048  }
0xb0: {  	_ =	swait.ge [sflag:s26], $0x1  }
0xb1: {  	[sflag:s26] =	ssyncadd.s32 $0xFFFFFFFF  }
0xb2: {  	_ =	strace $0x90000048  }
0xb3: {  	_ =	sfence  }
0xb4: {  	s28 =	sld [smem:$0x0];
	_ =	sdelay $0x1  }
0xb5: {  	s29 =	srdreg.scid  }
0xb6: {  	s30 =	sshll.u32 s29, $0xD;
	s31 =	sshrl.u32 s29, $0x2  }
0xb7: {  	s2 =	sand.u32 $0x4000, s30;
	s1 =	sand.u32 $0x1, s29;
	s0 =	sadd.s32 s31, s28  }
0xb8: {  	s1 =	sor.u32 s2, s1;
	s0 =	sshll.u32 s0, $0x11  }
0xb9: {  	s0 =	sor.u32 s0, s1  }
0xba: {  	s0 =	sadd.s32 $0x8F2B, s0  }
0xbb: {  	[sflag:s0] =	ssyncadd.remote.s32 $0x1  }
0xbc: {  	_ =	sfence.sel $0xFFFF  }
0xbd: {  	[dreg:$0x0] =	wrdreg $0xFFFFFFFF;
	(pc) =	sbr.abs _section_cstart, $3  }
0xbe: {  	[dreg:$0x1] =	wrdreg $0xFFFFFFFF  }
0xbf: {  	_ =	task.clear_ibuf [dreg:s5], $0x2FFFF;
	_ =	strace $0x9FFFFFFF  }
0xc0: {  	(tm) =	ssettm $0x7FFFFFFF  }
0xc1: {  	_ =	shalt  }
tec
execute0_lowered:
.L_overlay_start_1:
0x0: {  	(tag) =	ssettag $0x1  }
0x1: {  	s3 =	rddreg [dreg:$0x0];
	s2 =	stileid.u32  }
0x2: {  	s1 =	rddreg [dreg:$0x1];
	s4 =	simm.s32 $0x0;
	s5 =	sshll.u32 s2, $0xB  }
0x3: {  	[smem:$0x7FF] =	sst s4;
	s5 =	sadd.s32 s5, s3  }
0x4: {  	s31 =	simm.s32 $0x1;
	_ =	strace $0x80000047;
	s5 =	sadd.s32 $0xC00, s5  }
0x5: {  	[tilespmem:s4], [sflag:$0x1] =	stream.linear.gather [hbm4b:s5+s4], $0x4000, $0x38;
	[tilespmem:$0xD900] =	vst v63  }
0x6: {  	_ =	swait.ge [sflag:s31], $0x4000  }
0x7: {  	[sflag:s31] =	ssyncset.done $0x0  }
0x8: {  	s6 =	simm.s32 $0x4040;
	v0 =	vimm.s32 $0x0;
	[sflag:s31] =	ssyncadd.s32 $0xFFFFC000  }
0x9: {  	[tilespmem:s6+$0xFFFFFFC0] =	vst v0  }
0xa: {  	[tilespmem:s6+$0x30] =	vst v0  }
0xb: {  	[tilespmem:s6+$0x20] =	vst v0  }
0xc: {  	[tilespmem:s6+$0x10] =	vst v0  }
0xd: {  	[tilespmem:s6+$0x0] =	vst v0  }
0xe: {  	s7 =	simm.s32 $0x0;
	[tilespmem:s6+$0xFFFFFFF0] =	vst v0  }
0xf: {  	s5 =	sadd.s32 $0x8C00, s3;
	s4 =	sadd.s32 $0x9C00, s3;
	s3 =	sadd.s32 $0x9E00, s3;
	[tilespmem:s6+$0xFFFFFFE0] =	vst v0  }
.LBB2_1:
0x10: {  	s7 =	sadd.s32 $0x8, s7;
	[tilespmem:s6+$0xFFFFFFD0] =	vst v0;
	s6 =	sadd.s32 $0x80, s6  }
0x11: {  	[tilespmem:s6+$0xFFFFFFC0] =	vst v0;
	p0 =	slt.u32 s7, $0x78  }
0x12: {  	[tilespmem:s6+$0x30] =	vst v0  }
.Ltmp0:
0x13: {  	[tilespmem:s6+$0x20] =	vst v0;
	(pc) =	sbr.rel @p0 .LBB2_1-.Ltmp0, $4  }
0x14: {  	[tilespmem:s6+$0x10] =	vst v0  }
0x15: {  	[tilespmem:s6+$0x0] =	vst v0  }
0x16: {  	[tilespmem:s6+$0xFFFFFFF0] =	vst v0  }
0x17: {  	[tilespmem:s6+$0xFFFFFFE0] =	vst v0  }
0x18: {  	[tilespmem:s6+$0xFFFFFFD0] =	vst v0;
	s7 =	simm.s32 $0x40  }
0x19: {  	v0 =	vld [tilespmem:s7+$0x0];
	_ =	sdelay $0x2  }
0x1a: {  	v1 =	vld [tilespmem:s7+$0xFFFFFFC0];
	_ =	sdelay $0x1  }
0x1b: {  	v2 =	vshrl.u32 v0, $0x15;
	_ =	sdelay $0x2  }
0x1c: {  	v1 =	vshrl.u32 v1, $0x15  }
0x1d: {  	s6 =	simm.s32 $0x4000;
	v0 =	vimm.s32 $0x1  }
0x1e: {  	[tilespmem:v2+s6+$0x0] =	vst.idx.add.s32.msk $0xffff, v0  }
0x1f: {  	v2 =	vld [tilespmem:s7+$0x10];
	_ =	sdelay $0x1  }
0x20: {  	[tilespmem:v1+s6+$0x0] =	vst.idx.add.s32.msk $0xffff, v0  }
0x21: {  	v1 =	vld [tilespmem:s7+$0xFFFFFFD0]  }
0x22: {  	s8 =	simm.s32 $0xC0  }
0x23: {  	v3 =	vld [tilespmem:s8+$0x0];
	v2 =	vshrl.u32 v2, $0x15;
	_ =	sdelay $0x1  }
0x24: {  	v4 =	vld [tilespmem:s8+$0xFFFFFFC0]  }
0x25: {  	v1 =	vshrl.u32 v1, $0x15;
	_ =	sdelay $0x1  }
0x26: {  	v3 =	vshrl.u32 v3, $0x15;
	[tilespmem:v2+s6+$0x0] =	vst.idx.add.s32.msk $0xffff, v0  }
0x27: {  	v2 =	vld [tilespmem:s7+$0x20]  }
0x28: {  	v4 =	vshrl.u32 v4, $0x15  }
0x29: {  	[tilespmem:v1+s6+$0x0] =	vst.idx.add.s32.msk $0xffff, v0  }
0x2a: {  	v1 =	vld [tilespmem:s7+$0xFFFFFFE0]  }
0x2b: {  	[tilespmem:v3+s6+$0x0] =	vst.idx.add.s32.msk $0xffff, v0  }
0x2c: {  	v3 =	vld [tilespmem:s8+$0x10];
	v2 =	vshrl.u32 v2, $0x15  }
0x2d: {  	[tilespmem:v4+s6+$0x0] =	vst.idx.add.s32.msk $0xffff, v0  }
0x2e: {  	v4 =	vld [tilespmem:s8+$0xFFFFFFD0]  }
0x2f: {  	s9 =	simm.s32 $0x2;
	s10 =	simm.s32 $0x140;
	v1 =	vshrl.u32 v1, $0x15  }
.LBB2_3:
0x30: {  	v5 =	vld [tilespmem:s10+$0x0]  }
0x31: {  	s9 =	sadd.s32 $0x2, s9;
	v3 =	vshrl.u32 v3, $0x15;
	[tilespmem:v2+s6+$0x0] =	vst.idx.add.s32.msk $0xffff, v0  }
0x32: {  	p0 =	slt.u32 s9, $0xFE;
	v2 =	vld [tilespmem:s7+$0x30]  }
0x33: {  	v6 =	vld [tilespmem:s10+$0xFFFFFFC0];
	v4 =	vshrl.u32 v4, $0x15  }
0x34: {  	[tilespmem:v1+s6+$0x0] =	vst.idx.add.s32.msk $0xffff, v0  }
0x35: {  	v1 =	vshrl.u32 v5, $0x15;
	v5 =	vld [tilespmem:s7+$0xFFFFFFF0];
	s7 =	smov.u32 s8;
	s8 =	smov.u32 s10  }
0x36: {  	[tilespmem:v3+s6+$0x0] =	vst.idx.add.s32.msk $0xffff, v0  }
0x37: {  	v7 =	vld [tilespmem:s7+$0x20];
	v8 =	vshrl.u32 v2, $0x15  }
0x38: {  	v6 =	vshrl.u32 v6, $0x15;
	[tilespmem:v4+s6+$0x0] =	vst.idx.add.s32.msk $0xffff, v0  }
0x39: {  	v9 =	vld [tilespmem:s7+$0xFFFFFFE0]  }
0x3a: {  	[tilespmem:v1+s6+$0x0] =	vst.idx.add.s32.msk $0xffff, v0;
	v5 =	vshrl.u32 v5, $0x15  }
.Ltmp1:
0x3b: {  	v3 =	vld [tilespmem:s10+$0x10];
	(pc) =	sbr.rel @p0 .LBB2_3-.Ltmp1, $4  }
0x3c: {  	v2 =	vshrl.u32 v7, $0x15;
	[tilespmem:v8+s6+$0x0] =	vst.idx.add.s32.msk $0xffff, v0  }
0x3d: {  	[tilespmem:v6+s6+$0x0] =	vst.idx.add.s32.msk $0xffff, v0  }
0x3e: {  	v4 =	vld [tilespmem:s10+$0xFFFFFFD0];
	v1 =	vshrl.u32 v9, $0x15  }
0x3f: {  	s10 =	sadd.s32 $0x80, s10;
	[tilespmem:v5+s6+$0x0] =	vst.idx.add.s32.msk $0xffff, v0  }
0x40: {  	_ = 	snop  }
0x41: {  	v3 =	vshrl.u32 v3, $0x15;
	_ =	sdelay $0x1  }
0x42: {  	v4 =	vshrl.u32 v4, $0x15;
	_ =	sdelay $0x2  }
0x43: {  	[tilespmem:v3+s6+$0x0] =	vst.idx.add.s32.msk $0xffff, v0  }
0x44: {  	v3 =	vld [tilespmem:s8+$0x20]  }
0x45: {  	[tilespmem:v4+s6+$0x0] =	vst.idx.add.s32.msk $0xffff, v0  }
0x46: {  	v4 =	vld [tilespmem:s8+$0xFFFFFFE0];
	_ =	sdelay $0x2  }
0x47: {  	v3 =	vshrl.u32 v3, $0x15  }
0x48: {  	[tilespmem:v2+s6+$0x0] =	vst.idx.add.s32.msk $0xffff, v0  }
0x49: {  	[tilespmem:v1+s6+$0x0] =	vst.idx.add.s32.msk $0xffff, v0;
	v4 =	vshrl.u32 v4, $0x15  }
0x4a: {  	v2 =	vld [tilespmem:s7+$0x30]  }
0x4b: {  	v1 =	vld [tilespmem:s7+$0xFFFFFFF0]  }
0x4c: {  	[tilespmem:v3+s6+$0x0] =	vst.idx.add.s32.msk $0xffff, v0  }
0x4d: {  	v3 =	vld [tilespmem:s8+$0x30]  }
0x4e: {  	[tilespmem:v4+s6+$0x0] =	vst.idx.add.s32.msk $0xffff, v0  }
0x4f: {  	v4 =	vld [tilespmem:s8+$0xFFFFFFF0];
	_ =	sdelay $0x1  }
0x50: {  	v2 =	vshrl.u32 v2, $0x15  }
0x51: {  	v1 =	vshrl.u32 v1, $0x15  }
0x52: {  	v3 =	vshrl.u32 v3, $0x15  }
0x53: {  	v4 =	vshrl.u32 v4, $0x15;
	_ =	sdelay $0x1  }
0x54: {  	[tilespmem:v2+s6+$0x0] =	vst.idx.add.s32.msk $0xffff, v0  }
0x55: {  	[tilespmem:v1+s6+$0x0] =	vst.idx.add.s32.msk $0xffff, v0  }
0x56: {  	s24 =	sshll.u32 s2, $0x8;
	s25 =	simm.s32 $0x0;
	[tilespmem:v3+s6+$0x0] =	vst.idx.add.s32.msk $0xffff, v0  }
0x57: {  	s26 =	simm.s32 $0x4000;
	s7 =	simm.s32 $0x1;
	[tilespmem:v4+s6+$0x0] =	vst.idx.add.s32.msk $0xffff, v0;
	s6 =	sadd.s32 s5, s24  }
0x58: {  	[hbm4b:s6+s25] =	stream.linear.scatter [tilespmem:s26], [sflag:$0x1], $0x800, $0x38;
	[tilespmem:$0xD900] =	vst v63  }
0x59: {  	_ =	swait.ge [sflag:s7], $0x800  }
0x5a: {  	[sflag:s7] =	ssyncset.done $0x0  }
0x5b: {  	[sflag:s7] =	ssyncadd.s32 $0xFFFFF800  }
0x5c: {  	s9 =	simm.s32 $0x4800;
	[bflag:$0x0] =	sbarrier.arrive $0xFFFF  }
0x5d: {  	[tilespmem:s9], [sflag:$0x1] =	stream.linear.gather [hbm4b:s5+s25], $0x8000, $0x38;
	[tilespmem:$0xD900] =	vst v63  }
0x5e: {  	_ =	swait.ge [sflag:s7], $0x8000  }
0x5f: {  	[sflag:s7] =	ssyncset.done $0x0  }
0x60: {  	s28 =	simm.s32 $0x0;
	[sflag:s7] =	ssyncadd.s32 $0xFFFF8000  }
0x61: {  	s10 =	simm.s32 $0x4810;
	s13 =	sand.u32 $0x780, s28;
	[bflag:$0x0] =	sbarrier.arrive $0xFFFF  }
0x62: {  	s14 =	sand.u32 $0x60, s28;
	s8 =	sor.u32 $0xC000, s13;
	v0 =	vld [tilespmem:s10+$0xFFFFFFF0]  }
0x63: {  	s11 =	sor.u32 s14, s8;
	s9 =	sor.u32 $0xB800, s13;
	v1 =	vld [tilespmem:s10+$0x0]  }
0x64: {  	s29 =	sor.u32 $0x6800, s13;
	s12 =	sor.u32 s14, s9;
	v2 =	vld [tilespmem:s11+$0x0]  }
0x65: {  	s30 =	sor.u32 $0x6000, s13;
	s24 =	sor.u32 s14, s29;
	v3 =	vld [tilespmem:s12+$0x0]  }
0x66: {  	s31 =	sor.u32 $0x5800, s13;
	s25 =	sor.u32 s14, s30;
	v13 =	vld [tilespmem:s24+$0x0]  }
0x67: {  	s26 =	sor.u32 s14, s31;
	s10 =	sor.u32 $0xB000, s13;
	v14 =	vld [tilespmem:s25+$0x0]  }
0x68: {  	s11 =	sor.u32 $0xA800, s13;
	v15 =	vld [tilespmem:s26+$0x0];
	s15 =	sor.u32 s14, s10  }
0x69: {  	s0 =	simm.s32 $0x10;
	s12 =	sor.u32 $0xA000, s13;
	s16 =	sor.u32 s14, s11;
	v4 =	vld [tilespmem:s15+$0x0]  }
0x6a: {  	s24 =	sand.u32 $0x70, s0;
	s17 =	sor.u32 s14, s12;
	v5 =	vld [tilespmem:s16+$0x0]  }
0x6b: {  	s26 =	sor.u32 s24, s31;
	v6 =	vld [tilespmem:s17+$0x0]  }
0x6c: {  	s28 =	sor.u32 s24, s30;
	s15 =	sor.u32 $0x9800, s13;
	v18 =	vld [tilespmem:s26+$0x0]  }
0x6d: {  	s16 =	sor.u32 $0x9000, s13;
	v19 =	vld [tilespmem:s28+$0x0];
	s18 =	sor.u32 s14, s15  }
0x6e: {  	s29 =	sor.u32 s24, s29;
	s17 =	sor.u32 $0x8800, s13;
	s19 =	sor.u32 s14, s16;
	v7 =	vld [tilespmem:s18+$0x0]  }
0x6f: {  	s20 =	sor.u32 s14, s17;
	s18 =	sor.u32 $0x8000, s13;
	v8 =	vld [tilespmem:s19+$0x0];
	s19 =	sor.u32 $0x7800, s13  }
0x70: {  	v9 =	vld [tilespmem:s20+$0x0];
	s20 =	sor.u32 $0x7000, s13;
	s13 =	sor.u32 $0x5000, s13;
	s21 =	sor.u32 s14, s18  }
0x71: {  	v20 =	vld [tilespmem:s29+$0x0];
	s22 =	sor.u32 s14, s19;
	s23 =	sor.u32 s14, s20;
	s14 =	sor.u32 s14, s13  }
0x72: {  	v16 =	vld [tilespmem:s14+$0x0]  }
0x73: {  	s13 =	sor.u32 s24, s13;
	v10 =	vld [tilespmem:s21+$0x0]  }
0x74: {  	v17 =	vld [tilespmem:s13+$0x0]  }
0x75: {  	v11 =	vld [tilespmem:s22+$0x0]  }
0x76: {  	s30 =	sor.u32 s24, s20;
	v12 =	vld [tilespmem:s23+$0x0]  }
0x77: {  	s31 =	sor.u32 s24, s19;
	v21 =	vld [tilespmem:s30+$0x0];
	v0 =	vadd.s32 v0, v16  }
0x78: {  	s0 =	sor.u32 s24, s18;
	v55 =	vld [tilespmem:s31+$0x0];
	v0 =	vadd.s32 v15, v0  }
0x79: {  	s14 =	sor.u32 s24, s17;
	v1 =	vadd.s32 v1, v17;
	v15 =	vld [tilespmem:s0+$0x0];
	v0 =	vadd.s32 v14, v0  }
0x7a: {  	s17 =	sor.u32 s24, s16;
	v1 =	vadd.s32 v18, v1;
	v14 =	vld [tilespmem:s14+$0x0];
	v0 =	vadd.s32 v13, v0  }
0x7b: {  	s18 =	sor.u32 s24, s15;
	v1 =	vadd.s32 v19, v1;
	v13 =	vld [tilespmem:s17+$0x0];
	v0 =	vadd.s32 v12, v0  }
0x7c: {  	s12 =	sor.u32 s24, s12;
	v1 =	vadd.s32 v20, v1;
	v12 =	vld [tilespmem:s18+$0x0];
	v0 =	vadd.s32 v11, v0  }
0x7d: {  	s11 =	sor.u32 s24, s11;
	v1 =	vadd.s32 v21, v1;
	v11 =	vld [tilespmem:s12+$0x0];
	v0 =	vadd.s32 v10, v0  }
0x7e: {  	s10 =	sor.u32 s24, s10;
	v1 =	vadd.s32 v55, v1;
	v10 =	vld [tilespmem:s11+$0x0];
	v0 =	vadd.s32 v9, v0  }
0x7f: {  	s9 =	sor.u32 s24, s9;
	v1 =	vadd.s32 v15, v1;
	v9 =	vld [tilespmem:s10+$0x0];
	v0 =	vadd.s32 v8, v0  }
0x80: {  	s8 =	sor.u32 s24, s8;
	s19 =	simm.s32 $0x20;
	v1 =	vadd.s32 v14, v1;
	v8 =	vld [tilespmem:s9+$0x0];
	v0 =	vadd.s32 v7, v0  }
0x81: {  	s10 =	sand.u32 $0x780, s19;
	v1 =	vadd.s32 v13, v1;
	v7 =	vld [tilespmem:s8+$0x0];
	s8 =	simm.s32 $0x4830;
	v0 =	vadd.s32 v6, v0  }
0x82: {  	s14 =	sand.u32 $0x60, s19;
	s19 =	sor.u32 $0x8000, s10;
	v1 =	vadd.s32 v12, v1;
	v6 =	vld [tilespmem:s8+$0xFFFFFFF0];
	v0 =	vadd.s32 v5, v0  }
0x83: {  	s9 =	sor.u32 $0xC000, s10;
	s28 =	sor.u32 s14, s19;
	v12 =	vld [tilespmem:s8+$0x0];
	v5 =	vadd.s32 v11, v1;
	v0 =	vadd.s32 v4, v0  }
0x84: {  	s18 =	sor.u32 $0x8800, s10;
	s11 =	sor.u32 s14, s9;
	v13 =	vld [tilespmem:s28+$0x0];
	v4 =	vadd.s32 v10, v5;
	v3 =	vadd.s32 v3, v0  }
0x85: {  	s0 =	sor.u32 $0x5800, s10;
	s26 =	sor.u32 s14, s18;
	v1 =	vld [tilespmem:s11+$0x0];
	v4 =	vadd.s32 v9, v4;
	v9 =	vadd.s32 v2, v3  }
0x86: {  	s16 =	sor.u32 $0x9800, s10;
	s28 =	sor.u32 s14, s0;
	v11 =	vld [tilespmem:s26+$0x0];
	v4 =	vadd.s32 v8, v4;
	(xrf0) =	vadd.scan.msk.s32 $0xffff, v9  }
0x87: {  	s17 =	sor.u32 $0x9000, s10;
	s24 =	sor.u32 s14, s16;
	v57 =	vld [tilespmem:s28+$0x0];
	v8 =	vadd.s32 v7, v4  }
0x88: {  	s12 =	sor.u32 $0xB800, s10;
	s25 =	sor.u32 s14, s17;
	v5 =	vld [tilespmem:s24+$0x0];
	(xrf0) =	vadd.scan.msk.s32 $0xffff, v8  }
0x89: {  	s13 =	sor.u32 $0xB000, s10;
	s20 =	sor.u32 s14, s12;
	v10 =	vld [tilespmem:s25+$0x0]  }
0x8a: {  	s21 =	sor.u32 s14, s13;
	s11 =	sor.u32 $0xA800, s10;
	v0 =	vld [tilespmem:s20+$0x0]  }
0x8b: {  	s15 =	sor.u32 $0xA000, s10;
	s22 =	sor.u32 s14, s11;
	v2 =	vld [tilespmem:s21+$0x0]  }
0x8c: {  	s23 =	sor.u32 s14, s15;
	s20 =	sor.u32 $0x7800, s10;
	v3 =	vld [tilespmem:s22+$0x0];
	v7, _, _ =	vpop (xrf0)  }
0x8d: {  	s29 =	sor.u32 s14, s20;
	s22 =	sor.u32 $0x6800, s10;
	v4 =	vld [tilespmem:s23+$0x0];
	(v2sf) =	vpush v7, $0xF  }
0x8e: {  	s21 =	sor.u32 $0x7000, s10;
	v14 =	vld [tilespmem:s29+$0x0];
	s31 =	sor.u32 s14, s22;
	v15, _, _ =	vpop (xrf0)  }
0x8f: {  	s30 =	sor.u32 s14, s21;
	s23 =	sor.u32 $0x6000, s10;
	s10 =	sor.u32 $0x5000, s10;
	v56 =	vld [tilespmem:s31+$0x0];
	(v2sf) =	vpush v15, $0xF  }
0x90: {  	s31 =	sor.u32 s14, s10;
	v7 =	vld [tilespmem:s30+$0x0];
	s30 =	simm.s32 $0x30  }
0x91: {  	s29 =	sor.u32 s14, s23;
	v58 =	vld [tilespmem:s31+$0x0];
	s14 =	sand.u32 $0x70, s30  }
0x92: {  	v15 =	vld [tilespmem:s29+$0x0];
	s10 =	sor.u32 s14, s10  }
0x93: {  	s0 =	sor.u32 s14, s0;
	v59 =	vld [tilespmem:s10+$0x0]  }
0x94: {  	s23 =	sor.u32 s14, s23;
	v60 =	vld [tilespmem:s0+$0x0]  }
0x95: {  	s24 =	sor.u32 s14, s22;
	v61 =	vld [tilespmem:s23+$0x0]  }
0x96: {  	s25 =	sor.u32 s14, s21;
	v22 =	vld [tilespmem:s24+$0x0]  }
0x97: {  	v6 =	vadd.s32 v6, v58;
	s26 =	sor.u32 s14, s20;
	v23 =	vld [tilespmem:s25+$0x0]  }
0x98: {  	v6 =	vadd.s32 v57, v6;
	s28 =	sor.u32 s14, s19;
	v62 =	vld [tilespmem:s26+$0x0];
	v12 =	vadd.s32 v12, v59  }
0x99: {  	s29 =	sor.u32 s14, s18;
	v63 =	vld [tilespmem:s28+$0x0];
	v6 =	vadd.s32 v15, v6;
	v12 =	vadd.s32 v60, v12  }
0x9a: {  	s17 =	sor.u32 s14, s17;
	s10 =	simm.s32 $0x4010;
	v15 =	vld [tilespmem:s29+$0x0];
	v16 =	vadd.s32 v56, v6;
	v12 =	vadd.s32 v61, v12  }
0x9b: {  	s16 =	sor.u32 s14, s16;
	[tilespmem:s10+$0xFFFFFFF0] =	vst v9;
	v6 =	vld [tilespmem:s17+$0x0];
	v9 =	vadd.s32 v7, v16;
	v12 =	vadd.s32 v22, v12  }
0x9c: {  	s15 =	sor.u32 s14, s15;
	v7 =	vld [tilespmem:s16+$0x0];
	v9 =	vadd.s32 v14, v9;
	v12 =	vadd.s32 v23, v12;
	s30 =	spop (v2sf)  }
0x9d: {  	s31 =	sor.u32 s14, s11;
	[tilespmem:s10+$0x0] =	vst v8;
	v8 =	vld [tilespmem:s15+$0x0];
	v9 =	vadd.s32 v13, v9;
	v12 =	vadd.s32 v62, v12;
	[smem:$0x0] =	sst s30  }
0x9e: {  	s11 =	simm.s32 $0x2;
	s13 =	sor.u32 s14, s13;
	v11 =	vadd.s32 v11, v9;
	v12 =	vadd.s32 v63, v12;
	s16 =	spop (v2sf);
	v9 =	vld [tilespmem:s31+$0x0]  }
0x9f: {  	v11 =	vadd.s32 v10, v11;
	v12 =	vadd.s32 v15, v12;
	v10 =	vld [tilespmem:s13+$0x0];
	s13 =	sor.u32 s14, s12;
	s12 =	simm.s32 $0x50;
	[smem:s7] =	sst s16  }
.LBB2_5:
0xa0: {  	s15 =	sadd.s32 $0xFFFFFFF0, s12;
	v5 =	vadd.s32 v5, v11;
	v6 =	vadd.s32 v6, v12;
	v11 =	vld [tilespmem:s13+$0x0];
	s9 =	sor.u32 s14, s9  }
0xa1: {  	s8 =	sadd.s32 $0x20, s8;
	s14 =	sand.u32 $0x780, s15;
	v4 =	vadd.s32 v4, v5;
	v5 =	vadd.s32 v7, v6;
	v6 =	vld [tilespmem:s9+$0x0]  }
0xa2: {  	s19 =	sand.u32 $0x60, s15;
	v7 =	vld [tilespmem:s8+$0xFFFFFFF0];
	s9 =	sor.u32 $0xC000, s14;
	v3 =	vadd.s32 v3, v4;
	v4 =	vadd.s32 v8, v5  }
0xa3: {  	s13 =	sor.u32 $0xB800, s14;
	s16 =	sor.u32 s19, s9;
	v8 =	vld [tilespmem:s8+$0x0];
	v2 =	vadd.s32 v2, v3;
	v3 =	vadd.s32 v9, v4  }
0xa4: {  	s15 =	sor.u32 $0xB000, s14;
	s17 =	sor.u32 s19, s13;
	v9 =	vld [tilespmem:s16+$0x0];
	v2 =	vadd.s32 v0, v2;
	v3 =	vadd.s32 v10, v3  }
0xa5: {  	s10 =	sadd.s32 $0x20, s10;
	s18 =	sor.u32 s19, s15;
	s16 =	sor.u32 $0xA800, s14;
	v0 =	vld [tilespmem:s17+$0x0];
	v1 =	vadd.s32 v1, v2;
	v3 =	vadd.s32 v11, v3  }
0xa6: {  	s17 =	sor.u32 $0xA000, s14;
	s20 =	sor.u32 s19, s16;
	v2 =	vld [tilespmem:s18+$0x0];
	[tilespmem:s10+$0xFFFFFFF0] =	vst v1;
	v4 =	vadd.s32 v6, v3;
	(xrf0) =	vadd.scan.msk.s32 $0xffff, v1  }
0xa7: {  	s18 =	sor.u32 $0x9800, s14;
	s21 =	sor.u32 s19, s17;
	v3 =	vld [tilespmem:s20+$0x0];
	[tilespmem:s10+$0x0] =	vst v4;
	(xrf0) =	vadd.scan.msk.s32 $0xffff, v4  }
0xa8: {  	s20 =	sor.u32 $0x9000, s14;
	s22 =	sor.u32 s19, s18;
	v4 =	vld [tilespmem:s21+$0x0]  }
0xa9: {  	s21 =	sor.u32 $0x8800, s14;
	s23 =	sor.u32 s19, s20;
	v5 =	vld [tilespmem:s22+$0x0];
	v1 =	vmov v9  }
0xaa: {  	s22 =	sor.u32 $0x8000, s14;
	s24 =	sor.u32 s19, s21;
	v10 =	vld [tilespmem:s23+$0x0]  }
0xab: {  	s23 =	sor.u32 $0x7800, s14;
	s25 =	sor.u32 s19, s22;
	v9 =	vld [tilespmem:s24+$0x0]  }
0xac: {  	s24 =	sor.u32 $0x7000, s14;
	s26 =	sor.u32 s19, s23;
	v11 =	vld [tilespmem:s25+$0x0];
	v6, _, _ =	vpop (xrf0)  }
0xad: {  	s25 =	sor.u32 $0x6800, s14;
	s28 =	sor.u32 s19, s24;
	v12 =	vld [tilespmem:s26+$0x0];
	(v2sf) =	vpush v6, $0xF;
	v6, _, _ =	vpop (xrf0)  }
0xae: {  	s26 =	sor.u32 $0x6000, s14;
	s29 =	sor.u32 s19, s25;
	v13 =	vld [tilespmem:s28+$0x0];
	(v2sf) =	vpush v6, $0xF  }
0xaf: {  	s11 =	sadd.s32 $0x2, s11;
	s28 =	sor.u32 $0x5800, s14;
	s30 =	sor.u32 s19, s26;
	v6 =	vld [tilespmem:s29+$0x0]  }
0xb0: {  	p0 =	slt.u32 s11, $0x7E;
	s29 =	sor.u32 $0x5000, s14;
	s14 =	sor.u32 s19, s28;
	v14 =	vld [tilespmem:s30+$0x0]  }
0xb1: {  	s19 =	sor.u32 s19, s29;
	v15 =	vld [tilespmem:s14+$0x0];
	s14 =	sand.u32 $0x70, s12  }
0xb2: {  	v16 =	vld [tilespmem:s19+$0x0];
	s19 =	sor.u32 s14, s29  }
0xb3: {  	v17 =	vld [tilespmem:s19+$0x0];
	s19 =	sor.u32 s14, s28  }
0xb4: {  	v18 =	vld [tilespmem:s19+$0x0];
	s19 =	sor.u32 s14, s26  }
0xb5: {  	v19 =	vld [tilespmem:s19+$0x0];
	s19 =	sor.u32 s14, s25  }
0xb6: {  	v20 =	vld [tilespmem:s19+$0x0];
	s19 =	sor.u32 s14, s24  }
0xb7: {  	v7 =	vadd.s32 v7, v16;
	v16 =	vld [tilespmem:s19+$0x0];
	s19 =	sor.u32 s14, s23  }
0xb8: {  	v7 =	vadd.s32 v15, v7;
	v8 =	vadd.s32 v8, v17;
	v15 =	vld [tilespmem:s19+$0x0];
	s19 =	sor.u32 s14, s22  }
0xb9: {  	v7 =	vadd.s32 v14, v7;
	v8 =	vadd.s32 v18, v8;
	v14 =	vld [tilespmem:s19+$0x0];
	s19 =	sor.u32 s14, s21  }
0xba: {  	v6 =	vadd.s32 v6, v7;
	v7 =	vadd.s32 v19, v8;
	v17 =	vld [tilespmem:s19+$0x0];
	s19 =	sor.u32 s14, s20  }
.Ltmp2:
0xbb: {  	s18 =	sor.u32 s14, s18;
	v8 =	vadd.s32 v13, v6;
	v7 =	vadd.s32 v20, v7;
	v6 =	vld [tilespmem:s19+$0x0];
	(pc) =	sbr.rel @p0 .LBB2_5-.Ltmp2, $4  }
0xbc: {  	s7 =	sadd.s32 $0x2, s7;
	s17 =	sor.u32 s14, s17;
	v8 =	vadd.s32 v12, v8;
	v12 =	vadd.s32 v16, v7;
	v7 =	vld [tilespmem:s18+$0x0];
	s18 =	spop (v2sf)  }
0xbd: {  	s16 =	sor.u32 s14, s16;
	v11 =	vadd.s32 v11, v8;
	v12 =	vadd.s32 v15, v12;
	v8 =	vld [tilespmem:s17+$0x0];
	[smem:s7+$0xFFFFFFFF] =	sst s18;
	s17 =	spop (v2sf)  }
0xbe: {  	s15 =	sor.u32 s14, s15;
	v11 =	vadd.s32 v9, v11;
	v12 =	vadd.s32 v14, v12;
	v9 =	vld [tilespmem:s16+$0x0];
	[smem:s7] =	sst s17  }
0xbf: {  	s12 =	sadd.s32 $0x20, s12;
	s13 =	sor.u32 s14, s13;
	v11 =	vadd.s32 v10, v11;
	v12 =	vadd.s32 v17, v12;
	v10 =	vld [tilespmem:s15+$0x0]  }
0xc0: {  	v5 =	vadd.s32 v5, v11;
	v6 =	vadd.s32 v6, v12;
	v55 =	vld [tilespmem:s13+$0x0];
	s8 =	sor.u32 s14, s9  }
0xc1: {  	v4 =	vadd.s32 v4, v5;
	v56 =	vadd.s32 v7, v6;
	v57 =	vld [tilespmem:s8+$0x0]  }
0xc2: {  	v3 =	vadd.s32 v3, v4;
	v58 =	vadd.s32 v8, v56  }
0xc3: {  	v2 =	vadd.s32 v2, v3;
	v59 =	vadd.s32 v9, v58  }
0xc4: {  	v0 =	vadd.s32 v0, v2;
	v60 =	vadd.s32 v10, v59  }
0xc5: {  	v0 =	vadd.s32 v1, v0;
	v61 =	vadd.s32 v55, v60  }
0xc6: {  	v1 =	vadd.s32 v57, v61;
	(xrf0) =	vadd.scan.msk.s32 $0xffff, v0  }
0xc7: {  	(xrf0) =	vadd.scan.msk.s32 $0xffff, v1;
	_ =	sdelay $0x4  }
0xc8: {  	v62, _, _ =	vpop (xrf0)  }
0xc9: {  	(v2sf) =	vpush v62, $0xF;
	v63, _, _ =	vpop (xrf0)  }
0xca: {  	(v2sf) =	vpush v63, $0xF;
	_ =	sdelay $0xb  }
0xcb: {  	s29 =	sadd.s32 $0x20, s10  }
0xcc: {  	[tilespmem:s29+$0xFFFFFFF0] =	vst v0  }
0xcd: {  	s7 =	sadd.s32 $0x2, s7;
	[tilespmem:s29+$0x0] =	vst v1;
	s30 =	spop (v2sf)  }
0xce: {  	[smem:s7+$0xFFFFFFFF] =	sst s30;
	s31 =	spop (v2sf)  }
0xcf: {  	[smem:s7] =	sst s31  }
0xd0: {  	s8 =	sld [smem:$0x7F]  }
0xd1: {  	s10 =	simm.s32 $0x7F  }
0xd2: {  	s11 =	simm.s32 $0x7E;
	p1 =	por $0x1, $0x1;
	s13 =	simm.s32 $0x7E  }
0xd3: {  	s9 =	simm.s32 $0x0;
	s14 =	simm.s32 $0x0;
	s12 =	sadd.s32 $0x0, s8  }
0xd4: {  	s7 =	simm.s32 $0x0;
	s8 =	simm.s32 $0x0;
	p2 =	sgt.s32 s12, $0xFFFF  }
.LBB2_7:
0xd5: {  	s15 =	sld [smem:s13+$0x0];
	p1 =	por !p1, !p2  }
0xd6: {  	s16 =	smov.u32 s11;
	p0 =	sne.s32 s11, $0x0;
	s11 =	sadd.s32 $0xFFFFFFFF, s11  }
.Ltmp3:
0xd7: {  	s17 =	simm.s32 $0x1;
	p1 =	por !p1, !p1;
	(pc) =	sbr.rel @p0 .LBB2_7-.Ltmp3, $4  }
0xd8: {  	s7 =	smov.u32 @p1 s10;
	s17 =	simm.s32 @!p1 $0x0;
	s10 =	smov.u32 s16  }
0xd9: {  	s8 =	smov.u32 @p1 s9;
	s9 =	smov.u32 s12;
	s14 =	sor.u32 s17, s14  }
0xda: {  	s12 =	sadd.s32 s12, s15  }
0xdb: {  	s13 =	sadd.s32 $0xFFFFFFFF, s13;
	p1 =	seq.s32 s14, $0x0;
	p2 =	sgt.s32 s12, $0xFFFF  }
0xdc: {  	p0 =	por !p1, !p2  }
0xdd: {  	p0 =	por !p0, !p0  }
0xde: {  	s7 =	smov.u32 @p0 s10  }
0xdf: {  	s7 =	sshll.u32 s7, $0x4  }
0xe0: {  	v0 =	vld [tilespmem:s7+$0x4000]  }
0xe1: {  	v1 =	vlaneseq.u32  }
0xe2: {  	v1 =	vmul.u32 $0xFFFFFFFF, v1;
	_ =	sdelay $0x1  }
0xe3: {  	v1 =	vadd.s32 $0xF, v1  }
0xe4: {  	v0 =	vperm.xlane v0, v1;
	_ =	sdelay $0x1  }
0xe5: {  	(xrf0) =	vadd.scan.msk.s32 $0xffff, v0;
	_ =	sdelay $0x1  }
0xe6: {  	v2 =	vimm.s32 $0x0;
	s8 =	smov.u32 @p0 s9;
	s9 =	simm.s32 $0x4040  }
0xe7: {  	[tilespmem:s9+$0xFFFFFFC0] =	vst v2  }
0xe8: {  	[tilespmem:s9+$0x30] =	vst v2  }
0xe9: {  	[tilespmem:s9+$0x20] =	vst v2  }
0xea: {  	[tilespmem:s9+$0x10] =	vst v2;
	v1, _, _ =	vpop (xrf0)  }
0xeb: {  	[tilespmem:s9+$0x0] =	vst v2;
	v1 =	vadd.s32 s8, v1  }
0xec: {  	[tilespmem:s9+$0xFFFFFFF0] =	vst v2;
	vm0 =	vgt.s32 v1, $0xFFFF  }
0xed: {  	s10 =	simm.s32 $0x0;
	[tilespmem:s9+$0xFFFFFFE0] =	vst v2;
	v1 =	vmpcnt.ones.xlane vm0  }
.LBB2_9:
0xee: {  	s10 =	sadd.s32 $0x8, s10;
	[tilespmem:s9+$0xFFFFFFD0] =	vst v2;
	s9 =	sadd.s32 $0x80, s9  }
0xef: {  	[tilespmem:s9+$0xFFFFFFC0] =	vst v2;
	p0 =	slt.u32 s10, $0x78  }
0xf0: {  	[tilespmem:s9+$0x30] =	vst v2  }
.Ltmp4:
0xf1: {  	[tilespmem:s9+$0x20] =	vst v2;
	(pc) =	sbr.rel @p0 .LBB2_9-.Ltmp4, $4  }
0xf2: {  	[tilespmem:s9+$0x10] =	vst v2  }
0xf3: {  	[tilespmem:s9+$0x0] =	vst v2  }
0xf4: {  	[tilespmem:s9+$0xFFFFFFF0] =	vst v2  }
0xf5: {  	[tilespmem:s9+$0xFFFFFFE0] =	vst v2  }
0xf6: {  	v1 =	vxor.u32 $0x80000000, v1  }
0xf7: {  	(xrf0) =	vmax.scan.msk.u32 $0xffff, v1;
	_ =	sdelay $0x5  }
0xf8: {  	v1, _, _ =	vpop (xrf0)  }
0xf9: {  	(v2sf) =	vpush v1, $0xF;
	_ =	sdelay $0xb  }
0xfa: {  	[tilespmem:s9+$0xFFFFFFD0] =	vst v2;
	s13 =	simm.s32 $0x40  }
0xfb: {  	v3 =	vld [tilespmem:s13+$0x0];
	_ =	sdelay $0x1  }
0xfc: {  	s31 =	spop (v2sf)  }
0xfd: {  	s7 =	sadd.s32 s31, s7  }
0xfe: {  	s7 =	sadd.s32 $0x7FFFFFFF, s7  }
0xff: {  	v4 =	vshrl.u32 v3, $0x15;
	v2 =	vmov s7  }
0x100: {  	v3 =	vshrl.u32 v3, $0xA;
	vm1 =	veq.s32 v4, v2  }
0x101: {  	v3 =	vand.u32 $0x7FF, v3;
	_ =	sdelay $0x2  }
0x102: {  	v4 =	vld [tilespmem:s13+$0xFFFFFFC0]  }
0x103: {  	s9 =	simm.s32 $0x4000;
	v1 =	vimm.s32 $0x1  }
0x104: {  	[tilespmem:v3+s9+$0x0] =	vst.idx.add.s32.msk vm1, v1  }
0x105: {  	v3 =	vld [tilespmem:s13+$0x10];
	_ =	sdelay $0x1  }
0x106: {  	s10 =	simm.s32 $0xC0;
	v5 =	vshrl.u32 v4, $0x15  }
0x107: {  	v4 =	vshrl.u32 v4, $0xA;
	vm1 =	veq.s32 v5, v2;
	v5 =	vld [tilespmem:s10+$0x0]  }
0x108: {  	v4 =	vand.u32 $0x7FF, v4  }
0x109: {  	v6 =	vshrl.u32 v3, $0x15  }
0x10a: {  	v3 =	vshrl.u32 v3, $0xA;
	vm2 =	veq.s32 v6, v2  }
0x10b: {  	v3 =	vand.u32 $0x7FF, v3  }
0x10c: {  	v6 =	vshrl.u32 v5, $0x15  }
0x10d: {  	[tilespmem:v4+s9+$0x0] =	vst.idx.add.s32.msk vm1, v1;
	v4 =	vshrl.u32 v5, $0xA;
	vm1 =	veq.s32 v6, v2  }
0x10e: {  	v5 =	vld [tilespmem:s10+$0xFFFFFFC0];
	v4 =	vand.u32 $0x7FF, v4  }
0x10f: {  	v6 =	vld [tilespmem:s13+$0xFFFFFFD0]  }
0x110: {  	[tilespmem:v3+s9+$0x0] =	vst.idx.add.s32.msk vm2, v1  }
0x111: {  	v3 =	vld [tilespmem:s13+$0x20];
	_ =	sdelay $0x1  }
0x112: {  	v7 =	vshrl.u32 v5, $0x15;
	[tilespmem:v4+s9+$0x0] =	vst.idx.add.s32.msk vm1, v1  }
0x113: {  	v4 =	vshrl.u32 v5, $0xA;
	vm1 =	veq.s32 v7, v2;
	v5 =	vld [tilespmem:s10+$0x10]  }
0x114: {  	s11 =	simm.s32 $0x140;
	v7 =	vshrl.u32 v6, $0x15;
	v4 =	vand.u32 $0x7FF, v4  }
0x115: {  	v8 =	vld [tilespmem:s11+$0x0];
	v6 =	vshrl.u32 v6, $0xA;
	vm2 =	veq.s32 v7, v2;
	v7 =	vshrl.u32 v3, $0x15  }
0x116: {  	v6 =	vand.u32 $0x7FF, v6;
	v3 =	vshrl.u32 v3, $0xA;
	vm3 =	veq.s32 v7, v2  }
0x117: {  	v7 =	vld [tilespmem:s11+$0xFFFFFFC0];
	v3 =	vand.u32 $0x7FF, v3  }
0x118: {  	v9 =	vshrl.u32 v5, $0x15  }
0x119: {  	[tilespmem:v4+s9+$0x0] =	vst.idx.add.s32.msk vm1, v1;
	v4 =	vshrl.u32 v5, $0xA;
	vm1 =	veq.s32 v9, v2  }
0x11a: {  	v5 =	vld [tilespmem:s10+$0xFFFFFFD0];
	v4 =	vand.u32 $0x7FF, v4;
	v9 =	vshrl.u32 v8, $0x15  }
0x11b: {  	[tilespmem:v6+s9+$0x0] =	vst.idx.add.s32.msk vm2, v1;
	v6 =	vshrl.u32 v8, $0xA;
	vm2 =	veq.s32 v9, v2  }
0x11c: {  	v8 =	vshrl.u32 v7, $0x15;
	[tilespmem:v3+s9+$0x0] =	vst.idx.add.s32.msk vm3, v1;
	v3 =	vand.u32 $0x7FF, v6  }
0x11d: {  	v6 =	vshrl.u32 v7, $0xA;
	vm3 =	veq.s32 v8, v2;
	v7 =	vld [tilespmem:s13+$0x30]  }
0x11e: {  	v8 =	vld [tilespmem:s13+$0xFFFFFFE0];
	v6 =	vand.u32 $0x7FF, v6  }
0x11f: {  	v9 =	vshrl.u32 v5, $0x15;
	[tilespmem:v4+s9+$0x0] =	vst.idx.add.s32.msk vm1, v1  }
0x120: {  	v4 =	vshrl.u32 v5, $0xA;
	vm1 =	veq.s32 v9, v2;
	v5 =	vld [tilespmem:s10+$0x20]  }
0x121: {  	v4 =	vand.u32 $0x7FF, v4;
	[tilespmem:v3+s9+$0x0] =	vst.idx.add.s32.msk vm2, v1  }
0x122: {  	v3 =	vshrl.u32 v7, $0x15;
	v9 =	vld [tilespmem:s11+$0x10]  }
0x123: {  	s12 =	simm.s32 $0x1C0;
	v10 =	vshrl.u32 v8, $0x15;
	v7 =	vshrl.u32 v7, $0xA;
	[tilespmem:v6+s9+$0x0] =	vst.idx.add.s32.msk vm3, v1;
	vm2 =	veq.s32 v3, v2  }
0x124: {  	vm3 =	veq.s32 v10, v2;
	v10 =	vld [tilespmem:s12+$0x0];
	v3 =	vshrl.u32 v8, $0xA;
	v6 =	vand.u32 $0x7FF, v7  }
0x125: {  	v7 =	vld [tilespmem:s11+$0xFFFFFFD0];
	v8 =	vshrl.u32 v5, $0x15;
	v3 =	vand.u32 $0x7FF, v3  }
0x126: {  	[tilespmem:v4+s9+$0x0] =	vst.idx.add.s32.msk vm1, v1;
	v4 =	vshrl.u32 v5, $0xA;
	vm1 =	veq.s32 v8, v2  }
0x127: {  	v5 =	vld [tilespmem:s12+$0xFFFFFFC0];
	v4 =	vand.u32 $0x7FF, v4  }
0x128: {  	v11 =	vld [tilespmem:s10+$0xFFFFFFE0];
	v8 =	vshrl.u32 v9, $0x15  }
0x129: {  	v9 =	vshrl.u32 v9, $0xA;
	vm4 =	veq.s32 v8, v2;
	[tilespmem:v6+s9+$0x0] =	vst.idx.add.s32.msk vm2, v1  }
0x12a: {  	v8 =	vand.u32 $0x7FF, v9;
	v6 =	vshrl.u32 v7, $0x15;
	[tilespmem:v3+s9+$0x0] =	vst.idx.add.s32.msk vm3, v1;
	v3 =	vshrl.u32 v10, $0x15  }
0x12b: {  	vm2 =	veq.s32 v6, v2;
	v9 =	vld [tilespmem:s13+$0xFFFFFFF0];
	v6 =	vshrl.u32 v10, $0xA;
	vm5 =	veq.s32 v3, v2  }
0x12c: {  	v7 =	vshrl.u32 v7, $0xA;
	[tilespmem:v4+s9+$0x0] =	vst.idx.add.s32.msk vm1, v1;
	v4 =	vand.u32 $0x7FF, v6  }
0x12d: {  	v7 =	vand.u32 $0x7FF, v7;
	v3 =	vshrl.u32 v5, $0x15;
	v10 =	vld [tilespmem:s10+$0x30]  }
0x12e: {  	v5 =	vshrl.u32 v5, $0xA;
	vm6 =	veq.s32 v3, v2  }
0x12f: {  	v12 =	vand.u32 $0x7FF, v5;
	[tilespmem:v8+s9+$0x0] =	vst.idx.add.s32.msk vm4, v1  }
0x130: {  	v3 =	vshrl.u32 v11, $0x15;
	v6 =	vld [tilespmem:s11+$0x20]  }
0x131: {  	vm3 =	veq.s32 v3, v2;
	v3 =	vshrl.u32 v9, $0x15;
	[tilespmem:v4+s9+$0x0] =	vst.idx.add.s32.msk vm5, v1;
	v4 =	vshrl.u32 v9, $0xA  }
0x132: {  	[tilespmem:v7+s9+$0x0] =	vst.idx.add.s32.msk vm2, v1;
	vm1 =	veq.s32 v3, v2;
	v3 =	vand.u32 $0x7FF, v4;
	v4 =	vshrl.u32 v10, $0x15  }
0x133: {  	v8 =	vshrl.u32 v10, $0xA;
	v7 =	vld [tilespmem:s12+$0x10];
	vm2 =	veq.s32 v4, v2  }
0x134: {  	v5 =	vshrl.u32 v11, $0xA;
	[tilespmem:v12+s9+$0x0] =	vst.idx.add.s32.msk vm6, v1;
	v4 =	vand.u32 $0x7FF, v8  }
0x135: {  	s14 =	simm.s32 $0x240;
	s13 =	simm.s32 $0x6;
	v5 =	vand.u32 $0x7FF, v5;
	v8 =	vld [tilespmem:s12+$0xFFFFFFD0];
	v9 =	vshrl.u32 v6, $0x15  }
.LBB2_11:
0x136: {  	v10 =	vld [tilespmem:s14+$0x0];
	s13 =	sadd.s32 $0x2, s13;
	v6 =	vshrl.u32 v6, $0xA;
	vm4 =	veq.s32 v9, v2  }
0x137: {  	v9 =	vld [tilespmem:s14+$0xFFFFFFC0];
	p0 =	slt.u32 s13, $0xFE;
	v6 =	vand.u32 $0x7FF, v6  }
0x138: {  	v11 =	vshrl.u32 v7, $0x15;
	v12 =	vld [tilespmem:s11+$0xFFFFFFE0]  }
0x139: {  	v7 =	vshrl.u32 v7, $0xA;
	vm5 =	veq.s32 v11, v2;
	[tilespmem:v4+s9+$0x0] =	vst.idx.add.s32.msk vm2, v1  }
0x13a: {  	v7 =	vand.u32 $0x7FF, v7;
	v4 =	vshrl.u32 v8, $0xA;
	v8 =	vshrl.u32 v8, $0x15;
	[tilespmem:v5+s9+$0x0] =	vst.idx.add.s32.msk vm3, v1  }
0x13b: {  	v5 =	vshrl.u32 v10, $0x15;
	vm2 =	veq.s32 v8, v2;
	v4 =	vand.u32 $0x7FF, v4;
	v8 =	vld [tilespmem:s10+$0xFFFFFFF0];
	s10 =	smov.u32 s11;
	s11 =	smov.u32 s12;
	s12 =	smov.u32 s14  }
0x13c: {  	v10 =	vshrl.u32 v10, $0xA;
	v11 =	vshrl.u32 v9, $0x15;
	vm6 =	veq.s32 v5, v2;
	[tilespmem:v6+s9+$0x0] =	vst.idx.add.s32.msk vm4, v1  }
0x13d: {  	v5 =	vshrl.u32 v9, $0xA;
	v9 =	vand.u32 $0x7FF, v10;
	vm4 =	veq.s32 v11, v2;
	v10 =	vld [tilespmem:s10+$0x30]  }
0x13e: {  	v11 =	vand.u32 $0x7FF, v5;
	v5 =	vshrl.u32 v12, $0xA;
	v6 =	vshrl.u32 v12, $0x15;
	[tilespmem:v3+s9+$0x0] =	vst.idx.add.s32.msk vm1, v1  }
0x13f: {  	vm3 =	veq.s32 v6, v2;
	v5 =	vand.u32 $0x7FF, v5;
	[tilespmem:v7+s9+$0x0] =	vst.idx.add.s32.msk vm5, v1  }
0x140: {  	v6 =	vld [tilespmem:s11+$0x20];
	v3 =	vshrl.u32 v8, $0xA;
	v7 =	vshrl.u32 v8, $0x15  }
.Ltmp5:
0x141: {  	[tilespmem:v4+s9+$0x0] =	vst.idx.add.s32.msk vm2, v1;
	vm1 =	veq.s32 v7, v2;
	v3 =	vand.u32 $0x7FF, v3;
	(pc) =	sbr.rel @p0 .LBB2_11-.Ltmp5, $4  }
0x142: {  	[tilespmem:v9+s9+$0x0] =	vst.idx.add.s32.msk vm6, v1;
	v4 =	vshrl.u32 v10, $0x15  }
0x143: {  	v8 =	vshrl.u32 v10, $0xA;
	v7 =	vld [tilespmem:s14+$0x10];
	vm2 =	veq.s32 v4, v2  }
0x144: {  	v4 =	vand.u32 $0x7FF, v8;
	[tilespmem:v11+s9+$0x0] =	vst.idx.add.s32.msk vm4, v1  }
0x145: {  	s14 =	sadd.s32 $0x80, s14;
	v8 =	vld [tilespmem:s12+$0xFFFFFFD0];
	v9 =	vshrl.u32 v6, $0x15  }
0x146: {  	_ =	sdelay $0x1  }
0x147: {  	v10 =	vshrl.u32 v7, $0x15  }
0x148: {  	v7 =	vshrl.u32 v7, $0xA;
	vm4 =	veq.s32 v10, v2  }
0x149: {  	v7 =	vand.u32 $0x7FF, v7;
	v10 =	vshrl.u32 v8, $0x15  }
0x14a: {  	v8 =	vshrl.u32 v8, $0xA;
	vm5 =	veq.s32 v10, v2  }
0x14b: {  	v8 =	vand.u32 $0x7FF, v8;
	_ =	sdelay $0x1  }
0x14c: {  	v10 =	vld [tilespmem:s11+$0xFFFFFFE0]  }
0x14d: {  	[tilespmem:v7+s9+$0x0] =	vst.idx.add.s32.msk vm4, v1  }
0x14e: {  	v7 =	vld [tilespmem:s12+$0x20]  }
0x14f: {  	v6 =	vshrl.u32 v6, $0xA;
	vm11 =	veq.s32 v9, v2;
	[tilespmem:v8+s9+$0x0] =	vst.idx.add.s32.msk vm5, v1  }
0x150: {  	v6 =	vand.u32 $0x7FF, v6;
	v8 =	vld [tilespmem:s12+$0xFFFFFFE0]  }
0x151: {  	v9 =	vshrl.u32 v10, $0x15  }
0x152: {  	v10 =	vshrl.u32 v10, $0xA;
	vm12 =	veq.s32 v9, v2  }
0x153: {  	v9 =	vand.u32 $0x7FF, v10;
	v10 =	vshrl.u32 v7, $0x15  }
0x154: {  	[tilespmem:v5+s9+$0x0] =	vst.idx.add.s32.msk vm3, v1;
	v5 =	vshrl.u32 v7, $0xA;
	vm3 =	veq.s32 v10, v2  }
0x155: {  	[tilespmem:v6+s9+$0x0] =	vst.idx.add.s32.msk vm11, v1;
	v5 =	vand.u32 $0x7FF, v5;
	v10 =	vshrl.u32 v8, $0x15  }
0x156: {  	v7 =	vld [tilespmem:s10+$0xFFFFFFF0];
	v6 =	vshrl.u32 v8, $0xA;
	vm13 =	veq.s32 v10, v2  }
0x157: {  	v8 =	vld [tilespmem:s11+$0x30];
	v6 =	vand.u32 $0x7FF, v6  }
0x158: {  	[tilespmem:v9+s9+$0x0] =	vst.idx.add.s32.msk vm12, v1  }
0x159: {  	v9 =	vld [tilespmem:s11+$0xFFFFFFF0]  }
0x15a: {  	[tilespmem:v5+s9+$0x0] =	vst.idx.add.s32.msk vm3, v1  }
0x15b: {  	v5 =	vld [tilespmem:s12+$0x30]  }
0x15c: {  	[tilespmem:v6+s9+$0x0] =	vst.idx.add.s32.msk vm13, v1  }
0x15d: {  	v6 =	vshrl.u32 v7, $0x15;
	v10 =	vld [tilespmem:s12+$0xFFFFFFF0]  }
0x15e: {  	v7 =	vshrl.u32 v7, $0xA;
	vm3 =	veq.s32 v6, v2;
	v6 =	vshrl.u32 v8, $0x15  }
0x15f: {  	v7 =	vand.u32 $0x7FF, v7;
	v8 =	vshrl.u32 v8, $0xA;
	vm14 =	veq.s32 v6, v2  }
0x160: {  	v6 =	vand.u32 $0x7FF, v8;
	v8 =	vshrl.u32 v9, $0xA;
	v9 =	vshrl.u32 v9, $0x15  }
0x161: {  	[tilespmem:v4+s9+$0x0] =	vst.idx.add.s32.msk vm2, v1;
	vm6 =	veq.s32 v9, v2;
	v4 =	vand.u32 $0x7FF, v8;
	v11 =	vshrl.u32 v5, $0x15  }
0x162: {  	v5 =	vshrl.u32 v5, $0xA;
	vm15 =	veq.s32 v11, v2;
	v9 =	vshrl.u32 v10, $0x15  }
0x163: {  	v5 =	vand.u32 $0x7FF, v5;
	v8 =	vshrl.u32 v10, $0xA;
	vm2 =	veq.s32 v9, v2  }
0x164: {  	[tilespmem:v3+s9+$0x0] =	vst.idx.add.s32.msk vm1, v1;
	v2 =	vand.u32 $0x7FF, v8  }
0x165: {  	[tilespmem:v7+s9+$0x0] =	vst.idx.add.s32.msk vm3, v1  }
0x166: {  	[tilespmem:v6+s9+$0x0] =	vst.idx.add.s32.msk vm14, v1  }
0x167: {  	[tilespmem:v4+s9+$0x0] =	vst.idx.add.s32.msk vm6, v1  }
0x168: {  	[tilespmem:v5+s9+$0x0] =	vst.idx.add.s32.msk vm15, v1  }
0x169: {  	s24 =	simm.s32 $0x0;
	s25 =	simm.s32 $0x4000;
	[tilespmem:v2+s9+$0x0] =	vst.idx.add.s32.msk vm2, v1;
	s9 =	simm.s32 $0x1  }
0x16a: {  	[hbm4b:s6+s24] =	stream.linear.scatter [tilespmem:s25], [sflag:$0x1], $0x800, $0x38;
	[tilespmem:$0xD900] =	vst v63  }
0x16b: {  	_ =	swait.ge [sflag:s9], $0x800  }
0x16c: {  	[sflag:s9] =	ssyncset.done $0x0  }
0x16d: {  	[sflag:s9] =	ssyncadd.s32 $0xFFFFF800  }
0x16e: {  	s26 =	simm.s32 $0x4800;
	[bflag:$0x0] =	sbarrier.arrive $0xFFFF  }
0x16f: {  	[tilespmem:s26], [sflag:$0x1] =	stream.linear.gather [hbm4b:s5+s24], $0x8000, $0x38;
	[tilespmem:$0xD900] =	vst v63  }
0x170: {  	_ =	swait.ge [sflag:s9], $0x8000  }
0x171: {  	[sflag:s9] =	ssyncset.done $0x0  }
0x172: {  	s28 =	simm.s32 $0x0;
	[sflag:s9] =	ssyncadd.s32 $0xFFFF8000  }
0x173: {  	s29 =	simm.s32 $0x4810;
	s15 =	sand.u32 $0x780, s28;
	[bflag:$0x0] =	sbarrier.arrive $0xFFFF  }
0x174: {  	s16 =	sand.u32 $0x60, s28;
	s10 =	sor.u32 $0xC000, s15;
	v1 =	vld [tilespmem:s29+$0xFFFFFFF0]  }
0x175: {  	s13 =	sor.u32 s16, s10;
	s11 =	sor.u32 $0xB800, s15;
	v2 =	vld [tilespmem:s29+$0x0]  }
0x176: {  	s14 =	sor.u32 s16, s11;
	s12 =	sor.u32 $0xB000, s15;
	v3 =	vld [tilespmem:s13+$0x0]  }
0x177: {  	s30 =	sor.u32 $0x6000, s15;
	s17 =	sor.u32 s16, s12;
	v4 =	vld [tilespmem:s14+$0x0]  }
0x178: {  	s31 =	sor.u32 $0x5800, s15;
	s28 =	sor.u32 s16, s30;
	v5 =	vld [tilespmem:s17+$0x0]  }
0x179: {  	s13 =	sor.u32 $0xA800, s15;
	s29 =	sor.u32 s16, s31;
	v15 =	vld [tilespmem:s28+$0x0]  }
0x17a: {  	s14 =	sor.u32 $0xA000, s15;
	s18 =	sor.u32 s16, s13;
	v16 =	vld [tilespmem:s29+$0x0]  }
0x17b: {  	s17 =	sor.u32 $0x9800, s15;
	s19 =	sor.u32 s16, s14;
	v6 =	vld [tilespmem:s18+$0x0]  }
0x17c: {  	s20 =	sor.u32 s16, s17;
	s18 =	sor.u32 $0x9000, s15;
	v7 =	vld [tilespmem:s19+$0x0]  }
0x17d: {  	s19 =	sor.u32 $0x8800, s15;
	v8 =	vld [tilespmem:s20+$0x0];
	s21 =	sor.u32 s16, s18  }
0x17e: {  	s20 =	sor.u32 $0x8000, s15;
	s22 =	sor.u32 s16, s19;
	v9 =	vld [tilespmem:s21+$0x0]  }
0x17f: {  	s23 =	sor.u32 s16, s20;
	s21 =	sor.u32 $0x7800, s15;
	v10 =	vld [tilespmem:s22+$0x0]  }
0x180: {  	s22 =	sor.u32 $0x7000, s15;
	v11 =	vld [tilespmem:s23+$0x0];
	s24 =	sor.u32 s16, s21  }
0x181: {  	s23 =	sor.u32 $0x6800, s15;
	s25 =	sor.u32 s16, s22;
	v12 =	vld [tilespmem:s24+$0x0]  }
0x182: {  	s0 =	simm.s32 $0x10;
	s15 =	sor.u32 $0x5000, s15;
	s26 =	sor.u32 s16, s23;
	v13 =	vld [tilespmem:s25+$0x0]  }
0x183: {  	s16 =	sor.u32 s16, s15;
	v14 =	vld [tilespmem:s26+$0x0];
	s26 =	sand.u32 $0x70, s0  }
0x184: {  	v17 =	vld [tilespmem:s16+$0x0];
	s15 =	sor.u32 s26, s15  }
0x185: {  	s16 =	sor.u32 s26, s31;
	v18 =	vld [tilespmem:s15+$0x0]  }
0x186: {  	s25 =	sor.u32 s26, s30;
	v19 =	vld [tilespmem:s16+$0x0]  }
0x187: {  	s28 =	sor.u32 s26, s23;
	v20 =	vld [tilespmem:s25+$0x0]  }
0x188: {  	s29 =	sor.u32 s26, s22;
	v21 =	vld [tilespmem:s28+$0x0]  }
0x189: {  	s30 =	sor.u32 s26, s21;
	v22 =	vld [tilespmem:s29+$0x0];
	v1 =	vadd.s32 v1, v17  }
0x18a: {  	s31 =	sor.u32 s26, s20;
	v51 =	vld [tilespmem:s30+$0x0];
	v1 =	vadd.s32 v16, v1  }
0x18b: {  	s0 =	sor.u32 s26, s19;
	v52 =	vld [tilespmem:s31+$0x0];
	v2 =	vadd.s32 v2, v18;
	v1 =	vadd.s32 v15, v1  }
0x18c: {  	s16 =	sor.u32 s26, s18;
	v15 =	vld [tilespmem:s0+$0x0];
	v2 =	vadd.s32 v19, v2;
	v1 =	vadd.s32 v14, v1  }
0x18d: {  	s18 =	sor.u32 s26, s17;
	v14 =	vld [tilespmem:s16+$0x0];
	v2 =	vadd.s32 v20, v2;
	v1 =	vadd.s32 v13, v1  }
0x18e: {  	s14 =	sor.u32 s26, s14;
	v13 =	vld [tilespmem:s18+$0x0];
	v2 =	vadd.s32 v21, v2;
	v1 =	vadd.s32 v12, v1  }
0x18f: {  	s13 =	sor.u32 s26, s13;
	v12 =	vld [tilespmem:s14+$0x0];
	v2 =	vadd.s32 v22, v2;
	v1 =	vadd.s32 v11, v1  }
0x190: {  	s12 =	sor.u32 s26, s12;
	v11 =	vld [tilespmem:s13+$0x0];
	v2 =	vadd.s32 v51, v2;
	v1 =	vadd.s32 v10, v1  }
0x191: {  	s11 =	sor.u32 s26, s11;
	v10 =	vld [tilespmem:s12+$0x0];
	v2 =	vadd.s32 v52, v2;
	v1 =	vadd.s32 v9, v1  }
0x192: {  	s19 =	simm.s32 $0x20;
	s10 =	sor.u32 s26, s10;
	v9 =	vld [tilespmem:s11+$0x0];
	v2 =	vadd.s32 v15, v2;
	v1 =	vadd.s32 v8, v1  }
0x193: {  	s12 =	sand.u32 $0x780, s19;
	v8 =	vld [tilespmem:s10+$0x0];
	s10 =	simm.s32 $0x4830;
	v2 =	vadd.s32 v14, v2;
	v1 =	vadd.s32 v7, v1  }
0x194: {  	s16 =	sand.u32 $0x60, s19;
	s11 =	sor.u32 $0xC000, s12;
	v7 =	vld [tilespmem:s10+$0xFFFFFFF0];
	v2 =	vadd.s32 v13, v2;
	v1 =	vadd.s32 v6, v1  }
0x195: {  	s14 =	sor.u32 $0xB800, s12;
	s13 =	sor.u32 s16, s11;
	v13 =	vld [tilespmem:s10+$0x0];
	v6 =	vadd.s32 v12, v2;
	v1 =	vadd.s32 v5, v1  }
0x196: {  	s18 =	sor.u32 $0x9800, s12;
	s20 =	sor.u32 s16, s14;
	v2 =	vld [tilespmem:s13+$0x0];
	v5 =	vadd.s32 v11, v6;
	v4 =	vadd.s32 v4, v1  }
0x197: {  	s19 =	sor.u32 $0x9000, s12;
	s24 =	sor.u32 s16, s18;
	v1 =	vld [tilespmem:s20+$0x0];
	v5 =	vadd.s32 v10, v5;
	v10 =	vadd.s32 v3, v4  }
0x198: {  	s15 =	sor.u32 $0xB000, s12;
	s25 =	sor.u32 s16, s19;
	v6 =	vld [tilespmem:s24+$0x0];
	v5 =	vadd.s32 v9, v5;
	(xrf0) =	vadd.scan.msk.s32 $0xffff, v10  }
0x199: {  	s21 =	sor.u32 s16, s15;
	s13 =	sor.u32 $0xA800, s12;
	v11 =	vld [tilespmem:s25+$0x0];
	v9 =	vadd.s32 v8, v5  }
0x19a: {  	s22 =	sor.u32 s16, s13;
	s20 =	sor.u32 $0x8800, s12;
	v3 =	vld [tilespmem:s21+$0x0];
	(xrf0) =	vadd.scan.msk.s32 $0xffff, v9  }
0x19b: {  	s24 =	sor.u32 $0x6800, s12;
	v4 =	vld [tilespmem:s22+$0x0];
	s26 =	sor.u32 s16, s20  }
0x19c: {  	s25 =	sor.u32 $0x6000, s12;
	s31 =	sor.u32 s16, s24;
	v12 =	vld [tilespmem:s26+$0x0]  }
0x19d: {  	s17 =	sor.u32 $0xA000, s12;
	s0 =	sor.u32 s16, s25;
	v54 =	vld [tilespmem:s31+$0x0]  }
0x19e: {  	s23 =	sor.u32 s16, s17;
	s21 =	sor.u32 $0x8000, s12;
	s22 =	sor.u32 $0x7800, s12;
	v55 =	vld [tilespmem:s0+$0x0];
	v8, _, _ =	vpop (xrf0)  }
0x19f: {  	s28 =	sor.u32 s16, s21;
	s29 =	sor.u32 s16, s22;
	v5 =	vld [tilespmem:s23+$0x0];
	(v2sf) =	vpush v8, $0xF  }
0x1a0: {  	s26 =	sor.u32 $0x5800, s12;
	s23 =	sor.u32 $0x7000, s12;
	v14 =	vld [tilespmem:s28+$0x0];
	s12 =	sor.u32 $0x5000, s12;
	v53, _, _ =	vpop (xrf0)  }
0x1a1: {  	v15 =	vld [tilespmem:s29+$0x0];
	s0 =	sor.u32 s16, s12;
	(v2sf) =	vpush v53, $0xF  }
0x1a2: {  	s31 =	simm.s32 $0x30;
	s30 =	sor.u32 s16, s23;
	v57 =	vld [tilespmem:s0+$0x0]  }
0x1a3: {  	v8 =	vld [tilespmem:s30+$0x0];
	s30 =	sor.u32 s16, s26;
	s16 =	sand.u32 $0x70, s31  }
0x1a4: {  	v56 =	vld [tilespmem:s30+$0x0];
	s12 =	sor.u32 s16, s12  }
0x1a5: {  	s31 =	sor.u32 s16, s26;
	v58 =	vld [tilespmem:s12+$0x0]  }
0x1a6: {  	s0 =	sor.u32 s16, s25;
	v59 =	vld [tilespmem:s31+$0x0]  }
0x1a7: {  	s24 =	sor.u32 s16, s24;
	v60 =	vld [tilespmem:s0+$0x0]  }
0x1a8: {  	s25 =	sor.u32 s16, s23;
	v23 =	vld [tilespmem:s24+$0x0]  }
0x1a9: {  	s26 =	sor.u32 s16, s22;
	v7 =	vadd.s32 v7, v57;
	v24 =	vld [tilespmem:s25+$0x0]  }
0x1aa: {  	s28 =	sor.u32 s16, s21;
	v61 =	vld [tilespmem:s26+$0x0];
	v7 =	vadd.s32 v56, v7;
	v13 =	vadd.s32 v13, v58  }
0x1ab: {  	s29 =	sor.u32 s16, s20;
	v62 =	vld [tilespmem:s28+$0x0];
	v7 =	vadd.s32 v55, v7;
	v13 =	vadd.s32 v59, v13  }
0x1ac: {  	s19 =	sor.u32 s16, s19;
	v63 =	vld [tilespmem:s29+$0x0];
	s12 =	simm.s32 $0x4010;
	v17 =	vadd.s32 v54, v7;
	v13 =	vadd.s32 v60, v13  }
0x1ad: {  	s18 =	sor.u32 s16, s18;
	[tilespmem:s12+$0xFFFFFFF0] =	vst v10;
	v7 =	vld [tilespmem:s19+$0x0];
	v10 =	vadd.s32 v8, v17;
	v13 =	vadd.s32 v23, v13  }
0x1ae: {  	s17 =	sor.u32 s16, s17;
	v8 =	vld [tilespmem:s18+$0x0];
	v10 =	vadd.s32 v15, v10;
	v13 =	vadd.s32 v24, v13;
	s30 =	spop (v2sf)  }
0x1af: {  	s31 =	sor.u32 s16, s13;
	[tilespmem:s12+$0x0] =	vst v9;
	v9 =	vld [tilespmem:s17+$0x0];
	v10 =	vadd.s32 v14, v10;
	v13 =	vadd.s32 v61, v13;
	[smem:$0x0] =	sst s30  }
0x1b0: {  	s15 =	sor.u32 s16, s15;
	s13 =	simm.s32 $0x2;
	v12 =	vadd.s32 v12, v10;
	v13 =	vadd.s32 v62, v13;
	s18 =	spop (v2sf);
	v10 =	vld [tilespmem:s31+$0x0]  }
0x1b1: {  	v12 =	vadd.s32 v11, v12;
	v13 =	vadd.s32 v63, v13;
	v11 =	vld [tilespmem:s15+$0x0];
	s15 =	sor.u32 s16, s14;
	s14 =	simm.s32 $0x50;
	[smem:s9] =	sst s18  }
.LBB2_13:
0x1b2: {  	s17 =	sadd.s32 $0xFFFFFFF0, s14;
	v6 =	vadd.s32 v6, v12;
	v7 =	vadd.s32 v7, v13;
	v12 =	vld [tilespmem:s15+$0x0];
	s11 =	sor.u32 s16, s11  }
0x1b3: {  	s10 =	sadd.s32 $0x20, s10;
	s16 =	sand.u32 $0x780, s17;
	v5 =	vadd.s32 v5, v6;
	v6 =	vadd.s32 v8, v7;
	v7 =	vld [tilespmem:s11+$0x0]  }
0x1b4: {  	s21 =	sand.u32 $0x60, s17;
	v8 =	vld [tilespmem:s10+$0xFFFFFFF0];
	s11 =	sor.u32 $0xC000, s16;
	v4 =	vadd.s32 v4, v5;
	v5 =	vadd.s32 v9, v6  }
0x1b5: {  	s15 =	sor.u32 $0xB800, s16;
	s18 =	sor.u32 s21, s11;
	v9 =	vld [tilespmem:s10+$0x0];
	v3 =	vadd.s32 v3, v4;
	v4 =	vadd.s32 v10, v5  }
0x1b6: {  	s17 =	sor.u32 $0xB000, s16;
	s19 =	sor.u32 s21, s15;
	v10 =	vld [tilespmem:s18+$0x0];
	v3 =	vadd.s32 v1, v3;
	v4 =	vadd.s32 v11, v4  }
0x1b7: {  	s12 =	sadd.s32 $0x20, s12;
	s20 =	sor.u32 s21, s17;
	s18 =	sor.u32 $0xA800, s16;
	v1 =	vld [tilespmem:s19+$0x0];
	v2 =	vadd.s32 v2, v3;
	v4 =	vadd.s32 v12, v4  }
0x1b8: {  	s19 =	sor.u32 $0xA000, s16;
	s22 =	sor.u32 s21, s18;
	v3 =	vld [tilespmem:s20+$0x0];
	[tilespmem:s12+$0xFFFFFFF0] =	vst v2;
	v5 =	vadd.s32 v7, v4;
	(xrf0) =	vadd.scan.msk.s32 $0xffff, v2  }
0x1b9: {  	s20 =	sor.u32 $0x9800, s16;
	s23 =	sor.u32 s21, s19;
	v4 =	vld [tilespmem:s22+$0x0];
	[tilespmem:s12+$0x0] =	vst v5;
	(xrf0) =	vadd.scan.msk.s32 $0xffff, v5  }
0x1ba: {  	s22 =	sor.u32 $0x9000, s16;
	s24 =	sor.u32 s21, s20;
	v5 =	vld [tilespmem:s23+$0x0]  }
0x1bb: {  	s23 =	sor.u32 $0x8800, s16;
	s25 =	sor.u32 s21, s22;
	v6 =	vld [tilespmem:s24+$0x0];
	v2 =	vmov v10  }
0x1bc: {  	s24 =	sor.u32 $0x8000, s16;
	s26 =	sor.u32 s21, s23;
	v11 =	vld [tilespmem:s25+$0x0]  }
0x1bd: {  	s25 =	sor.u32 $0x7800, s16;
	s28 =	sor.u32 s21, s24;
	v10 =	vld [tilespmem:s26+$0x0]  }
0x1be: {  	s26 =	sor.u32 $0x7000, s16;
	s29 =	sor.u32 s21, s25;
	v12 =	vld [tilespmem:s28+$0x0];
	v7, _, _ =	vpop (xrf0)  }
0x1bf: {  	s28 =	sor.u32 $0x6800, s16;
	s30 =	sor.u32 s21, s26;
	v13 =	vld [tilespmem:s29+$0x0];
	(v2sf) =	vpush v7, $0xF;
	v7, _, _ =	vpop (xrf0)  }
0x1c0: {  	s29 =	sor.u32 $0x6000, s16;
	s31 =	sor.u32 s21, s28;
	v14 =	vld [tilespmem:s30+$0x0];
	(v2sf) =	vpush v7, $0xF  }
0x1c1: {  	s13 =	sadd.s32 $0x2, s13;
	s30 =	sor.u32 $0x5800, s16;
	s0 =	sor.u32 s21, s29;
	v7 =	vld [tilespmem:s31+$0x0]  }
0x1c2: {  	p0 =	slt.u32 s13, $0x7E;
	s31 =	sor.u32 $0x5000, s16;
	s16 =	sor.u32 s21, s30;
	v15 =	vld [tilespmem:s0+$0x0]  }
0x1c3: {  	s0 =	sor.u32 s21, s31;
	v16 =	vld [tilespmem:s16+$0x0];
	s16 =	sand.u32 $0x70, s14  }
0x1c4: {  	v17 =	vld [tilespmem:s0+$0x0];
	s0 =	sor.u32 s16, s31  }
0x1c5: {  	v18 =	vld [tilespmem:s0+$0x0];
	s0 =	sor.u32 s16, s30  }
0x1c6: {  	v19 =	vld [tilespmem:s0+$0x0];
	s0 =	sor.u32 s16, s29  }
0x1c7: {  	v20 =	vld [tilespmem:s0+$0x0];
	s0 =	sor.u32 s16, s28  }
0x1c8: {  	v21 =	vld [tilespmem:s0+$0x0];
	s0 =	sor.u32 s16, s26  }
0x1c9: {  	v8 =	vadd.s32 v8, v17;
	v17 =	vld [tilespmem:s0+$0x0];
	s0 =	sor.u32 s16, s25  }
0x1ca: {  	v8 =	vadd.s32 v16, v8;
	v9 =	vadd.s32 v9, v18;
	v16 =	vld [tilespmem:s0+$0x0];
	s0 =	sor.u32 s16, s24  }
0x1cb: {  	v8 =	vadd.s32 v15, v8;
	v9 =	vadd.s32 v19, v9;
	v15 =	vld [tilespmem:s0+$0x0];
	s0 =	sor.u32 s16, s23  }
0x1cc: {  	v7 =	vadd.s32 v7, v8;
	v8 =	vadd.s32 v20, v9;
	v18 =	vld [tilespmem:s0+$0x0];
	s0 =	sor.u32 s16, s22  }
.Ltmp6:
0x1cd: {  	v9 =	vadd.s32 v14, v7;
	v8 =	vadd.s32 v21, v8;
	v7 =	vld [tilespmem:s0+$0x0];
	s0 =	sor.u32 s16, s20;
	(pc) =	sbr.rel @p0 .LBB2_13-.Ltmp6, $4  }
0x1ce: {  	s9 =	sadd.s32 $0x2, s9;
	v9 =	vadd.s32 v13, v9;
	v13 =	vadd.s32 v17, v8;
	v8 =	vld [tilespmem:s0+$0x0];
	s0 =	sor.u32 s16, s19;
	s19 =	spop (v2sf)  }
0x1cf: {  	v12 =	vadd.s32 v12, v9;
	v13 =	vadd.s32 v16, v13;
	v9 =	vld [tilespmem:s0+$0x0];
	s0 =	sor.u32 s16, s18;
	[smem:s9+$0xFFFFFFFF] =	sst s19;
	s18 =	spop (v2sf)  }
0x1d0: {  	v12 =	vadd.s32 v10, v12;
	v13 =	vadd.s32 v15, v13;
	v10 =	vld [tilespmem:s0+$0x0];
	s0 =	sor.u32 s16, s17;
	[smem:s9] =	sst s18  }
0x1d1: {  	s14 =	sadd.s32 $0x20, s14;
	s15 =	sor.u32 s16, s15;
	v12 =	vadd.s32 v11, v12;
	v13 =	vadd.s32 v18, v13;
	v11 =	vld [tilespmem:s0+$0x0]  }
0x1d2: {  	v6 =	vadd.s32 v6, v12;
	v7 =	vadd.s32 v7, v13;
	v54 =	vld [tilespmem:s15+$0x0];
	s0 =	sor.u32 s16, s11  }
0x1d3: {  	v5 =	vadd.s32 v5, v6;
	v55 =	vadd.s32 v8, v7;
	v56 =	vld [tilespmem:s0+$0x0]  }
0x1d4: {  	v4 =	vadd.s32 v4, v5;
	v57 =	vadd.s32 v9, v55  }
0x1d5: {  	v3 =	vadd.s32 v3, v4;
	v58 =	vadd.s32 v10, v57  }
0x1d6: {  	v1 =	vadd.s32 v1, v3;
	v59 =	vadd.s32 v11, v58  }
0x1d7: {  	v1 =	vadd.s32 v2, v1;
	v60 =	vadd.s32 v54, v59  }
0x1d8: {  	v2 =	vadd.s32 v56, v60;
	(xrf0) =	vadd.scan.msk.s32 $0xffff, v1  }
0x1d9: {  	v0 =	vsel vm0, $0x0, v0;
	(xrf0) =	vadd.scan.msk.s32 $0xffff, v2  }
0x1da: {  	(xrf0) =	vadd.scan.msk.s32 $0xffff, v0;
	_ =	sdelay $0x3  }
0x1db: {  	v61, _, _ =	vpop (xrf0)  }
0x1dc: {  	(v2sf) =	vpush v61, $0xF;
	v62, _, _ =	vpop (xrf0)  }
0x1dd: {  	(v2sf) =	vpush v62, $0xF;
	v63, _, _ =	vpop (xrf0)  }
0x1de: {  	(v2sf) =	vpush v63, $0xF;
	_ =	sdelay $0xa  }
0x1df: {  	s28 =	sadd.s32 $0x20, s12  }
0x1e0: {  	[tilespmem:s28+$0xFFFFFFF0] =	vst v1  }
0x1e1: {  	s29 =	sadd.s32 $0x2, s9;
	[tilespmem:s28+$0x0] =	vst v2;
	s10 =	spop (v2sf)  }
0x1e2: {  	[smem:s29+$0xFFFFFFFF] =	sst s10;
	s30 =	spop (v2sf)  }
0x1e3: {  	[smem:s29] =	sst s30;
	s31 =	spop (v2sf)  }
0x1e4: {  	s9 =	sld [smem:$0x7F]  }
0x1e5: {  	s12 =	simm.s32 $0x7F;
	s13 =	simm.s32 $0x7E;
	p1 =	por $0x1, $0x1  }
0x1e6: {  	s15 =	simm.s32 $0x7E;
	s11 =	simm.s32 $0x0;
	s0 =	sadd.s32 s31, s8  }
0x1e7: {  	s16 =	simm.s32 $0x0;
	s8 =	ssub.s32 $0x10000, s0;
	s14 =	sadd.s32 $0x0, s9  }
0x1e8: {  	s10 =	simm.s32 $0x0;
	s9 =	simm.s32 $0x0;
	p2 =	sge.s32 s14, s8  }
.LBB2_15:
0x1e9: {  	s0 =	sld [smem:s15+$0x0];
	p1 =	por !p1, !p2  }
0x1ea: {  	s17 =	smov.u32 s13;
	p0 =	sne.s32 s13, $0x0;
	s13 =	sadd.s32 $0xFFFFFFFF, s13  }
.Ltmp7:
0x1eb: {  	s18 =	simm.s32 $0x1;
	p1 =	por !p1, !p1;
	(pc) =	sbr.rel @p0 .LBB2_15-.Ltmp7, $4  }
0x1ec: {  	s10 =	smov.u32 @p1 s12;
	s18 =	simm.s32 @!p1 $0x0;
	s12 =	smov.u32 s17  }
0x1ed: {  	s9 =	smov.u32 @p1 s11;
	s11 =	smov.u32 s14;
	s16 =	sor.u32 s18, s16  }
0x1ee: {  	s14 =	sadd.s32 s14, s0  }
0x1ef: {  	s15 =	sadd.s32 $0xFFFFFFFF, s15;
	p1 =	seq.s32 s16, $0x0;
	p2 =	sge.s32 s14, s8  }
0x1f0: {  	p0 =	por !p1, !p2  }
0x1f1: {  	p0 =	por !p0, !p0  }
0x1f2: {  	s10 =	smov.u32 @p0 s12  }
0x1f3: {  	s10 =	sshll.u32 s10, $0x4  }
0x1f4: {  	v0 =	vld [tilespmem:s10+$0x4000]  }
0x1f5: {  	v1 =	vlaneseq.u32  }
0x1f6: {  	v1 =	vmul.u32 $0xFFFFFFFF, v1;
	_ =	sdelay $0x1  }
0x1f7: {  	v1 =	vadd.s32 $0xF, v1  }
0x1f8: {  	v0 =	vperm.xlane v0, v1;
	_ =	sdelay $0x1  }
0x1f9: {  	(xrf0) =	vadd.scan.msk.s32 $0xffff, v0;
	_ =	sdelay $0x1  }
0x1fa: {  	v4 =	vimm.s32 $0x0;
	s9 =	smov.u32 @p0 s11;
	s11 =	simm.s32 $0x4040  }
0x1fb: {  	[tilespmem:s11+$0xFFFFFFC0] =	vst v4  }
0x1fc: {  	[tilespmem:s11+$0x30] =	vst v4  }
0x1fd: {  	[tilespmem:s11+$0x20] =	vst v4  }
0x1fe: {  	[tilespmem:s11+$0x10] =	vst v4;
	v1, _, _ =	vpop (xrf0)  }
0x1ff: {  	[tilespmem:s11+$0x0] =	vst v4;
	v1 =	vadd.s32 s9, v1  }
0x200: {  	[tilespmem:s11+$0xFFFFFFF0] =	vst v4;
	vm0 =	vge.s32 v1, s8  }
0x201: {  	v2 =	vmov s8;
	s12 =	simm.s32 $0x0;
	[tilespmem:s11+$0xFFFFFFE0] =	vst v4;
	v3 =	vmpcnt.ones.xlane vm0  }
.LBB2_17:
0x202: {  	s12 =	sadd.s32 $0x8, s12;
	[tilespmem:s11+$0xFFFFFFD0] =	vst v4;
	s11 =	sadd.s32 $0x80, s11  }
0x203: {  	[tilespmem:s11+$0xFFFFFFC0] =	vst v4;
	p0 =	slt.u32 s12, $0x78  }
0x204: {  	[tilespmem:s11+$0x30] =	vst v4  }
.Ltmp8:
0x205: {  	[tilespmem:s11+$0x20] =	vst v4;
	(pc) =	sbr.rel @p0 .LBB2_17-.Ltmp8, $4  }
0x206: {  	[tilespmem:s11+$0x10] =	vst v4  }
0x207: {  	[tilespmem:s11+$0x0] =	vst v4  }
0x208: {  	[tilespmem:s11+$0xFFFFFFF0] =	vst v4  }
0x209: {  	[tilespmem:s11+$0xFFFFFFE0] =	vst v4  }
0x20a: {  	v3 =	vxor.u32 $0x80000000, v3  }
0x20b: {  	(xrf0) =	vmax.scan.msk.u32 $0xffff, v3;
	_ =	sdelay $0x5  }
0x20c: {  	v3, _, _ =	vpop (xrf0)  }
0x20d: {  	(v2sf) =	vpush v3, $0xF;
	_ =	sdelay $0xc  }
0x20e: {  	[tilespmem:s11+$0xFFFFFFD0] =	vst v4;
	s14 =	simm.s32 $0x40  }
0x20f: {  	v5 =	vld [tilespmem:s14+$0x0]  }
0x210: {  	s0 =	spop (v2sf)  }
0x211: {  	s0 =	sadd.s32 s0, s10  }
0x212: {  	s7 =	sshll.u32 s7, $0xB;
	s0 =	sadd.s32 $0x7FFFFFFF, s0  }
0x213: {  	s7 =	sor.u32 s7, s0  }
0x214: {  	v6 =	vshrl.u32 v5, $0xA;
	v4 =	vmov s7  }
0x215: {  	vm0 =	veq.s32 v6, v4  }
0x216: {  	v5 =	vand.u32 $0x3FF, v5;
	_ =	sdelay $0x2  }
0x217: {  	v6 =	vld [tilespmem:s14+$0xFFFFFFC0]  }
0x218: {  	v3 =	vimm.s32 $0x1;
	s10 =	simm.s32 $0x4000  }
0x219: {  	[tilespmem:v5+s10+$0x0] =	vst.idx.add.s32.msk vm0, v3  }
0x21a: {  	v5 =	vld [tilespmem:s14+$0x10];
	_ =	sdelay $0x1  }
0x21b: {  	s11 =	simm.s32 $0xC0;
	v7 =	vshrl.u32 v6, $0xA  }
0x21c: {  	vm0 =	veq.s32 v7, v4;
	v7 =	vld [tilespmem:s11+$0x0]  }
0x21d: {  	v6 =	vand.u32 $0x3FF, v6  }
0x21e: {  	v8 =	vshrl.u32 v5, $0xA  }
0x21f: {  	vm1 =	veq.s32 v8, v4  }
0x220: {  	v5 =	vand.u32 $0x3FF, v5  }
0x221: {  	v8 =	vshrl.u32 v7, $0xA  }
0x222: {  	[tilespmem:v6+s10+$0x0] =	vst.idx.add.s32.msk vm0, v3;
	vm0 =	veq.s32 v8, v4  }
0x223: {  	v6 =	vld [tilespmem:s11+$0xFFFFFFC0];
	v7 =	vand.u32 $0x3FF, v7  }
0x224: {  	v8 =	vld [tilespmem:s14+$0xFFFFFFD0]  }
0x225: {  	[tilespmem:v5+s10+$0x0] =	vst.idx.add.s32.msk vm1, v3  }
0x226: {  	v5 =	vld [tilespmem:s14+$0x20];
	_ =	sdelay $0x1  }
0x227: {  	v9 =	vshrl.u32 v6, $0xA;
	[tilespmem:v7+s10+$0x0] =	vst.idx.add.s32.msk vm0, v3  }
0x228: {  	vm0 =	veq.s32 v9, v4;
	v7 =	vld [tilespmem:s11+$0x10]  }
0x229: {  	s12 =	simm.s32 $0x140;
	v6 =	vand.u32 $0x3FF, v6;
	v9 =	vshrl.u32 v8, $0xA  }
0x22a: {  	v10 =	vld [tilespmem:s12+$0x0];
	vm1 =	veq.s32 v9, v4;
	v9 =	vshrl.u32 v5, $0xA  }
0x22b: {  	v8 =	vand.u32 $0x3FF, v8;
	vm2 =	veq.s32 v9, v4  }
0x22c: {  	v5 =	vand.u32 $0x3FF, v5;
	v9 =	vld [tilespmem:s12+$0xFFFFFFC0]  }
0x22d: {  	v11 =	vshrl.u32 v7, $0xA  }
0x22e: {  	[tilespmem:v6+s10+$0x0] =	vst.idx.add.s32.msk vm0, v3;
	vm0 =	veq.s32 v11, v4  }
0x22f: {  	v7 =	vand.u32 $0x3FF, v7;
	v6 =	vld [tilespmem:s11+$0xFFFFFFD0];
	v11 =	vshrl.u32 v10, $0xA  }
0x230: {  	[tilespmem:v8+s10+$0x0] =	vst.idx.add.s32.msk vm1, v3;
	vm1 =	veq.s32 v11, v4  }
0x231: {  	v8 =	vshrl.u32 v9, $0xA;
	[tilespmem:v5+s10+$0x0] =	vst.idx.add.s32.msk vm2, v3;
	v5 =	vand.u32 $0x3FF, v10  }
0x232: {  	vm2 =	veq.s32 v8, v4;
	v10 =	vld [tilespmem:s14+$0xFFFFFFE0]  }
0x233: {  	v9 =	vand.u32 $0x3FF, v9;
	v8 =	vld [tilespmem:s14+$0x30]  }
0x234: {  	v11 =	vshrl.u32 v6, $0xA;
	[tilespmem:v7+s10+$0x0] =	vst.idx.add.s32.msk vm0, v3  }
0x235: {  	vm0 =	veq.s32 v11, v4;
	v7 =	vld [tilespmem:s11+$0x20]  }
0x236: {  	v6 =	vand.u32 $0x3FF, v6;
	[tilespmem:v5+s10+$0x0] =	vst.idx.add.s32.msk vm1, v3  }
0x237: {  	v12 =	vshrl.u32 v10, $0xA;
	v11 =	vld [tilespmem:s12+$0x10]  }
0x238: {  	s13 =	simm.s32 $0x1C0;
	v5 =	vshrl.u32 v8, $0xA;
	[tilespmem:v9+s10+$0x0] =	vst.idx.add.s32.msk vm2, v3;
	vm2 =	veq.s32 v12, v4  }
0x239: {  	v62 =	vld [tilespmem:s13+$0x0];
	v9 =	vand.u32 $0x3FF, v10;
	vm1 =	veq.s32 v5, v4  }
0x23a: {  	v5 =	vand.u32 $0x3FF, v8;
	v8 =	vld [tilespmem:s12+$0xFFFFFFD0];
	v10 =	vshrl.u32 v7, $0xA  }
0x23b: {  	[tilespmem:v6+s10+$0x0] =	vst.idx.add.s32.msk vm0, v3;
	vm0 =	veq.s32 v10, v4  }
0x23c: {  	v7 =	vand.u32 $0x3FF, v7  }
0x23d: {  	v6 =	vld [tilespmem:s13+$0xFFFFFFC0];
	v10 =	vshrl.u32 v11, $0xA  }
0x23e: {  	vm3 =	veq.s32 v10, v4;
	[tilespmem:v9+s10+$0x0] =	vst.idx.add.s32.msk vm2, v3  }
0x23f: {  	v10 =	vand.u32 $0x3FF, v11;
	v9 =	vshrl.u32 v62, $0xA;
	[tilespmem:v5+s10+$0x0] =	vst.idx.add.s32.msk vm1, v3  }
0x240: {  	v5 =	vshrl.u32 v8, $0xA;
	v11 =	vld [tilespmem:s14+$0xFFFFFFF0];
	vm2 =	veq.s32 v9, v4  }
0x241: {  	vm1 =	veq.s32 v5, v4;
	[tilespmem:v7+s10+$0x0] =	vst.idx.add.s32.msk vm0, v3;
	v7 =	vand.u32 $0x3FF, v62  }
0x242: {  	v5 =	vand.u32 $0x3FF, v8;
	v8 =	vshrl.u32 v6, $0xA;
	v63 =	vld [tilespmem:s11+$0x30]  }
0x243: {  	v13 =	vld [tilespmem:s11+$0xFFFFFFE0];
	vm4 =	veq.s32 v8, v4  }
0x244: {  	v14 =	vand.u32 $0x3FF, v6;
	[tilespmem:v10+s10+$0x0] =	vst.idx.add.s32.msk vm3, v3  }
0x245: {  	v8 =	vld [tilespmem:s12+$0x20]  }
0x246: {  	[tilespmem:v7+s10+$0x0] =	vst.idx.add.s32.msk vm2, v3;
	v7 =	vshrl.u32 v11, $0xA  }
0x247: {  	[tilespmem:v5+s10+$0x0] =	vst.idx.add.s32.msk vm1, v3;
	vm0 =	veq.s32 v7, v4;
	v7 =	vshrl.u32 v63, $0xA  }
0x248: {  	v5 =	vshrl.u32 v13, $0xA;
	v9 =	vld [tilespmem:s13+$0x10];
	vm2 =	veq.s32 v7, v4  }
0x249: {  	vm1 =	veq.s32 v5, v4;
	[tilespmem:v14+s10+$0x0] =	vst.idx.add.s32.msk vm4, v3;
	v7 =	vand.u32 $0x3FF, v63  }
0x24a: {  	s15 =	simm.s32 $0x240;
	s14 =	simm.s32 $0x6;
	v6 =	vand.u32 $0x3FF, v13;
	v5 =	vand.u32 $0x3FF, v11;
	v10 =	vld [tilespmem:s13+$0xFFFFFFD0];
	v11 =	vshrl.u32 v8, $0xA  }
.LBB2_19:
0x24b: {  	v12 =	vld [tilespmem:s15+$0x0];
	s14 =	sadd.s32 $0x2, s14;
	vm3 =	veq.s32 v11, v4  }
0x24c: {  	v8 =	vand.u32 $0x3FF, v8;
	v11 =	vld [tilespmem:s15+$0xFFFFFFC0];
	p0 =	slt.u32 s14, $0xFE  }
0x24d: {  	v13 =	vshrl.u32 v9, $0xA;
	v14 =	vld [tilespmem:s12+$0xFFFFFFE0]  }
0x24e: {  	vm4 =	veq.s32 v13, v4;
	[tilespmem:v7+s10+$0x0] =	vst.idx.add.s32.msk vm2, v3  }
0x24f: {  	v9 =	vand.u32 $0x3FF, v9;
	v7 =	vshrl.u32 v10, $0xA;
	v10 =	vand.u32 $0x3FF, v10;
	[tilespmem:v6+s10+$0x0] =	vst.idx.add.s32.msk vm1, v3  }
0x250: {  	v6 =	vshrl.u32 v12, $0xA;
	vm2 =	veq.s32 v7, v4;
	v7 =	vld [tilespmem:s11+$0xFFFFFFF0];
	s11 =	smov.u32 s12;
	s12 =	smov.u32 s13;
	s13 =	smov.u32 s15  }
0x251: {  	v13 =	vshrl.u32 v11, $0xA;
	v11 =	vand.u32 $0x3FF, v11;
	vm5 =	veq.s32 v6, v4;
	[tilespmem:v8+s10+$0x0] =	vst.idx.add.s32.msk vm3, v3  }
0x252: {  	v12 =	vand.u32 $0x3FF, v12;
	vm3 =	veq.s32 v13, v4;
	v6 =	vshrl.u32 v14, $0xA;
	v13 =	vld [tilespmem:s11+$0x30]  }
0x253: {  	vm1 =	veq.s32 v6, v4;
	v6 =	vand.u32 $0x3FF, v14;
	[tilespmem:v5+s10+$0x0] =	vst.idx.add.s32.msk vm0, v3  }
0x254: {  	[tilespmem:v9+s10+$0x0] =	vst.idx.add.s32.msk vm4, v3  }
0x255: {  	v8 =	vld [tilespmem:s12+$0x20];
	v9 =	vshrl.u32 v7, $0xA;
	v5 =	vand.u32 $0x3FF, v7  }
.Ltmp9:
0x256: {  	[tilespmem:v10+s10+$0x0] =	vst.idx.add.s32.msk vm2, v3;
	vm0 =	veq.s32 v9, v4;
	(pc) =	sbr.rel @p0 .LBB2_19-.Ltmp9, $4  }
0x257: {  	[tilespmem:v12+s10+$0x0] =	vst.idx.add.s32.msk vm5, v3;
	v7 =	vshrl.u32 v13, $0xA  }
0x258: {  	v9 =	vld [tilespmem:s15+$0x10];
	vm2 =	veq.s32 v7, v4  }
0x259: {  	v7 =	vand.u32 $0x3FF, v13;
	[tilespmem:v11+s10+$0x0] =	vst.idx.add.s32.msk vm3, v3  }
0x25a: {  	s15 =	sadd.s32 $0x80, s15;
	v10 =	vld [tilespmem:s13+$0xFFFFFFD0];
	v11 =	vshrl.u32 v8, $0xA  }
0x25b: {  	_ =	sdelay $0x1  }
0x25c: {  	v12 =	vshrl.u32 v9, $0xA  }
0x25d: {  	vm3 =	veq.s32 v12, v4  }
0x25e: {  	v9 =	vand.u32 $0x3FF, v9;
	v12 =	vshrl.u32 v10, $0xA  }
0x25f: {  	vm4 =	veq.s32 v12, v4  }
0x260: {  	v10 =	vand.u32 $0x3FF, v10;
	_ =	sdelay $0x1  }
0x261: {  	v12 =	vld [tilespmem:s12+$0xFFFFFFE0]  }
0x262: {  	[tilespmem:v9+s10+$0x0] =	vst.idx.add.s32.msk vm3, v3  }
0x263: {  	v9 =	vld [tilespmem:s13+$0x20]  }
0x264: {  	[tilespmem:v10+s10+$0x0] =	vst.idx.add.s32.msk vm4, v3  }
0x265: {  	vm8 =	veq.s32 v11, v4;
	v10 =	vld [tilespmem:s13+$0xFFFFFFE0]  }
0x266: {  	v8 =	vand.u32 $0x3FF, v8;
	v11 =	vshrl.u32 v12, $0xA  }
0x267: {  	vm9 =	veq.s32 v11, v4  }
0x268: {  	v11 =	vand.u32 $0x3FF, v12;
	v12 =	vshrl.u32 v9, $0xA  }
0x269: {  	[tilespmem:v6+s10+$0x0] =	vst.idx.add.s32.msk vm1, v3;
	vm10 =	veq.s32 v12, v4  }
0x26a: {  	v6 =	vld [tilespmem:s11+$0xFFFFFFF0];
	v9 =	vand.u32 $0x3FF, v9;
	v12 =	vshrl.u32 v10, $0xA  }
0x26b: {  	[tilespmem:v8+s10+$0x0] =	vst.idx.add.s32.msk vm8, v3;
	vm11 =	veq.s32 v12, v4  }
0x26c: {  	v8 =	vld [tilespmem:s12+$0x30];
	v10 =	vand.u32 $0x3FF, v10  }
0x26d: {  	[tilespmem:v11+s10+$0x0] =	vst.idx.add.s32.msk vm9, v3  }
0x26e: {  	v11 =	vld [tilespmem:s12+$0xFFFFFFF0]  }
0x26f: {  	[tilespmem:v9+s10+$0x0] =	vst.idx.add.s32.msk vm10, v3  }
0x270: {  	v9 =	vld [tilespmem:s13+$0x30]  }
0x271: {  	[tilespmem:v10+s10+$0x0] =	vst.idx.add.s32.msk vm11, v3  }
0x272: {  	v10 =	vld [tilespmem:s13+$0xFFFFFFF0]  }
0x273: {  	v13 =	vshrl.u32 v6, $0xA  }
0x274: {  	vm13 =	veq.s32 v13, v4;
	v12 =	vshrl.u32 v8, $0xA  }
0x275: {  	v6 =	vand.u32 $0x3FF, v6;
	vm12 =	veq.s32 v12, v4;
	v13 =	vshrl.u32 v11, $0xA  }
0x276: {  	v8 =	vand.u32 $0x3FF, v8;
	vm5 =	veq.s32 v13, v4;
	v12 =	vshrl.u32 v9, $0xA  }
0x277: {  	[tilespmem:v7+s10+$0x0] =	vst.idx.add.s32.msk vm2, v3;
	v7 =	vand.u32 $0x3FF, v11;
	vm14 =	veq.s32 v12, v4;
	v12 =	vshrl.u32 v10, $0xA  }
0x278: {  	v9 =	vand.u32 $0x3FF, v9;
	vm15 =	veq.s32 v12, v4  }
0x279: {  	[tilespmem:v5+s10+$0x0] =	vst.idx.add.s32.msk vm0, v3;
	v4 =	vand.u32 $0x3FF, v10  }
0x27a: {  	[tilespmem:v6+s10+$0x0] =	vst.idx.add.s32.msk vm13, v3  }
0x27b: {  	[tilespmem:v8+s10+$0x0] =	vst.idx.add.s32.msk vm12, v3  }
0x27c: {  	[tilespmem:v7+s10+$0x0] =	vst.idx.add.s32.msk vm5, v3  }
0x27d: {  	[tilespmem:v9+s10+$0x0] =	vst.idx.add.s32.msk vm14, v3  }
0x27e: {  	s0 =	simm.s32 $0x0;
	s21 =	simm.s32 $0x4000;
	[tilespmem:v4+s10+$0x0] =	vst.idx.add.s32.msk vm15, v3  }
0x27f: {  	[hbm4b:s6+s0] =	stream.linear.scatter [tilespmem:s21], [sflag:$0x1], $0x800, $0x38;
	[tilespmem:$0xD900] =	vst v63  }
0x280: {  	s6 =	simm.s32 $0x1  }
0x281: {  	_ =	swait.ge [sflag:s6], $0x800  }
0x282: {  	[sflag:s6] =	ssyncset.done $0x0  }
0x283: {  	[sflag:s6] =	ssyncadd.s32 $0xFFFFF800  }
0x284: {  	s22 =	simm.s32 $0x4800;
	[bflag:$0x0] =	sbarrier.arrive $0xFFFF  }
0x285: {  	[tilespmem:s22], [sflag:$0x1] =	stream.linear.gather [hbm4b:s5+s0], $0x8000, $0x38;
	[tilespmem:$0xD900] =	vst v63  }
0x286: {  	_ =	swait.ge [sflag:s6], $0x8000  }
0x287: {  	[sflag:s6] =	ssyncset.done $0x0  }
0x288: {  	s23 =	simm.s32 $0x0;
	[sflag:s6] =	ssyncadd.s32 $0xFFFF8000  }
0x289: {  	s24 =	simm.s32 $0x4810;
	s14 =	sand.u32 $0x780, s23;
	[bflag:$0x0] =	sbarrier.arrive $0xFFFF  }
0x28a: {  	s0 =	sand.u32 $0x60, s23;
	s5 =	sor.u32 $0xC000, s14;
	v3 =	vld [tilespmem:s24+$0xFFFFFFF0]  }
0x28b: {  	s10 =	sor.u32 $0xB800, s14;
	s25 =	sor.u32 s0, s5;
	v4 =	vld [tilespmem:s24+$0x0]  }
0x28c: {  	s11 =	sor.u32 $0xB000, s14;
	s26 =	sor.u32 s0, s10;
	v5 =	vld [tilespmem:s25+$0x0]  }
0x28d: {  	s12 =	sor.u32 $0xA800, s14;
	s15 =	sor.u32 s0, s11;
	v6 =	vld [tilespmem:s26+$0x0]  }
0x28e: {  	s13 =	sor.u32 $0xA000, s14;
	s16 =	sor.u32 s0, s12;
	v7 =	vld [tilespmem:s15+$0x0]  }
0x28f: {  	s28 =	sor.u32 $0x5800, s14;
	s17 =	sor.u32 s0, s13;
	v8 =	vld [tilespmem:s16+$0x0]  }
0x290: {  	s15 =	sor.u32 $0x9800, s14;
	v9 =	vld [tilespmem:s17+$0x0];
	s26 =	sor.u32 s0, s28  }
0x291: {  	s16 =	sor.u32 $0x9000, s14;
	s18 =	sor.u32 s0, s15;
	v18 =	vld [tilespmem:s26+$0x0]  }
0x292: {  	s17 =	sor.u32 $0x8800, s14;
	s19 =	sor.u32 s0, s16;
	v10 =	vld [tilespmem:s18+$0x0]  }
0x293: {  	s20 =	sor.u32 s0, s17;
	s18 =	sor.u32 $0x8000, s14;
	v11 =	vld [tilespmem:s19+$0x0]  }
0x294: {  	s19 =	sor.u32 $0x7800, s14;
	v12 =	vld [tilespmem:s20+$0x0];
	s21 =	sor.u32 s0, s18  }
0x295: {  	s20 =	sor.u32 $0x7000, s14;
	s22 =	sor.u32 s0, s19;
	v13 =	vld [tilespmem:s21+$0x0]  }
0x296: {  	s23 =	sor.u32 s0, s20;
	s21 =	sor.u32 $0x6800, s14;
	v14 =	vld [tilespmem:s22+$0x0]  }
0x297: {  	s22 =	sor.u32 $0x6000, s14;
	v15 =	vld [tilespmem:s23+$0x0];
	s24 =	sor.u32 s0, s21  }
0x298: {  	s29 =	simm.s32 $0x10;
	s14 =	sor.u32 $0x5000, s14;
	s25 =	sor.u32 s0, s22;
	v16 =	vld [tilespmem:s24+$0x0]  }
0x299: {  	s0 =	sor.u32 s0, s14;
	v17 =	vld [tilespmem:s25+$0x0];
	s24 =	sand.u32 $0x70, s29  }
0x29a: {  	v19 =	vld [tilespmem:s0+$0x0];
	s30 =	sor.u32 s24, s14  }
0x29b: {  	s31 =	sor.u32 s24, s28;
	v20 =	vld [tilespmem:s30+$0x0]  }
0x29c: {  	s14 =	sor.u32 s24, s22;
	v21 =	vld [tilespmem:s31+$0x0]  }
0x29d: {  	s21 =	sor.u32 s24, s21;
	v22 =	vld [tilespmem:s14+$0x0]  }
0x29e: {  	s22 =	sor.u32 s24, s20;
	v23 =	vld [tilespmem:s21+$0x0]  }
0x29f: {  	s23 =	sor.u32 s24, s19;
	v24 =	vld [tilespmem:s22+$0x0];
	v3 =	vadd.s32 v3, v19  }
0x2a0: {  	s25 =	sor.u32 s24, s18;
	v51 =	vld [tilespmem:s23+$0x0];
	v3 =	vadd.s32 v18, v3  }
0x2a1: {  	s26 =	sor.u32 s24, s17;
	v52 =	vld [tilespmem:s25+$0x0];
	v4 =	vadd.s32 v4, v20;
	v3 =	vadd.s32 v17, v3  }
0x2a2: {  	s28 =	sor.u32 s24, s16;
	v17 =	vld [tilespmem:s26+$0x0];
	v4 =	vadd.s32 v21, v4;
	v3 =	vadd.s32 v16, v3  }
0x2a3: {  	s29 =	sor.u32 s24, s15;
	v16 =	vld [tilespmem:s28+$0x0];
	v4 =	vadd.s32 v22, v4;
	v3 =	vadd.s32 v15, v3  }
0x2a4: {  	s30 =	sor.u32 s24, s13;
	v15 =	vld [tilespmem:s29+$0x0];
	v4 =	vadd.s32 v23, v4;
	v3 =	vadd.s32 v14, v3  }
0x2a5: {  	s31 =	sor.u32 s24, s12;
	v14 =	vld [tilespmem:s30+$0x0];
	v4 =	vadd.s32 v24, v4;
	v3 =	vadd.s32 v13, v3  }
0x2a6: {  	s12 =	sor.u32 s24, s11;
	v13 =	vld [tilespmem:s31+$0x0];
	v4 =	vadd.s32 v51, v4;
	v3 =	vadd.s32 v12, v3  }
0x2a7: {  	s13 =	sor.u32 s24, s10;
	v12 =	vld [tilespmem:s12+$0x0];
	v4 =	vadd.s32 v52, v4;
	v3 =	vadd.s32 v11, v3  }
0x2a8: {  	s15 =	sor.u32 s24, s5;
	s14 =	simm.s32 $0x20;
	v11 =	vld [tilespmem:s13+$0x0];
	v4 =	vadd.s32 v17, v4;
	v3 =	vadd.s32 v10, v3  }
0x2a9: {  	s5 =	simm.s32 $0x4830;
	s11 =	sand.u32 $0x780, s14;
	v10 =	vld [tilespmem:s15+$0x0];
	v4 =	vadd.s32 v16, v4;
	v3 =	vadd.s32 v9, v3  }
0x2aa: {  	s0 =	sand.u32 $0x60, s14;
	s10 =	sor.u32 $0xC000, s11;
	v9 =	vld [tilespmem:s5+$0xFFFFFFF0];
	v4 =	vadd.s32 v15, v4;
	v3 =	vadd.s32 v8, v3  }
0x2ab: {  	s16 =	sor.u32 s0, s10;
	s13 =	sor.u32 $0xB800, s11;
	v15 =	vld [tilespmem:s5+$0x0];
	v8 =	vadd.s32 v14, v4;
	v3 =	vadd.s32 v7, v3  }
0x2ac: {  	s14 =	sor.u32 $0xB000, s11;
	s17 =	sor.u32 s0, s13;
	v4 =	vld [tilespmem:s16+$0x0];
	v7 =	vadd.s32 v13, v8;
	v6 =	vadd.s32 v6, v3  }
0x2ad: {  	s18 =	sor.u32 s0, s14;
	s12 =	sor.u32 $0xA800, s11;
	v3 =	vld [tilespmem:s17+$0x0];
	v7 =	vadd.s32 v12, v7;
	v12 =	vadd.s32 v5, v6  }
0x2ae: {  	s19 =	sor.u32 s0, s12;
	s17 =	sor.u32 $0x9800, s11;
	v5 =	vld [tilespmem:s18+$0x0];
	v7 =	vadd.s32 v11, v7;
	(xrf0) =	vadd.scan.msk.s32 $0xffff, v12  }
0x2af: {  	s16 =	sor.u32 $0xA000, s11;
	v6 =	vld [tilespmem:s19+$0x0];
	s21 =	sor.u32 s0, s17;
	v11 =	vadd.s32 v10, v7  }
0x2b0: {  	s20 =	sor.u32 s0, s16;
	s19 =	sor.u32 $0x9000, s11;
	v8 =	vld [tilespmem:s21+$0x0];
	(xrf0) =	vadd.scan.msk.s32 $0xffff, v11  }
0x2b1: {  	s18 =	sor.u32 $0x8800, s11;
	s22 =	sor.u32 s0, s19;
	v7 =	vld [tilespmem:s20+$0x0]  }
0x2b2: {  	s21 =	sor.u32 $0x8000, s11;
	s23 =	sor.u32 s0, s18;
	v13 =	vld [tilespmem:s22+$0x0]  }
0x2b3: {  	s20 =	sor.u32 $0x7800, s11;
	s24 =	sor.u32 s0, s21;
	v14 =	vld [tilespmem:s23+$0x0]  }
0x2b4: {  	s31 =	simm.s32 $0x30;
	s22 =	sor.u32 $0x6800, s11;
	s25 =	sor.u32 s0, s20;
	v16 =	vld [tilespmem:s24+$0x0];
	v10, _, _ =	vpop (xrf0)  }
0x2b5: {  	s15 =	sand.u32 $0x70, s31;
	s28 =	sor.u32 s0, s22;
	v17 =	vld [tilespmem:s25+$0x0];
	(v2sf) =	vpush v10, $0xF  }
0x2b6: {  	s29 =	sor.u32 $0x5800, s11;
	s31 =	sor.u32 s15, s22;
	v54 =	vld [tilespmem:s28+$0x0];
	v53, _, _ =	vpop (xrf0)  }
0x2b7: {  	s23 =	sor.u32 $0x7000, s11;
	s28 =	sor.u32 s0, s29;
	v25 =	vld [tilespmem:s31+$0x0];
	(v2sf) =	vpush v53, $0xF  }
0x2b8: {  	s25 =	sor.u32 $0x6000, s11;
	s11 =	sor.u32 $0x5000, s11;
	s29 =	sor.u32 s15, s29;
	v56 =	vld [tilespmem:s28+$0x0]  }
0x2b9: {  	s26 =	sor.u32 s0, s23;
	s30 =	sor.u32 s0, s25;
	s0 =	sor.u32 s0, s11;
	v59 =	vld [tilespmem:s29+$0x0]  }
0x2ba: {  	s28 =	sor.u32 s15, s11;
	v57 =	vld [tilespmem:s0+$0x0]  }
0x2bb: {  	v58 =	vld [tilespmem:s28+$0x0]  }
0x2bc: {  	v55 =	vld [tilespmem:s30+$0x0];
	s30 =	sor.u32 s15, s25  }
0x2bd: {  	v60 =	vld [tilespmem:s30+$0x0]  }
0x2be: {  	s11 =	sor.u32 s15, s23;
	v10 =	vld [tilespmem:s26+$0x0]  }
0x2bf: {  	s22 =	sor.u32 s15, s20;
	v26 =	vld [tilespmem:s11+$0x0];
	v9 =	vadd.s32 v9, v57  }
0x2c0: {  	v61 =	vld [tilespmem:s22+$0x0];
	s23 =	sor.u32 s15, s21;
	v15 =	vadd.s32 v15, v58;
	v9 =	vadd.s32 v56, v9  }
0x2c1: {  	s24 =	sor.u32 s15, s18;
	v62 =	vld [tilespmem:s23+$0x0];
	v15 =	vadd.s32 v59, v15;
	v9 =	vadd.s32 v55, v9  }
0x2c2: {  	v63 =	vld [tilespmem:s24+$0x0];
	s25 =	sor.u32 s15, s19;
	s11 =	simm.s32 $0x4010;
	v15 =	vadd.s32 v60, v15;
	v19 =	vadd.s32 v54, v9  }
0x2c3: {  	[tilespmem:s11+$0xFFFFFFF0] =	vst v12;
	s26 =	sor.u32 s15, s17;
	v9 =	vld [tilespmem:s25+$0x0];
	v15 =	vadd.s32 v25, v15;
	v12 =	vadd.s32 v10, v19  }
0x2c4: {  	s28 =	sor.u32 s15, s16;
	v10 =	vld [tilespmem:s26+$0x0];
	v15 =	vadd.s32 v26, v15;
	v12 =	vadd.s32 v17, v12;
	s29 =	spop (v2sf)  }
0x2c5: {  	[tilespmem:s11+$0x0] =	vst v11;
	v11 =	vld [tilespmem:s28+$0x0];
	s30 =	sor.u32 s15, s12;
	v15 =	vadd.s32 v61, v15;
	v12 =	vadd.s32 v16, v12;
	[smem:$0x0] =	sst s29  }
0x2c6: {  	s31 =	sor.u32 s15, s14;
	s14 =	sor.u32 s15, s13;
	v15 =	vadd.s32 v62, v15;
	v14 =	vadd.s32 v14, v12;
	s16 =	spop (v2sf);
	v12 =	vld [tilespmem:s30+$0x0]  }
0x2c7: {  	s13 =	simm.s32 $0x50;
	s12 =	simm.s32 $0x2;
	v15 =	vadd.s32 v63, v15;
	v14 =	vadd.s32 v13, v14;
	v13 =	vld [tilespmem:s31+$0x0];
	[smem:s6] =	sst s16  }
.LBB2_21:
0x2c8: {  	s0 =	sadd.s32 $0xFFFFFFF0, s13;
	v8 =	vadd.s32 v8, v14;
	v9 =	vadd.s32 v9, v15;
	v14 =	vld [tilespmem:s14+$0x0];
	s10 =	sor.u32 s15, s10  }
0x2c9: {  	s5 =	sadd.s32 $0x20, s5;
	s15 =	sand.u32 $0x780, s0;
	v7 =	vadd.s32 v7, v8;
	v8 =	vadd.s32 v10, v9;
	v9 =	vld [tilespmem:s10+$0x0]  }
0x2ca: {  	s20 =	sand.u32 $0x60, s0;
	v10 =	vld [tilespmem:s5+$0xFFFFFFF0];
	s10 =	sor.u32 $0xC000, s15;
	v6 =	vadd.s32 v6, v7;
	v7 =	vadd.s32 v11, v8  }
0x2cb: {  	s14 =	sor.u32 $0xB800, s15;
	s0 =	sor.u32 s20, s10;
	v11 =	vld [tilespmem:s5+$0x0];
	v5 =	vadd.s32 v5, v6;
	v6 =	vadd.s32 v12, v7  }
0x2cc: {  	s16 =	sor.u32 $0xB000, s15;
	s18 =	sor.u32 s20, s14;
	v12 =	vld [tilespmem:s0+$0x0];
	v5 =	vadd.s32 v3, v5;
	v6 =	vadd.s32 v13, v6  }
0x2cd: {  	s11 =	sadd.s32 $0x20, s11;
	s17 =	sor.u32 $0xA800, s15;
	s0 =	sor.u32 s20, s16;
	v3 =	vld [tilespmem:s18+$0x0];
	v4 =	vadd.s32 v4, v5;
	v6 =	vadd.s32 v14, v6  }
0x2ce: {  	s21 =	sor.u32 s20, s17;
	s18 =	sor.u32 $0xA000, s15;
	v5 =	vld [tilespmem:s0+$0x0];
	[tilespmem:s11+$0xFFFFFFF0] =	vst v4;
	v7 =	vadd.s32 v9, v6;
	(xrf0) =	vadd.scan.msk.s32 $0xffff, v4  }
0x2cf: {  	s19 =	sor.u32 $0x9800, s15;
	s0 =	sor.u32 s20, s18;
	v6 =	vld [tilespmem:s21+$0x0];
	[tilespmem:s11+$0x0] =	vst v7;
	(xrf0) =	vadd.scan.msk.s32 $0xffff, v7  }
0x2d0: {  	s23 =	sor.u32 s20, s19;
	s21 =	sor.u32 $0x9000, s15;
	v7 =	vld [tilespmem:s0+$0x0]  }
0x2d1: {  	s22 =	sor.u32 $0x8800, s15;
	s0 =	sor.u32 s20, s21;
	v8 =	vld [tilespmem:s23+$0x0];
	v4 =	vmov v12  }
0x2d2: {  	s24 =	sor.u32 s20, s22;
	s23 =	sor.u32 $0x8000, s15;
	v13 =	vld [tilespmem:s0+$0x0]  }
0x2d3: {  	s0 =	sor.u32 $0x7800, s15;
	s25 =	sor.u32 s20, s23;
	v12 =	vld [tilespmem:s24+$0x0]  }
0x2d4: {  	s24 =	sor.u32 $0x7000, s15;
	s26 =	sor.u32 s20, s0;
	v14 =	vld [tilespmem:s25+$0x0];
	v9, _, _ =	vpop (xrf0)  }
0x2d5: {  	s25 =	sor.u32 $0x6800, s15;
	s28 =	sor.u32 s20, s24;
	v15 =	vld [tilespmem:s26+$0x0];
	(v2sf) =	vpush v9, $0xF;
	v9, _, _ =	vpop (xrf0)  }
0x2d6: {  	s26 =	sor.u32 $0x6000, s15;
	s29 =	sor.u32 s20, s25;
	v16 =	vld [tilespmem:s28+$0x0];
	(v2sf) =	vpush v9, $0xF  }
0x2d7: {  	s12 =	sadd.s32 $0x2, s12;
	s28 =	sor.u32 $0x5800, s15;
	s30 =	sor.u32 s20, s26;
	v9 =	vld [tilespmem:s29+$0x0]  }
0x2d8: {  	p0 =	slt.u32 s12, $0x7E;
	s29 =	sor.u32 $0x5000, s15;
	s15 =	sor.u32 s20, s28;
	v17 =	vld [tilespmem:s30+$0x0]  }
0x2d9: {  	s20 =	sor.u32 s20, s29;
	v18 =	vld [tilespmem:s15+$0x0];
	s15 =	sand.u32 $0x70, s13  }
0x2da: {  	v19 =	vld [tilespmem:s20+$0x0];
	s20 =	sor.u32 s15, s29  }
0x2db: {  	v20 =	vld [tilespmem:s20+$0x0];
	s20 =	sor.u32 s15, s28  }
0x2dc: {  	v21 =	vld [tilespmem:s20+$0x0];
	s20 =	sor.u32 s15, s26  }
0x2dd: {  	v22 =	vld [tilespmem:s20+$0x0];
	s20 =	sor.u32 s15, s25  }
0x2de: {  	v23 =	vld [tilespmem:s20+$0x0];
	s20 =	sor.u32 s15, s24  }
0x2df: {  	s0 =	sor.u32 s15, s0;
	v10 =	vadd.s32 v10, v19;
	v19 =	vld [tilespmem:s20+$0x0]  }
0x2e0: {  	v10 =	vadd.s32 v18, v10;
	v11 =	vadd.s32 v11, v20;
	v18 =	vld [tilespmem:s0+$0x0];
	s0 =	sor.u32 s15, s23  }
0x2e1: {  	v10 =	vadd.s32 v17, v10;
	v11 =	vadd.s32 v21, v11;
	v17 =	vld [tilespmem:s0+$0x0];
	s0 =	sor.u32 s15, s22  }
0x2e2: {  	v9 =	vadd.s32 v9, v10;
	v10 =	vadd.s32 v22, v11;
	v20 =	vld [tilespmem:s0+$0x0];
	s0 =	sor.u32 s15, s21  }
.Ltmp10:
0x2e3: {  	v11 =	vadd.s32 v16, v9;
	v10 =	vadd.s32 v23, v10;
	v9 =	vld [tilespmem:s0+$0x0];
	s0 =	sor.u32 s15, s19;
	(pc) =	sbr.rel @p0 .LBB2_21-.Ltmp10, $4  }
0x2e4: {  	s6 =	sadd.s32 $0x2, s6;
	v11 =	vadd.s32 v15, v11;
	v15 =	vadd.s32 v19, v10;
	v10 =	vld [tilespmem:s0+$0x0];
	s0 =	sor.u32 s15, s18;
	s18 =	spop (v2sf)  }
0x2e5: {  	v14 =	vadd.s32 v14, v11;
	v15 =	vadd.s32 v18, v15;
	v11 =	vld [tilespmem:s0+$0x0];
	s0 =	sor.u32 s15, s17;
	[smem:s6+$0xFFFFFFFF] =	sst s18;
	s17 =	spop (v2sf)  }
0x2e6: {  	v14 =	vadd.s32 v12, v14;
	v15 =	vadd.s32 v17, v15;
	v12 =	vld [tilespmem:s0+$0x0];
	s0 =	sor.u32 s15, s16;
	[smem:s6] =	sst s17  }
0x2e7: {  	s13 =	sadd.s32 $0x20, s13;
	s14 =	sor.u32 s15, s14;
	v14 =	vadd.s32 v13, v14;
	v15 =	vadd.s32 v20, v15;
	v13 =	vld [tilespmem:s0+$0x0]  }
0x2e8: {  	v8 =	vadd.s32 v8, v14;
	v9 =	vadd.s32 v9, v15;
	v54 =	vld [tilespmem:s14+$0x0];
	s0 =	sor.u32 s15, s10  }
0x2e9: {  	v7 =	vadd.s32 v7, v8;
	v55 =	vadd.s32 v10, v9;
	v56 =	vld [tilespmem:s0+$0x0]  }
0x2ea: {  	v6 =	vadd.s32 v6, v7;
	v57 =	vadd.s32 v11, v55  }
0x2eb: {  	v5 =	vadd.s32 v5, v6;
	v58 =	vadd.s32 v12, v57  }
0x2ec: {  	v3 =	vadd.s32 v3, v5;
	v59 =	vadd.s32 v13, v58  }
0x2ed: {  	v3 =	vadd.s32 v4, v3;
	v60 =	vadd.s32 v54, v59  }
0x2ee: {  	vm0 =	vge.s32 v1, v2;
	v4 =	vadd.s32 v56, v60;
	(xrf0) =	vadd.scan.msk.s32 $0xffff, v3  }
0x2ef: {  	v0 =	vsel vm0, $0x0, v0;
	(xrf0) =	vadd.scan.msk.s32 $0xffff, v4  }
0x2f0: {  	(xrf0) =	vadd.scan.msk.s32 $0xffff, v0;
	_ =	sdelay $0x3  }
0x2f1: {  	v61, _, _ =	vpop (xrf0)  }
0x2f2: {  	(v2sf) =	vpush v61, $0xF;
	v62, _, _ =	vpop (xrf0)  }
0x2f3: {  	(v2sf) =	vpush v62, $0xF;
	v63, _, _ =	vpop (xrf0)  }
0x2f4: {  	(v2sf) =	vpush v63, $0xF;
	_ =	sdelay $0xa  }
0x2f5: {  	s26 =	sadd.s32 $0x20, s11  }
0x2f6: {  	[tilespmem:s26+$0xFFFFFFF0] =	vst v3  }
0x2f7: {  	s28 =	sadd.s32 $0x2, s6;
	[tilespmem:s26+$0x0] =	vst v4;
	s5 =	spop (v2sf)  }
0x2f8: {  	[smem:s28+$0xFFFFFFFF] =	sst s5;
	s29 =	spop (v2sf)  }
0x2f9: {  	[smem:s28] =	sst s29;
	s30 =	spop (v2sf)  }
0x2fa: {  	s31 =	sld [smem:$0x7F]  }
0x2fb: {  	s10 =	simm.s32 $0x7F;
	s11 =	simm.s32 $0x7E;
	p1 =	por $0x1, $0x1  }
0x2fc: {  	s13 =	simm.s32 $0x7E;
	s6 =	simm.s32 $0x0;
	s0 =	sadd.s32 s30, s9  }
0x2fd: {  	s14 =	simm.s32 $0x0;
	s5 =	ssub.s32 s8, s0;
	s12 =	sadd.s32 $0x0, s31  }
0x2fe: {  	s9 =	simm.s32 $0x0;
	s8 =	simm.s32 $0x0;
	p2 =	sge.s32 s12, s5  }
.LBB2_23:
0x2ff: {  	s0 =	sld [smem:s13+$0x0];
	p1 =	por !p1, !p2  }
0x300: {  	s15 =	smov.u32 s11;
	p0 =	sne.s32 s11, $0x0;
	s11 =	sadd.s32 $0xFFFFFFFF, s11  }
.Ltmp11:
0x301: {  	s16 =	simm.s32 $0x1;
	p1 =	por !p1, !p1;
	(pc) =	sbr.rel @p0 .LBB2_23-.Ltmp11, $4  }
0x302: {  	s8 =	smov.u32 @p1 s10;
	s16 =	simm.s32 @!p1 $0x0;
	s10 =	smov.u32 s15  }
0x303: {  	s6 =	smov.u32 @p1 s9;
	s9 =	smov.u32 s12;
	s14 =	sor.u32 s16, s14  }
0x304: {  	s12 =	sadd.s32 s12, s0  }
0x305: {  	s13 =	sadd.s32 $0xFFFFFFFF, s13;
	p1 =	seq.s32 s14, $0x0;
	p2 =	sge.s32 s12, s5  }
0x306: {  	p0 =	por !p1, !p2  }
0x307: {  	p0 =	por !p0, !p0  }
0x308: {  	s8 =	smov.u32 @p0 s10  }
0x309: {  	s0 =	sshll.u32 s8, $0x4  }
0x30a: {  	v0 =	vld [tilespmem:s0+$0x4000]  }
0x30b: {  	v1 =	vlaneseq.u32  }
0x30c: {  	v1 =	vmul.u32 $0xFFFFFFFF, v1;
	_ =	sdelay $0x1  }
0x30d: {  	v1 =	vadd.s32 $0xF, v1  }
0x30e: {  	v0 =	vperm.xlane v0, v1;
	_ =	sdelay $0x1  }
0x30f: {  	(xrf0) =	vadd.scan.msk.s32 $0xffff, v0;
	_ =	sdelay $0x5  }
0x310: {  	s6 =	smov.u32 @p0 s9;
	v0, _, _ =	vpop (xrf0)  }
0x311: {  	v0 =	vadd.s32 s6, v0  }
0x312: {  	vm0 =	vge.s32 v0, s5  }
0x313: {  	v0 =	vmpcnt.ones.xlane vm0;
	_ =	sdelay $0x1  }
0x314: {  	v0 =	vxor.u32 $0x80000000, v0  }
0x315: {  	(xrf0) =	vmax.scan.msk.u32 $0xffff, v0;
	_ =	sdelay $0x5  }
0x316: {  	v0, _, _ =	vpop (xrf0)  }
0x317: {  	(v2sf) =	vpush v0, $0xF;
	_ =	sdelay $0x7  }
0x318: {  	s29 =	simm.s32 $0x0  }
0x319: {  	v4 =	vld [tilespmem:s29+$0x0]  }
0x31a: {  	v6 =	vld [tilespmem:s29+$0x10]  }
0x31b: {  	v10 =	vld [tilespmem:s29+$0x20]  }
0x31c: {  	v2 =	vld [tilespmem:s29+$0x30];
	_ =	sdelay $0x1  }
0x31d: {  	v5 =	vimm.f32 $0.0e+00;
	v3 =	vimm.s32 $0x80000000  }
0x31e: {  	v11 =	vimm.f32 $0.0e+00;
	v12 =	vimm.s32 $0x0;
	vm2 =	vgt.s32 v4, $0xFFFFFFFF;
	s30 =	spop (v2sf)  }
0x31f: {  	vm3 =	vgt.s32 v6, $0xFFFFFFFF;
	v8 =	vsel vm2, $0xFFFFFFFF, v3;
	vm2 =	vgt.s32 v10, $0xFFFFFFFF;
	s0 =	sadd.s32 s30, s0  }
0x320: {  	s31 =	sshll.u32 s7, $0xA;
	v9 =	vsel vm2, $0xFFFFFFFF, v3;
	v15 =	vxor.u32 v4, v8;
	vm0 =	vgt.s32 v2, $0xFFFFFFFF;
	s0 =	sadd.s32 $0x7FFFFFFF, s0  }
0x321: {  	v8 =	vimm.f32 $0.0e+00;
	v14 =	vxor.u32 v10, v9;
	v7 =	vsel vm0, $0xFFFFFFFF, v3;
	s0 =	sor.u32 s31, s0  }
0x322: {  	v9 =	vimm.s32 $0x0;
	v7 =	vxor.u32 v2, v7;
	v1 =	vmov s0  }
0x323: {  	v0 =	vimm.s32 $0x0;
	vm1 =	vge.u32 v4, v1;
	vm0 =	vge.u32 v2, v1  }
0x324: {  	v4 =	vimm.s32 $0x0;
	v2 =	vnsel vm0, $0x0, v7;
	v7 =	vsel vm3, $0xFFFFFFFF, v3  }
0x325: {  	s6 =	simm.s32 $0x40;
	s5 =	simm.s32 $0x200;
	v2 =	vadd.f32 v2, v5;
	v13 =	vxor.u32 v6, v7;
	v7 =	vimm.s32 $0x0  }
.LBB2_25:
0x326: {  	p0 =	sne.s32 s5, $0xFF00;
	v16 =	vld [tilespmem:s6+$0x30];
	v15 =	vnsel vm1, $0x0, v15;
	vm2 =	vge.u32 v6, v1;
	vm3 =	vge.u32 v10, v1  }
0x327: {  	v18 =	vsel vm1, $0x1, v0;
	v17 =	vld [tilespmem:s6+$0x0];
	v13 =	vnsel vm2, $0x0, v13;
	v14 =	vnsel vm3, $0x0, v14  }
0x328: {  	v21 =	vsel vm0, $0x1, v0;
	v19 =	vsel vm2, $0x1, v0;
	v20 =	vsel vm3, $0x1, v0;
	v6 =	vld [tilespmem:s6+$0x10]  }
0x329: {  	v5 =	vadd.f32 v15, v5;
	v7 =	vadd.s32 v18, v7;
	v8 =	vadd.f32 v13, v8;
	v10 =	vld [tilespmem:s6+$0x20]  }
0x32a: {  	v9 =	vadd.s32 v19, v9;
	v11 =	vadd.f32 v14, v11;
	v12 =	vadd.s32 v20, v12  }
0x32b: {  	v4 =	vadd.s32 v21, v4;
	vm0 =	vgt.s32 v16, $0xFFFFFFFF  }
.Ltmp12:
0x32c: {  	vm2 =	vgt.s32 v17, $0xFFFFFFFF;
	vm1 =	vge.u32 v17, v1;
	v13 =	vsel vm0, $0xFFFFFFFF, v3;
	(pc) =	sbr.rel @p0 .LBB2_25-.Ltmp12, $4  }
0x32d: {  	vm0 =	vge.u32 v16, v1;
	vm3 =	vgt.s32 v6, $0xFFFFFFFF;
	v13 =	vxor.u32 v16, v13  }
0x32e: {  	v14 =	vsel vm2, $0xFFFFFFFF, v3;
	vm2 =	vgt.s32 v10, $0xFFFFFFFF;
	v13 =	vnsel vm0, $0x0, v13  }
0x32f: {  	v16 =	vsel vm3, $0xFFFFFFFF, v3;
	v18 =	vsel vm2, $0xFFFFFFFF, v3;
	v2 =	vadd.f32 v13, v2  }
0x330: {  	s6 =	sshra.s32 s5, $0x2;
	s5 =	sadd.s32 $0x100, s5;
	v15 =	vxor.u32 v17, v14;
	v13 =	vxor.u32 v6, v16;
	v14 =	vxor.u32 v10, v18  }
0x331: {  	v16 =	vld [tilespmem:s6+$0x30]  }
0x332: {  	v17 =	vld [tilespmem:s6+$0x0]  }
0x333: {  	v15 =	vnsel vm1, $0x0, v15;
	vm2 =	vge.u32 v6, v1;
	vm3 =	vge.u32 v10, v1;
	v54 =	vld [tilespmem:s6+$0x10]  }
0x334: {  	v55 =	vsel vm1, $0x1, v0;
	v18 =	vld [tilespmem:s6+$0x20];
	v21 =	vsel vm0, $0x1, v0;
	v13 =	vnsel vm2, $0x0, v13  }
0x335: {  	v14 =	vnsel vm3, $0x0, v14;
	v19 =	vsel vm2, $0x1, v0;
	v20 =	vsel vm3, $0x1, v0  }
0x336: {  	v5 =	vadd.f32 v15, v5;
	v7 =	vadd.s32 v55, v7;
	v4 =	vadd.s32 v21, v4  }
0x337: {  	v8 =	vadd.f32 v13, v8;
	v9 =	vadd.s32 v19, v9;
	v56 =	vadd.f32 v14, v11  }
0x338: {  	vm8 =	vgt.s32 v16, $0xFFFFFFFF;
	vm9 =	vgt.s32 v17, $0xFFFFFFFF;
	vm10 =	vge.u32 v17, v1  }
0x339: {  	vm11 =	vgt.s32 v54, $0xFFFFFFFF;
	vm12 =	vgt.s32 v18, $0xFFFFFFFF;
	vm13 =	vge.u32 v54, v1  }
0x33a: {  	vm14 =	vge.u32 v18, v1;
	v59 =	vsel vm9, $0xFFFFFFFF, v3;
	v60 =	vsel vm11, $0xFFFFFFFF, v3  }
0x33b: {  	v58 =	vsel vm8, $0xFFFFFFFF, v3;
	v13 =	vxor.u32 v17, v59;
	v14 =	vxor.u32 v54, v60  }
0x33c: {  	v61 =	vsel vm12, $0xFFFFFFFF, v3;
	v62 =	vnsel vm10, $0x0, v13;
	v63 =	vnsel vm13, $0x0, v14  }
0x33d: {  	v3 =	vxor.u32 v18, v61;
	v5 =	vadd.f32 v62, v5;
	v15 =	vadd.f32 v63, v8  }
0x33e: {  	v57 =	vadd.s32 v20, v12;
	vm15 =	vge.u32 v16, v1;
	v18 =	vnsel vm14, $0x0, v3  }
0x33f: {  	v17 =	vxor.u32 v16, v58;
	v1 =	vadd.f32 v18, v56;
	v5 =	vadd.f32 v15, v5  }
0x340: {  	v20 =	vsel vm10, $0x1, v0;
	v21 =	vsel vm13, $0x1, v0;
	v19 =	vnsel vm15, $0x0, v17  }
0x341: {  	v22 =	vsel vm14, $0x1, v0;
	v2 =	vadd.f32 v19, v2;
	v1 =	vadd.f32 v1, v5  }
0x342: {  	v23 =	vsel vm15, $0x1, v0;
	v24 =	vadd.s32 v21, v9;
	v3 =	vadd.s32 v20, v7  }
0x343: {  	v25 =	vadd.s32 v22, v57;
	v26 =	vadd.s32 v3, v24;
	v1 =	vadd.f32 v2, v1  }
0x344: {  	v0 =	vadd.s32 v23, v4;
	v2 =	vadd.s32 v25, v26  }
0x345: {  	s0 =	sshll.u32 s2, $0x4;
	s25 =	simm.s32 $0x0;
	v0 =	vadd.s32 v0, v2;
	[tilespmem:$0xC800] =	vst v1  }
0x346: {  	s7 =	simm.s32 $0xC800;
	s26 =	simm.s32 $0x1;
	s5 =	sadd.s32 s4, s0;
	[tilespmem:$0xC880] =	vst v0  }
0x347: {  	[hbm4b:s5+s25] =	stream.linear.scatter [tilespmem:s7], [sflag:$0x1], $0x80, $0x38;
	[tilespmem:$0xD900] =	vst v63  }
0x348: {  	_ =	swait.ge [sflag:s26], $0x80  }
0x349: {  	[sflag:s26] =	ssyncset.done $0x0  }
0x34a: {  	s28 =	simm.s32 $0xC880;
	s0 =	sadd.s32 s3, s0;
	[sflag:s26] =	ssyncadd.s32 $0xFFFFFF80  }
0x34b: {  	[hbm4b:s0+s25] =	stream.linear.scatter [tilespmem:s28], [sflag:$0x1], $0x80, $0x38;
	[tilespmem:$0xD900] =	vst v63  }
0x34c: {  	_ =	swait.ge [sflag:s26], $0x80  }
0x34d: {  	[sflag:s26] =	ssyncset.done $0x0  }
0x34e: {  	[sflag:s26] =	ssyncadd.s32 $0xFFFFFF80  }
0x34f: {  	s29 =	simm.s32 $0xC900;
	[bflag:$0x0] =	sbarrier.arrive $0xFFFF  }
0x350: {  	[tilespmem:s29], [sflag:$0x1] =	stream.linear.gather [hbm4b:s4+s25], $0x800, $0x38;
	[tilespmem:$0xD900] =	vst v63  }
0x351: {  	_ =	swait.ge [sflag:s26], $0x800  }
0x352: {  	[sflag:s26] =	ssyncset.done $0x0  }
0x353: {  	s30 =	simm.s32 $0xD100;
	[sflag:s26] =	ssyncadd.s32 $0xFFFFF800  }
0x354: {  	[tilespmem:s30], [sflag:$0x1] =	stream.linear.gather [hbm4b:s3+s25], $0x800, $0x38;
	[tilespmem:$0xD900] =	vst v63  }
0x355: {  	_ =	swait.ge [sflag:s26], $0x800  }
0x356: {  	[sflag:s26] =	ssyncset.done $0x0  }
0x357: {  	[sflag:s26] =	ssyncadd.s32 $0xFFFFF800  }
0x358: {  	v27 =	vld [tilespmem:$0xC900]  }
0x359: {  	v28 =	vld [tilespmem:$0xD100]  }
0x35a: {  	v29 =	vld [tilespmem:$0xC980]  }
0x35b: {  	v30 =	vld [tilespmem:$0xD180]  }
0x35c: {  	v31 =	vld [tilespmem:$0xCA00]  }
0x35d: {  	v32 =	vld [tilespmem:$0xD200]  }
0x35e: {  	v33 =	vld [tilespmem:$0xD280]  }
0x35f: {  	v34 =	vld [tilespmem:$0xD300]  }
0x360: {  	v35 =	vld [tilespmem:$0xD380]  }
0x361: {  	v36 =	vld [tilespmem:$0xD400];
	v1 =	vadd.s32 v28, v30  }
0x362: {  	v37 =	vld [tilespmem:$0xD480];
	v1 =	vadd.s32 v32, v1  }
0x363: {  	v38 =	vld [tilespmem:$0xD500];
	v1 =	vadd.s32 v33, v1  }
0x364: {  	v39 =	vld [tilespmem:$0xD580];
	v1 =	vadd.s32 v34, v1  }
0x365: {  	v40 =	vld [tilespmem:$0xD600];
	v1 =	vadd.s32 v35, v1  }
0x366: {  	v41 =	vld [tilespmem:$0xD680];
	v1 =	vadd.s32 v36, v1  }
0x367: {  	v42 =	vld [tilespmem:$0xD700];
	v1 =	vadd.s32 v37, v1  }
0x368: {  	v43 =	vld [tilespmem:$0xD780];
	v1 =	vadd.s32 v38, v1  }
0x369: {  	v44 =	vld [tilespmem:$0xD800];
	v1 =	vadd.s32 v39, v1  }
0x36a: {  	v45 =	vld [tilespmem:$0xD880];
	v1 =	vadd.s32 v40, v1  }
0x36b: {  	v0 =	vadd.f32 $0.0e+00, v27;
	v1 =	vadd.s32 v41, v1  }
0x36c: {  	v46 =	vld [tilespmem:$0xCA80];
	v1 =	vadd.s32 v42, v1  }
0x36d: {  	v0 =	vadd.f32 v29, v0;
	v1 =	vadd.s32 v43, v1  }
0x36e: {  	v47 =	vld [tilespmem:$0xCB00];
	v1 =	vadd.s32 v44, v1  }
0x36f: {  	v0 =	vadd.f32 v31, v0;
	v1 =	vadd.s32 v45, v1  }
0x370: {  	v48 =	vld [tilespmem:$0xCB80];
	(xrf0) =	vadd.scan.msk.s32 $0xffff, v1  }
0x371: {  	v0 =	vadd.f32 v46, v0  }
0x372: {  	v49 =	vld [tilespmem:$0xCC00]  }
0x373: {  	v0 =	vadd.f32 v47, v0  }
0x374: {  	v50 =	vld [tilespmem:$0xCC80]  }
0x375: {  	v0 =	vadd.f32 v48, v0  }
0x376: {  	v51 =	vld [tilespmem:$0xCD00];
	v52, _, _ =	vpop (xrf0)  }
0x377: {  	v0 =	vadd.f32 v49, v0;
	(v2sf) =	vpush v52, $0xF  }
0x378: {  	v53 =	vld [tilespmem:$0xCD80]  }
0x379: {  	v0 =	vadd.f32 v50, v0  }
0x37a: {  	v54 =	vld [tilespmem:$0xCE00]  }
0x37b: {  	v0 =	vadd.f32 v51, v0  }
0x37c: {  	v55 =	vld [tilespmem:$0xCE80]  }
0x37d: {  	v0 =	vadd.f32 v53, v0  }
0x37e: {  	v56 =	vld [tilespmem:$0xCF00]  }
0x37f: {  	v0 =	vadd.f32 v54, v0  }
0x380: {  	v57 =	vld [tilespmem:$0xCF80]  }
0x381: {  	v0 =	vadd.f32 v55, v0  }
0x382: {  	v58 =	vld [tilespmem:$0xD000]  }
0x383: {  	v0 =	vadd.f32 v56, v0  }
0x384: {  	v59 =	vld [tilespmem:$0xD080]  }
0x385: {  	v0 =	vadd.f32 v57, v0  }
0x386: {  	s31 =	spop (v2sf)  }
0x387: {  	v0 =	vadd.f32 v58, v0;
	s0 =	scvt.s32.f32 s31;
	_ =	sdelay $0x1  }
0x388: {  	v0 =	vadd.f32 v59, v0;
	v60 =	vmov s0  }
0x389: {  	v1 =	vadd.f32 $1.000000010e-07, v60  }
0x38a: {  	(xrf2) =	vadd.scan.msk.f32 $0xffff, v0  }
0x38b: {  	v61 =	vbroadcast v1, $0x0;
	_ =	sdelay $0x1  }
0x38c: {  	(erf) = vrcp.f32 v61;
	_ =	sdelay $0x6  }
0x38d: {  	v62, _, _ =	vpop (xrf2)  }
0x38e: {  	v0 =	vbroadcast v62, $0xF  }
0x38f: {  	v63 =	vpop (erf)  }
0x390: {  	v0 =	vmul.f32 v63, v0;
	_ =	sdelay $0x1  }
0x391: {  	p0 =	sne.s32 s2, $0x0;
	[tilespmem:$0xC800] =	vst v0  }
0x392: {  	_ =	sfence.sel @p0 $0x180000  }
0x393: {  	[bflag:$0x0] =	sbarrier.arrive @p0 $0xFFFF  }
0x394: {  	_ =	strace @p0 $0x90000047  }
0x395: {  	s2 =	simm.s32 @!p0 $0xC800;
	s0 =	simm.s32 @!p0 $0x0;
	[bflag:$0x2] =	sbarrier.arrive @p0 $0xFFFF  }
0x396: {  	[hbm4b:s1+s0] =	stream.linear.scatter @!p0 [tilespmem:s2], [sflag:$0x1], $0x80, $0x38;
	[tilespmem:$0xD900] =	vst v63  }
0x397: {  	s0 =	simm.s32 @!p0 $0x1  }
0x398: {  	_ =	swait.ge @!p0 [sflag:s0], $0x80  }
0x399: {  	[sflag:s0] =	ssyncset.done @!p0 $0x0  }
0x39a: {  	[sflag:s0] =	ssyncadd.s32 @!p0 $0xFFFFFF80  }
0x39b: {  	_ =	sfence.sel @!p0 $0x180000  }
0x39c: {  	[bflag:$0x0] =	sbarrier.arrive @!p0 $0xFFFF  }
0x39d: {  	_ =	strace @!p0 $0x90000047  }
0x39e: {  	[bflag:$0x2] =	sbarrier.arrive @!p0 $0xFFFF  }
0x39f: {  	s0 =	rddreg [dreg:$0x2]  }
0x3a0: {  	s0 =	sadd.s32 @!p0 $0x100000, s0  }
0x3a1: {  	[sflag:s0] =	ssyncadd.tile.s32 @!p0 $0x1;
	_ =	shalt  }
.Lfunc_end2:
_tile_overlayer_lowered:
.L_overlay_start_2:
0x3a2: {  	(tag) =	ssettag $0x2  }
0x3a3: {  	s0 =	rddreg [dreg:$0x0];
	s2 =	stileid.u32  }
0x3a4: {  	s1 =	rddreg [dreg:$0x1];
	p0 =	sne.s32 s2, $0x0  }
0x3a5: {  	s3 =	rddreg [dreg:$0x2];
	[bflag:$0x3] =	sbarrier.arrive $0xFFFF;
	s2 =	simm.s32 @!p0 $0x1C01  }
0x3a6: {  	[timem:s3], [sflag:s2] =	dma.local @!p0 [hbm:s0], s1  }
0x3a7: {  	s0 =	simm.s32 @!p0 $0x1  }
0x3a8: {  	_ =	swait.ge @!p0 [sflag:s0], s1  }
0x3a9: {  	s1 =	ssub.s32 @!p0 $0x0, s1;
	[sflag:s0] =	ssyncset.done @!p0 $0x0  }
0x3aa: {  	[sflag:s0] =	ssyncadd.s32 @!p0 s1  }
0x3ab: {  	[bflag:$0x3] =	sbarrier.arrive $0xFFFF  }
0x3ac: {  	_ =	shalt  }

</sc_bundles>
